<compile_context>
chip_gen: v7x
topology: tpu7x:2x2x1
jax: 0.10.2.dev20260603
libtpu: 0.0.44.dev20260713+nightly
codegen_flags: <defaults>
</compile_context>

<pallas_src>
import functools

import jax
import jax.numpy as jnp
from jax import lax
from jax.experimental import pallas as pl
from jax.experimental.pallas import tpu as pltpu
from jax.experimental.pallas import tpu_sc as plsc

_N = 10000
_E = 320000
_D = 128

_NC = 2
_NS = 16
_NW = _NC * _NS
_EPW = _E // _NW
_CH = 80
_NCHUNK = _EPW // _CH
_K = 5
_RPT = _N // _NS

_R = 2000
_GRID = _N // _R

_mesh = plsc.VectorSubcoreMesh(core_axis_name="c", subcore_axis_name="s")



_DW = 8


@functools.partial(
    pl.kernel,
    out_type=jax.ShapeDtypeStruct((_NC, _N, _D), jnp.float32),
    mesh=_mesh,
    scratch_types=[
        pltpu.VMEM((_NCHUNK, _CH), jnp.int32),
        pltpu.VMEM((_CH, _DW), jnp.float32),
        pltpu.VMEM_SHARED((_N, _DW), jnp.float32),
        pltpu.SemaphoreType.DMA,
    ],
    compiler_params=pltpu.CompilerParams(use_tc_tiling_on_sc=False),
)
def _deg_kernel(ei_hbm, ones_hbm, out_hbm, dstbuf, onesbuf, acc, ssem):
    c = lax.axis_index("c")
    s = lax.axis_index("s")
    w = s * _NC + c
    cp0 = pltpu.async_copy(ei_hbm.at[1].at[w], dstbuf, ssem)
    cp1 = pltpu.async_copy(ones_hbm.at[pl.ds(0, _CH)], onesbuf, ssem)
    cp2 = pltpu.async_copy(ones_hbm.at[pl.ds(s * _RPT, _RPT)],
                           acc.at[pl.ds(s * _RPT, _RPT)], ssem)
    cp0.wait()
    cp1.wait()
    cp2.wait()
    plsc.subcore_barrier()

    def body(g, carry):
        base = g * 5
        copies = [
            pltpu.async_copy(onesbuf, acc.at[dstbuf.at[base + k]], ssem,
                             add=True)
            for k in range(5)
        ]
        for cp in copies:
            cp.wait()
        return carry

    lax.fori_loop(0, _NCHUNK // 5, body, 0)
    plsc.subcore_barrier()
    pltpu.sync_copy(acc.at[pl.ds(s * _RPT, _RPT)],
                    out_hbm.at[c].at[pl.ds(s * _RPT, _RPT), pl.ds(0, _DW)])


@functools.partial(
    pl.kernel,
    out_type=jax.ShapeDtypeStruct((_NC, _N, _D), jnp.bfloat16),
    mesh=_mesh,
    scratch_types=[
        pltpu.VMEM((_NCHUNK, _CH), jnp.int32),
        pltpu.VMEM((_NCHUNK, _CH), jnp.int32),
        pltpu.VMEM((_K, _CH, _D), jnp.bfloat16),
        pltpu.VMEM_SHARED((_N, _D), jnp.bfloat16),
        [pltpu.SemaphoreType.DMA] * _K,
    ],
    compiler_params=pltpu.CompilerParams(use_tc_tiling_on_sc=False),
)
def _agg_kernel(h_hbm, ei_hbm, out_hbm, srcbuf, dstbuf, rows, acc,
                gsems):
    c = lax.axis_index("c")
    s = lax.axis_index("s")
    w = s * _NC + c
    cp0 = pltpu.async_copy(ei_hbm.at[0].at[w], srcbuf, gsems[0])
    cp1 = pltpu.async_copy(ei_hbm.at[1].at[w], dstbuf, gsems[1])
    cp2 = pltpu.async_copy(h_hbm.at[pl.ds(s * _RPT, _RPT)],
                           acc.at[pl.ds(s * _RPT, _RPT)], gsems[2])
    cp0.wait()
    cp1.wait()
    cp2.wait()
    plsc.subcore_barrier()

    def fire_g(chunk, b):
        pltpu.async_copy(h_hbm.at[srcbuf.at[chunk]], rows.at[b], gsems[b])

    def wait_g(b):
        pltpu.make_async_copy(h_hbm.at[srcbuf.at[0]], rows.at[b],
                              gsems[b]).wait()

    fire_g(0, 0)
    fire_g(1, 1)
    fire_g(2, 2)
    fire_g(3, 3)

    def group(g, carry):
        base = g * _K
        for b in range(_K):
            j = base + b
            fire_g(j + 4, (b + 4) % _K)
            wait_g(b)
            pltpu.sync_copy(rows.at[b], acc.at[dstbuf.at[j]], add=True)
        return carry

    _NG = (_NCHUNK - 4) // _K
    lax.fori_loop(0, _NG, group, 0)
    for j in range(_NG * _K, _NCHUNK):
        b = j % _K
        if j + 4 < _NCHUNK:
            fire_g(j + 4, (j + 4) % _K)
        wait_g(b)
        pltpu.sync_copy(rows.at[b], acc.at[dstbuf.at[j]], add=True)
    plsc.subcore_barrier()
    pltpu.sync_copy(acc.at[pl.ds(s * _RPT, _RPT)],
                    out_hbm.at[c].at[pl.ds(s * _RPT, _RPT)])



def _mm_body(x_ref, w1_ref, u_ref):
    u_ref[...] = jnp.dot(x_ref[...], w1_ref[...],
                         preferred_element_type=jnp.float32)


def _scale_body(degp_ref, u_ref, h1_ref, dinv_ref):
    deg = degp_ref[0, :, 0:1] + degp_ref[1, :, 0:1] - 1.0
    dinv = lax.rsqrt(deg)
    h1_ref[...] = (u_ref[...] * dinv).astype(jnp.bfloat16)
    dinv_ref[...] = dinv


def _l2_body(p_ref, h1_ref, dinv_ref, b1_ref, w2_ref, h2_ref):
    agg = (p_ref[0].astype(jnp.float32) + p_ref[1].astype(jnp.float32)
           - h1_ref[...].astype(jnp.float32))
    t = jnp.maximum(agg * dinv_ref[...] + b1_ref[...], 0.0)
    h2 = jnp.dot(t, w2_ref[...], preferred_element_type=jnp.float32)
    h2_ref[...] = (h2 * dinv_ref[...]).astype(jnp.bfloat16)


def _out_body(p_ref, h2_ref, dinv_ref, b2_ref, o_ref):
    agg = (p_ref[0].astype(jnp.float32) + p_ref[1].astype(jnp.float32)
           - h2_ref[...].astype(jnp.float32))
    o = agg * dinv_ref[...] + b2_ref[...]
    m = jnp.max(o, axis=1, keepdims=True)
    lse = jnp.log(jnp.sum(jnp.exp(o - m), axis=1, keepdims=True))
    o_ref[...] = o - m - lse


def _row_spec(cols):
    return pl.BlockSpec((_R, cols), lambda i: (i, 0))


def _full_spec(shape):
    return pl.BlockSpec(shape, lambda i: tuple(0 for _ in shape))


def kernel(x, edge_index, W1, b1, W2, b2):
    ei4 = edge_index.reshape(2, _NW, _NCHUNK, _CH)
    ones8 = jnp.ones((_N, _DW), jnp.float32)

    deg_parts = _deg_kernel(ei4, ones8)

    u = pl.pallas_call(
        _mm_body,
        grid=(_GRID,),
        in_specs=[_row_spec(_D), _full_spec((_D, _D))],
        out_specs=_row_spec(_D),
        out_shape=jax.ShapeDtypeStruct((_N, _D), jnp.float32),
    )(x, W1)

    h1, dinv = pl.pallas_call(
        _scale_body,
        grid=(_GRID,),
        in_specs=[pl.BlockSpec((_NC, _R, _D), lambda i: (0, i, 0)),
                  _row_spec(_D)],
        out_specs=[_row_spec(_D), _row_spec(1)],
        out_shape=[
            jax.ShapeDtypeStruct((_N, _D), jnp.bfloat16),
            jax.ShapeDtypeStruct((_N, 1), jnp.float32),
        ],
    )(deg_parts, u)

    p1 = _agg_kernel(h1, ei4)

    h2 = pl.pallas_call(
        _l2_body,
        grid=(_GRID,),
        in_specs=[
            pl.BlockSpec((_NC, _R, _D), lambda i: (0, i, 0)),
            _row_spec(_D), _row_spec(1), _full_spec((1, _D)),
            _full_spec((_D, _D)),
        ],
        out_specs=_row_spec(_D),
        out_shape=jax.ShapeDtypeStruct((_N, _D), jnp.bfloat16),
    )(p1, h1, dinv, b1.reshape(1, _D), W2)

    p2 = _agg_kernel(h2, ei4)

    out = pl.pallas_call(
        _out_body,
        grid=(_GRID,),
        in_specs=[
            pl.BlockSpec((_NC, _R, _D), lambda i: (0, i, 0)),
            _row_spec(_D), _row_spec(1), _full_spec((1, _D)),
        ],
        out_specs=_row_spec(_D),
        out_shape=jax.ShapeDtypeStruct((_N, _D), jnp.float32),
    )(p2, h2, dinv, b2.reshape(1, _D))

    return out

# --- scband reference (transcript-rebuilt; emitter-appended) ---
"""Pipeline reference for scband-gcn-10582799417382 (READ-ONLY COPY).

The authoritative reference and input builder live on the scoring server;
editing this copy changes nothing except your own understanding.
"""

import jax, jax.numpy as jnp
import numpy as np

N = 10000
E = 320000
D_IN = 128
D_H = 128
D_OUT = 128


def setup_inputs(seed: int = 0) -> dict:
    key = jax.random.key(seed)
    k1, k2, k3, k4 = jax.random.split(key, 4)
    x = jax.random.normal(k1, (N, D_IN), dtype=jnp.float32)
    edge_index = jax.random.randint(k2, (2, E), 0, N, dtype=jnp.int32)
    s1 = 1.0 / np.sqrt(D_IN)
    s2 = 1.0 / np.sqrt(D_H)
    W1 = jax.random.uniform(k3, (D_IN, D_H), minval=-s1, maxval=s1, dtype=jnp.float32)
    b1 = jnp.zeros((D_H,), dtype=jnp.float32)
    W2 = jax.random.uniform(k4, (D_H, D_OUT), minval=-s2, maxval=s2, dtype=jnp.float32)
    b2 = jnp.zeros((D_OUT,), dtype=jnp.float32)
    return {"x": x, "edge_index": edge_index, "W1": W1, "b1": b1, "W2": W2, "b2": b2}


def _gcn_conv(x, src, dst, norm, W, b, n):
    # PyG GCNConv: out = D^{-1/2} (A + I) D^{-1/2} X W + b
    h = x @ W
    msg = h[src] * norm[:, None]
    out = jnp.zeros((n, h.shape[1]), dtype=h.dtype).at[dst].add(msg)
    return out + b


def _norm_and_loops(edge_index, n):
    loop = jnp.arange(n, dtype=edge_index.dtype)
    src = jnp.concatenate([edge_index[0], loop])
    dst = jnp.concatenate([edge_index[1], loop])
    deg = jnp.zeros((n,), dtype=jnp.float32).at[dst].add(1.0)
    dinv = jnp.where(deg > 0, deg ** -0.5, 0.0)
    norm = dinv[src] * dinv[dst]
    return src, dst, norm


def reference(x, edge_index, W1, b1, W2, b2):
    n = x.shape[0]
    src, dst, norm = _norm_and_loops(edge_index, n)
    h = _gcn_conv(x, src, dst, norm, W1, b1, n)
    h = jax.nn.relu(h)
    out = _gcn_conv(h, src, dst, norm, W2, b2, n)
    return jax.nn.log_softmax(out, axis=1)

if __name__ == "__main__":
    import jax
    _d = setup_inputs()
    print(jax.jit(kernel)(*tuple(_d.values())))

</pallas_src>

<mosaic_0001>
#map = affine_map<(d0, d1) -> (0, 0)>
#map1 = affine_map<(d0, d1) -> (0, 0, 0, 0)>
#map2 = affine_map<(d0, d1) -> (0, 0, 0)>
module attributes {stable_mosaic.version = 14 : i64} {
  func.func @_agg_kernel(%arg0: i32, %arg1: i32, %arg2: memref<10000x128xbf16, #tpu.memory_space<hbm>>, %arg3: memref<2x32x125x80xi32, #tpu.memory_space<hbm>>, %arg4: memref<2x10000x128xbf16, #tpu.memory_space<hbm>>, %arg5: memref<125x80xi32, #tpu.memory_space<vmem>>, %arg6: memref<125x80xi32, #tpu.memory_space<vmem>>, %arg7: memref<5x80x128xbf16, #tpu.memory_space<vmem>>, %arg8: memref<10000x128xbf16, #tpu.memory_space<vmem_shared>>, %arg9: memref<!tpu.dma_semaphore, #tpu.memory_space<semaphore_mem>>, %arg10: memref<!tpu.dma_semaphore, #tpu.memory_space<semaphore_mem>>, %arg11: memref<!tpu.dma_semaphore, #tpu.memory_space<semaphore_mem>>, %arg12: memref<!tpu.dma_semaphore, #tpu.memory_space<semaphore_mem>>, %arg13: memref<!tpu.dma_semaphore, #tpu.memory_space<semaphore_mem>>) attributes {dimension_semantics = [#tpu.dimension_semantics<core_parallel>, #tpu.dimension_semantics<subcore_parallel>], iteration_bounds = array<i64: 2, 16>, scalar_prefetch = 0 : i64, scratch_operands = 9 : i64, tpu.core_type = #tpu.core_type<sc_vector_subcore>, window_params = [{transform_indices = #map}, {transform_indices = #map1}, {transform_indices = #map2}]} {
    %mul3A = arith.constant 2 : i32
    %mul3A_0 = arith.muli %arg1, %mul3A : i32
    %add3A = arith.addi %mul3A_0, %arg0 : i32
    %dma_start3A = arith.constant 0 : i32
    %dma_start3A_1 = arith.constant 0 : i32
    %dma_start3A_2 = arith.constant 0 : i32
    %dma_start3A_3 = arith.constant 0 : i32
    %dma_start3A_4 = tpu.memref_slice %arg3[%dma_start3A, %dma_start3A_1, %dma_start3A_2, %dma_start3A_3] : memref<2x32x125x80xi32, #tpu.memory_space<hbm>> -> memref<1x32x125x80xi32, #tpu.memory_space<hbm>>
    %dma_start3A_5 = tpu.memref_squeeze %dma_start3A_4 : memref<1x32x125x80xi32, #tpu.memory_space<hbm>> -> memref<32x125x80xi32, #tpu.memory_space<hbm>>
    %dma_start3A_6 = arith.constant 0 : i32
    %dma_start3A_7 = arith.constant 0 : i32
    %dma_start3A_8 = tpu.memref_slice %dma_start3A_5[%add3A, %dma_start3A_6, %dma_start3A_7] : memref<32x125x80xi32, #tpu.memory_space<hbm>> -> memref<1x125x80xi32, #tpu.memory_space<hbm>>
    %dma_start3A_9 = tpu.memref_squeeze %dma_start3A_8 : memref<1x125x80xi32, #tpu.memory_space<hbm>> -> memref<125x80xi32, #tpu.memory_space<hbm>>
    %dma_start3A_10 = arith.constant 0 : i32
    %dma_start3A_11 = arith.constant 0 : i32
    %dma_start3A_12 = arith.constant 0 : i32
    %dma_start3A_13 = tpu.memref_slice %arg3[%dma_start3A, %dma_start3A_10, %dma_start3A_11, %dma_start3A_12] : memref<2x32x125x80xi32, #tpu.memory_space<hbm>> -> memref<1x32x125x80xi32, #tpu.memory_space<hbm>>
    %dma_start3A_14 = tpu.memref_squeeze %dma_start3A_13 : memref<1x32x125x80xi32, #tpu.memory_space<hbm>> -> memref<32x125x80xi32, #tpu.memory_space<hbm>>
    %dma_start3A_15 = arith.constant 0 : i32
    %dma_start3A_16 = arith.constant 0 : i32
    %dma_start3A_17 = tpu.memref_slice %dma_start3A_14[%add3A, %dma_start3A_15, %dma_start3A_16] : memref<32x125x80xi32, #tpu.memory_space<hbm>> -> memref<1x125x80xi32, #tpu.memory_space<hbm>>
    %dma_start3A_18 = tpu.memref_squeeze %dma_start3A_17 : memref<1x125x80xi32, #tpu.memory_space<hbm>> -> memref<125x80xi32, #tpu.memory_space<hbm>>
    tpu.enqueue_dma source(%dma_start3A_18 : memref<125x80xi32, #tpu.memory_space<hbm>>) target(%arg5 : memref<125x80xi32, #tpu.memory_space<vmem>>) target_semaphore(%arg9 : memref<!tpu.dma_semaphore, #tpu.memory_space<semaphore_mem>>)
    %dma_start3A_19 = arith.constant 1 : i32
    %dma_start3A_20 = arith.constant 0 : i32
    %dma_start3A_21 = arith.constant 0 : i32
    %dma_start3A_22 = arith.constant 0 : i32
    %dma_start3A_23 = tpu.memref_slice %arg3[%dma_start3A_19, %dma_start3A_20, %dma_start3A_21, %dma_start3A_22] : memref<2x32x125x80xi32, #tpu.memory_space<hbm>> -> memref<1x32x125x80xi32, #tpu.memory_space<hbm>>
    %dma_start3A_24 = tpu.memref_squeeze %dma_start3A_23 : memref<1x32x125x80xi32, #tpu.memory_space<hbm>> -> memref<32x125x80xi32, #tpu.memory_space<hbm>>
    %dma_start3A_25 = arith.constant 0 : i32
    %dma_start3A_26 = arith.constant 0 : i32
    %dma_start3A_27 = tpu.memref_slice %dma_start3A_24[%add3A, %dma_start3A_25, %dma_start3A_26] : memref<32x125x80xi32, #tpu.memory_space<hbm>> -> memref<1x125x80xi32, #tpu.memory_space<hbm>>
    %dma_start3A_28 = tpu.memref_squeeze %dma_start3A_27 : memref<1x125x80xi32, #tpu.memory_space<hbm>> -> memref<125x80xi32, #tpu.memory_space<hbm>>
    %dma_start3A_29 = arith.constant 0 : i32
    %dma_start3A_30 = arith.constant 0 : i32
    %dma_start3A_31 = arith.constant 0 : i32
    %dma_start3A_32 = tpu.memref_slice %arg3[%dma_start3A_19, %dma_start3A_29, %dma_start3A_30, %dma_start3A_31] : memref<2x32x125x80xi32, #tpu.memory_space<hbm>> -> memref<1x32x125x80xi32, #tpu.memory_space<hbm>>
    %dma_start3A_33 = tpu.memref_squeeze %dma_start3A_32 : memref<1x32x125x80xi32, #tpu.memory_space<hbm>> -> memref<32x125x80xi32, #tpu.memory_space<hbm>>
    %dma_start3A_34 = arith.constant 0 : i32
    %dma_start3A_35 = arith.constant 0 : i32
    %dma_start3A_36 = tpu.memref_slice %dma_start3A_33[%add3A, %dma_start3A_34, %dma_start3A_35] : memref<32x125x80xi32, #tpu.memory_space<hbm>> -> memref<1x125x80xi32, #tpu.memory_space<hbm>>
    %dma_start3A_37 = tpu.memref_squeeze %dma_start3A_36 : memref<1x125x80xi32, #tpu.memory_space<hbm>> -> memref<125x80xi32, #tpu.memory_space<hbm>>
    tpu.enqueue_dma source(%dma_start3A_37 : memref<125x80xi32, #tpu.memory_space<hbm>>) target(%arg6 : memref<125x80xi32, #tpu.memory_space<vmem>>) target_semaphore(%arg10 : memref<!tpu.dma_semaphore, #tpu.memory_space<semaphore_mem>>)
    %mul3A_38 = arith.constant 625 : i32
    %mul3A_39 = arith.muli %arg1, %mul3A_38 : i32
    %mul3A_40 = arith.constant 625 : i32
    %mul3A_41 = arith.muli %arg1, %mul3A_40 : i32
    %dma_start3A_42 = arith.constant 0 : i32
    %dma_start3A_43 = tpu.memref_slice %arg8[%mul3A_41, %dma_start3A_42] : memref<10000x128xbf16, #tpu.memory_space<vmem_shared>> -> memref<625x128xbf16, #tpu.memory_space<vmem_shared>>
    %dma_start3A_44 = arith.constant 0 : i32
    %dma_start3A_45 = tpu.memref_slice %arg2[%mul3A_39, %dma_start3A_44] : memref<10000x128xbf16, #tpu.memory_space<hbm>> -> memref<625x128xbf16, #tpu.memory_space<hbm>>
    tpu.enqueue_dma source(%dma_start3A_45 : memref<625x128xbf16, #tpu.memory_space<hbm>>) target(%dma_start3A_43 : memref<625x128xbf16, #tpu.memory_space<vmem_shared>>) target_semaphore(%arg11 : memref<!tpu.dma_semaphore, #tpu.memory_space<semaphore_mem>>)
    %dma_wait3A = arith.constant 0 : i32
    %dma_wait3A_46 = arith.constant 0 : i32
    %dma_wait3A_47 = arith.constant 0 : i32
    %dma_wait3A_48 = arith.constant 0 : i32
    %dma_wait3A_49 = tpu.memref_slice %arg3[%dma_wait3A, %dma_wait3A_46, %dma_wait3A_47, %dma_wait3A_48] : memref<2x32x125x80xi32, #tpu.memory_space<hbm>> -> memref<1x32x125x80xi32, #tpu.memory_space<hbm>>
    %dma_wait3A_50 = tpu.memref_squeeze %dma_wait3A_49 : memref<1x32x125x80xi32, #tpu.memory_space<hbm>> -> memref<32x125x80xi32, #tpu.memory_space<hbm>>
    %dma_wait3A_51 = arith.constant 0 : i32
    %dma_wait3A_52 = arith.constant 0 : i32
    %dma_wait3A_53 = tpu.memref_slice %dma_wait3A_50[%add3A, %dma_wait3A_51, %dma_wait3A_52] : memref<32x125x80xi32, #tpu.memory_space<hbm>> -> memref<1x125x80xi32, #tpu.memory_space<hbm>>
    %dma_wait3A_54 = tpu.memref_squeeze %dma_wait3A_53 : memref<1x125x80xi32, #tpu.memory_space<hbm>> -> memref<125x80xi32, #tpu.memory_space<hbm>>
    %dma_wait3A_55 = arith.constant 0 : i32
    %dma_wait3A_56 = arith.constant 0 : i32
    %dma_wait3A_57 = arith.constant 0 : i32
    %dma_wait3A_58 = tpu.memref_slice %arg3[%dma_wait3A, %dma_wait3A_55, %dma_wait3A_56, %dma_wait3A_57] : memref<2x32x125x80xi32, #tpu.memory_space<hbm>> -> memref<1x32x125x80xi32, #tpu.memory_space<hbm>>
    %dma_wait3A_59 = tpu.memref_squeeze %dma_wait3A_58 : memref<1x32x125x80xi32, #tpu.memory_space<hbm>> -> memref<32x125x80xi32, #tpu.memory_space<hbm>>
    %dma_wait3A_60 = arith.constant 0 : i32
    %dma_wait3A_61 = arith.constant 0 : i32
    %dma_wait3A_62 = tpu.memref_slice %dma_wait3A_59[%add3A, %dma_wait3A_60, %dma_wait3A_61] : memref<32x125x80xi32, #tpu.memory_space<hbm>> -> memref<1x125x80xi32, #tpu.memory_space<hbm>>
    %dma_wait3A_63 = tpu.memref_squeeze %dma_wait3A_62 : memref<1x125x80xi32, #tpu.memory_space<hbm>> -> memref<125x80xi32, #tpu.memory_space<hbm>>
    tpu.wait_dma2 semaphore(%arg9 : memref<!tpu.dma_semaphore, #tpu.memory_space<semaphore_mem>>) src(%dma_wait3A_63 : memref<125x80xi32, #tpu.memory_space<hbm>>) dst(%arg5 : memref<125x80xi32, #tpu.memory_space<vmem>>)
    %dma_wait3A_64 = arith.constant 1 : i32
    %dma_wait3A_65 = arith.constant 0 : i32
    %dma_wait3A_66 = arith.constant 0 : i32
    %dma_wait3A_67 = arith.constant 0 : i32
    %dma_wait3A_68 = tpu.memref_slice %arg3[%dma_wait3A_64, %dma_wait3A_65, %dma_wait3A_66, %dma_wait3A_67] : memref<2x32x125x80xi32, #tpu.memory_space<hbm>> -> memref<1x32x125x80xi32, #tpu.memory_space<hbm>>
    %dma_wait3A_69 = tpu.memref_squeeze %dma_wait3A_68 : memref<1x32x125x80xi32, #tpu.memory_space<hbm>> -> memref<32x125x80xi32, #tpu.memory_space<hbm>>
    %dma_wait3A_70 = arith.constant 0 : i32
    %dma_wait3A_71 = arith.constant 0 : i32
    %dma_wait3A_72 = tpu.memref_slice %dma_wait3A_69[%add3A, %dma_wait3A_70, %dma_wait3A_71] : memref<32x125x80xi32, #tpu.memory_space<hbm>> -> memref<1x125x80xi32, #tpu.memory_space<hbm>>
    %dma_wait3A_73 = tpu.memref_squeeze %dma_wait3A_72 : memref<1x125x80xi32, #tpu.memory_space<hbm>> -> memref<125x80xi32, #tpu.memory_space<hbm>>
    %dma_wait3A_74 = arith.constant 0 : i32
    %dma_wait3A_75 = arith.constant 0 : i32
    %dma_wait3A_76 = arith.constant 0 : i32
    %dma_wait3A_77 = tpu.memref_slice %arg3[%dma_wait3A_64, %dma_wait3A_74, %dma_wait3A_75, %dma_wait3A_76] : memref<2x32x125x80xi32, #tpu.memory_space<hbm>> -> memref<1x32x125x80xi32, #tpu.memory_space<hbm>>
    %dma_wait3A_78 = tpu.memref_squeeze %dma_wait3A_77 : memref<1x32x125x80xi32, #tpu.memory_space<hbm>> -> memref<32x125x80xi32, #tpu.memory_space<hbm>>
    %dma_wait3A_79 = arith.constant 0 : i32
    %dma_wait3A_80 = arith.constant 0 : i32
    %dma_wait3A_81 = tpu.memref_slice %dma_wait3A_78[%add3A, %dma_wait3A_79, %dma_wait3A_80] : memref<32x125x80xi32, #tpu.memory_space<hbm>> -> memref<1x125x80xi32, #tpu.memory_space<hbm>>
    %dma_wait3A_82 = tpu.memref_squeeze %dma_wait3A_81 : memref<1x125x80xi32, #tpu.memory_space<hbm>> -> memref<125x80xi32, #tpu.memory_space<hbm>>
    tpu.wait_dma2 semaphore(%arg10 : memref<!tpu.dma_semaphore, #tpu.memory_space<semaphore_mem>>) src(%dma_wait3A_82 : memref<125x80xi32, #tpu.memory_space<hbm>>) dst(%arg6 : memref<125x80xi32, #tpu.memory_space<vmem>>)
    %dma_wait3A_83 = arith.constant 0 : i32
    %dma_wait3A_84 = tpu.memref_slice %arg8[%mul3A_41, %dma_wait3A_83] : memref<10000x128xbf16, #tpu.memory_space<vmem_shared>> -> memref<625x128xbf16, #tpu.memory_space<vmem_shared>>
    %dma_wait3A_85 = arith.constant 0 : i32
    %dma_wait3A_86 = tpu.memref_slice %arg2[%mul3A_39, %dma_wait3A_85] : memref<10000x128xbf16, #tpu.memory_space<hbm>> -> memref<625x128xbf16, #tpu.memory_space<hbm>>
    tpu.wait_dma2 semaphore(%arg11 : memref<!tpu.dma_semaphore, #tpu.memory_space<semaphore_mem>>) src(%dma_wait3A_86 : memref<625x128xbf16, #tpu.memory_space<hbm>>) dst(%dma_wait3A_84 : memref<625x128xbf16, #tpu.memory_space<vmem_shared>>)
    %barrier3A = arith.constant 0 : index
    tpu.barrier barrier_id(%barrier3A)
    %dma_start3A_87 = arith.constant 0 : i32
    %dma_start3A_88 = arith.constant 0 : i32
    %dma_start3A_89 = arith.constant 0 : i32
    %dma_start3A_90 = arith.constant 0 : i32
    %dma_start3A_91 = tpu.memref_slice %arg7[%dma_start3A_88, %dma_start3A_89, %dma_start3A_90] : memref<5x80x128xbf16, #tpu.memory_space<vmem>> -> memref<1x80x128xbf16, #tpu.memory_space<vmem>>
    %dma_start3A_92 = tpu.memref_squeeze %dma_start3A_91 : memref<1x80x128xbf16, #tpu.memory_space<vmem>> -> memref<80x128xbf16, #tpu.memory_space<vmem>>
    %dma_start3A_93 = arith.constant 0 : i32
    %dma_start3A_94 = tpu.memref_slice %arg5[%dma_start3A_87, %dma_start3A_93] : memref<125x80xi32, #tpu.memory_space<vmem>> -> memref<1x80xi32, #tpu.memory_space<vmem>>
    %dma_start3A_95 = tpu.memref_squeeze %dma_start3A_94 : memref<1x80xi32, #tpu.memory_space<vmem>> -> memref<80xi32, #tpu.memory_space<vmem>>
    %dma_start3A_96 = arith.constant 0 : i32
    %dma_start3A_97 = arith.constant 0 : i32
    %dma_start3A_98 = tpu.memref_slice %arg2[%dma_start3A_96, %dma_start3A_97] : memref<10000x128xbf16, #tpu.memory_space<hbm>> -> memref<10000x128xbf16, #tpu.memory_space<hbm>>
    tpu.enqueue_indirect_dma source(%dma_start3A_98 : memref<10000x128xbf16, #tpu.memory_space<hbm>>) target(%dma_start3A_92 : memref<80x128xbf16, #tpu.memory_space<vmem>>) offsets(%dma_start3A_95 : memref<80xi32, #tpu.memory_space<vmem>>) semaphore(%arg9 : memref<!tpu.dma_semaphore, #tpu.memory_space<semaphore_mem>>)
    %dma_start3A_99 = arith.constant 1 : i32
    %dma_start3A_100 = arith.constant 1 : i32
    %dma_start3A_101 = arith.constant 0 : i32
    %dma_start3A_102 = arith.constant 0 : i32
    %dma_start3A_103 = tpu.memref_slice %arg7[%dma_start3A_100, %dma_start3A_101, %dma_start3A_102] : memref<5x80x128xbf16, #tpu.memory_space<vmem>> -> memref<1x80x128xbf16, #tpu.memory_space<vmem>>
    %dma_start3A_104 = tpu.memref_squeeze %dma_start3A_103 : memref<1x80x128xbf16, #tpu.memory_space<vmem>> -> memref<80x128xbf16, #tpu.memory_space<vmem>>
    %dma_start3A_105 = arith.constant 0 : i32
    %dma_start3A_106 = tpu.memref_slice %arg5[%dma_start3A_99, %dma_start3A_105] : memref<125x80xi32, #tpu.memory_space<vmem>> -> memref<1x80xi32, #tpu.memory_space<vmem>>
    %dma_start3A_107 = tpu.memref_squeeze %dma_start3A_106 : memref<1x80xi32, #tpu.memory_space<vmem>> -> memref<80xi32, #tpu.memory_space<vmem>>
    %dma_start3A_108 = arith.constant 0 : i32
    %dma_start3A_109 = arith.constant 0 : i32
    %dma_start3A_110 = tpu.memref_slice %arg2[%dma_start3A_108, %dma_start3A_109] : memref<10000x128xbf16, #tpu.memory_space<hbm>> -> memref<10000x128xbf16, #tpu.memory_space<hbm>>
    tpu.enqueue_indirect_dma source(%dma_start3A_110 : memref<10000x128xbf16, #tpu.memory_space<hbm>>) target(%dma_start3A_104 : memref<80x128xbf16, #tpu.memory_space<vmem>>) offsets(%dma_start3A_107 : memref<80xi32, #tpu.memory_space<vmem>>) semaphore(%arg10 : memref<!tpu.dma_semaphore, #tpu.memory_space<semaphore_mem>>)
    %dma_start3A_111 = arith.constant 2 : i32
    %dma_start3A_112 = arith.constant 2 : i32
    %dma_start3A_113 = arith.constant 0 : i32
    %dma_start3A_114 = arith.constant 0 : i32
    %dma_start3A_115 = tpu.memref_slice %arg7[%dma_start3A_112, %dma_start3A_113, %dma_start3A_114] : memref<5x80x128xbf16, #tpu.memory_space<vmem>> -> memref<1x80x128xbf16, #tpu.memory_space<vmem>>
    %dma_start3A_116 = tpu.memref_squeeze %dma_start3A_115 : memref<1x80x128xbf16, #tpu.memory_space<vmem>> -> memref<80x128xbf16, #tpu.memory_space<vmem>>
    %dma_start3A_117 = arith.constant 0 : i32
    %dma_start3A_118 = tpu.memref_slice %arg5[%dma_start3A_111, %dma_start3A_117] : memref<125x80xi32, #tpu.memory_space<vmem>> -> memref<1x80xi32, #tpu.memory_space<vmem>>
    %dma_start3A_119 = tpu.memref_squeeze %dma_start3A_118 : memref<1x80xi32, #tpu.memory_space<vmem>> -> memref<80xi32, #tpu.memory_space<vmem>>
    %dma_start3A_120 = arith.constant 0 : i32
    %dma_start3A_121 = arith.constant 0 : i32
    %dma_start3A_122 = tpu.memref_slice %arg2[%dma_start3A_120, %dma_start3A_121] : memref<10000x128xbf16, #tpu.memory_space<hbm>> -> memref<10000x128xbf16, #tpu.memory_space<hbm>>
    tpu.enqueue_indirect_dma source(%dma_start3A_122 : memref<10000x128xbf16, #tpu.memory_space<hbm>>) target(%dma_start3A_116 : memref<80x128xbf16, #tpu.memory_space<vmem>>) offsets(%dma_start3A_119 : memref<80xi32, #tpu.memory_space<vmem>>) semaphore(%arg11 : memref<!tpu.dma_semaphore, #tpu.memory_space<semaphore_mem>>)
    %dma_start3A_123 = arith.constant 3 : i32
    %dma_start3A_124 = arith.constant 3 : i32
    %dma_start3A_125 = arith.constant 0 : i32
    %dma_start3A_126 = arith.constant 0 : i32
    %dma_start3A_127 = tpu.memref_slice %arg7[%dma_start3A_124, %dma_start3A_125, %dma_start3A_126] : memref<5x80x128xbf16, #tpu.memory_space<vmem>> -> memref<1x80x128xbf16, #tpu.memory_space<vmem>>
    %dma_start3A_128 = tpu.memref_squeeze %dma_start3A_127 : memref<1x80x128xbf16, #tpu.memory_space<vmem>> -> memref<80x128xbf16, #tpu.memory_space<vmem>>
    %dma_start3A_129 = arith.constant 0 : i32
    %dma_start3A_130 = tpu.memref_slice %arg5[%dma_start3A_123, %dma_start3A_129] : memref<125x80xi32, #tpu.memory_space<vmem>> -> memref<1x80xi32, #tpu.memory_space<vmem>>
    %dma_start3A_131 = tpu.memref_squeeze %dma_start3A_130 : memref<1x80xi32, #tpu.memory_space<vmem>> -> memref<80xi32, #tpu.memory_space<vmem>>
    %dma_start3A_132 = arith.constant 0 : i32
    %dma_start3A_133 = arith.constant 0 : i32
    %dma_start3A_134 = tpu.memref_slice %arg2[%dma_start3A_132, %dma_start3A_133] : memref<10000x128xbf16, #tpu.memory_space<hbm>> -> memref<10000x128xbf16, #tpu.memory_space<hbm>>
    tpu.enqueue_indirect_dma source(%dma_start3A_134 : memref<10000x128xbf16, #tpu.memory_space<hbm>>) target(%dma_start3A_128 : memref<80x128xbf16, #tpu.memory_space<vmem>>) offsets(%dma_start3A_131 : memref<80xi32, #tpu.memory_space<vmem>>) semaphore(%arg12 : memref<!tpu.dma_semaphore, #tpu.memory_space<semaphore_mem>>)
    %scan3A = arith.constant 0 : i32
    %scan3A_135 = arith.constant 0 : i32
    %scan3A_136 = arith.constant 24 : i32
    %scan3A_137 = arith.addi %scan3A_135, %scan3A_136 : i32
    %scan3A_138 = arith.constant 1 : i32
    scf.for %scan3A_226 = %scan3A_135 to %scan3A_137 step %scan3A_138  : i32 {
      %mul3A_227 = arith.constant 5 : i32
      %mul3A_228 = arith.muli %scan3A_226, %mul3A_227 : i32
      %add3A_229 = arith.constant 0 : i32
      %add3A_230 = arith.addi %mul3A_228, %add3A_229 : i32
      %add3A_231 = arith.constant 4 : i32
      %add3A_232 = arith.addi %add3A_230, %add3A_231 : i32
      %dma_start3A_233 = arith.constant 4 : i32
      %dma_start3A_234 = arith.constant 0 : i32
      %dma_start3A_235 = arith.constant 0 : i32
      %dma_start3A_236 = tpu.memref_slice %arg7[%dma_start3A_233, %dma_start3A_234, %dma_start3A_235] : memref<5x80x128xbf16, #tpu.memory_space<vmem>> -> memref<1x80x128xbf16, #tpu.memory_space<vmem>>
      %dma_start3A_237 = tpu.memref_squeeze %dma_start3A_236 : memref<1x80x128xbf16, #tpu.memory_space<vmem>> -> memref<80x128xbf16, #tpu.memory_space<vmem>>
      %dma_start3A_238 = arith.constant 0 : i32
      %dma_start3A_239 = tpu.memref_slice %arg5[%add3A_232, %dma_start3A_238] : memref<125x80xi32, #tpu.memory_space<vmem>> -> memref<1x80xi32, #tpu.memory_space<vmem>>
      %dma_start3A_240 = tpu.memref_squeeze %dma_start3A_239 : memref<1x80xi32, #tpu.memory_space<vmem>> -> memref<80xi32, #tpu.memory_space<vmem>>
      %dma_start3A_241 = arith.constant 0 : i32
      %dma_start3A_242 = arith.constant 0 : i32
      %dma_start3A_243 = tpu.memref_slice %arg2[%dma_start3A_241, %dma_start3A_242] : memref<10000x128xbf16, #tpu.memory_space<hbm>> -> memref<10000x128xbf16, #tpu.memory_space<hbm>>
      tpu.enqueue_indirect_dma source(%dma_start3A_243 : memref<10000x128xbf16, #tpu.memory_space<hbm>>) target(%dma_start3A_237 : memref<80x128xbf16, #tpu.memory_space<vmem>>) offsets(%dma_start3A_240 : memref<80xi32, #tpu.memory_space<vmem>>) semaphore(%arg13 : memref<!tpu.dma_semaphore, #tpu.memory_space<semaphore_mem>>)
      %dma_wait3A_244 = arith.constant 0 : i32
      %dma_wait3A_245 = arith.constant 0 : i32
      %dma_wait3A_246 = arith.constant 0 : i32
      %dma_wait3A_247 = arith.constant 0 : i32
      %dma_wait3A_248 = tpu.memref_slice %arg7[%dma_wait3A_245, %dma_wait3A_246, %dma_wait3A_247] : memref<5x80x128xbf16, #tpu.memory_space<vmem>> -> memref<1x80x128xbf16, #tpu.memory_space<vmem>>
      %dma_wait3A_249 = tpu.memref_squeeze %dma_wait3A_248 : memref<1x80x128xbf16, #tpu.memory_space<vmem>> -> memref<80x128xbf16, #tpu.memory_space<vmem>>
      %dma_wait3A_250 = arith.constant 0 : i32
      %dma_wait3A_251 = tpu.memref_slice %arg5[%dma_wait3A_244, %dma_wait3A_250] : memref<125x80xi32, #tpu.memory_space<vmem>> -> memref<1x80xi32, #tpu.memory_space<vmem>>
      %dma_wait3A_252 = tpu.memref_squeeze %dma_wait3A_251 : memref<1x80xi32, #tpu.memory_space<vmem>> -> memref<80xi32, #tpu.memory_space<vmem>>
      %dma_wait3A_253 = arith.constant 0 : i32
      %dma_wait3A_254 = arith.constant 0 : i32
      %dma_wait3A_255 = tpu.memref_slice %arg2[%dma_wait3A_253, %dma_wait3A_254] : memref<10000x128xbf16, #tpu.memory_space<hbm>> -> memref<10000x128xbf16, #tpu.memory_space<hbm>>
      tpu.wait_indirect_dma semaphore(%arg9 : memref<!tpu.dma_semaphore, #tpu.memory_space<semaphore_mem>>) src(%dma_wait3A_255 : memref<10000x128xbf16, #tpu.memory_space<hbm>>) dst(%dma_wait3A_249 : memref<80x128xbf16, #tpu.memory_space<vmem>>)
      %run_scoped3A_256 = arith.constant 0 : i32
      "tpu.region"() ({
        %run_scoped3A_369 = tpu.sem_alloc : memref<!tpu.dma_semaphore, #tpu.memory_space<semaphore_mem>>
        %dma_start3A_370 = arith.constant 0 : i32
        %dma_start3A_371 = arith.constant 0 : i32
        %dma_start3A_372 = tpu.memref_slice %arg7[%run_scoped3A_256, %dma_start3A_370, %dma_start3A_371] : memref<5x80x128xbf16, #tpu.memory_space<vmem>> -> memref<1x80x128xbf16, #tpu.memory_space<vmem>>
        %dma_start3A_373 = tpu.memref_squeeze %dma_start3A_372 : memref<1x80x128xbf16, #tpu.memory_space<vmem>> -> memref<80x128xbf16, #tpu.memory_space<vmem>>
        %dma_start3A_374 = arith.constant 0 : i32
        %dma_start3A_375 = tpu.memref_slice %arg6[%add3A_230, %dma_start3A_374] : memref<125x80xi32, #tpu.memory_space<vmem>> -> memref<1x80xi32, #tpu.memory_space<vmem>>
        %dma_start3A_376 = tpu.memref_squeeze %dma_start3A_375 : memref<1x80xi32, #tpu.memory_space<vmem>> -> memref<80xi32, #tpu.memory_space<vmem>>
        %dma_start3A_377 = arith.constant 0 : i32
        %dma_start3A_378 = arith.constant 0 : i32
        %dma_start3A_379 = tpu.memref_slice %arg8[%dma_start3A_377, %dma_start3A_378] : memref<10000x128xbf16, #tpu.memory_space<vmem_shared>> -> memref<10000x128xbf16, #tpu.memory_space<vmem_shared>>
        tpu.enqueue_indirect_dma source(%dma_start3A_373 : memref<80x128xbf16, #tpu.memory_space<vmem>>) target(%dma_start3A_379 : memref<10000x128xbf16, #tpu.memory_space<vmem_shared>>) offsets(%dma_start3A_376 : memref<80xi32, #tpu.memory_space<vmem>>) semaphore(%run_scoped3A_369 : memref<!tpu.dma_semaphore, #tpu.memory_space<semaphore_mem>>) {add = true}
        %dma_wait3A_380 = arith.constant 0 : i32
        %dma_wait3A_381 = arith.constant 0 : i32
        %dma_wait3A_382 = tpu.memref_slice %arg7[%run_scoped3A_256, %dma_wait3A_380, %dma_wait3A_381] : memref<5x80x128xbf16, #tpu.memory_space<vmem>> -> memref<1x80x128xbf16, #tpu.memory_space<vmem>>
        %dma_wait3A_383 = tpu.memref_squeeze %dma_wait3A_382 : memref<1x80x128xbf16, #tpu.memory_space<vmem>> -> memref<80x128xbf16, #tpu.memory_space<vmem>>
        %dma_wait3A_384 = arith.constant 0 : i32
        %dma_wait3A_385 = tpu.memref_slice %arg6[%add3A_230, %dma_wait3A_384] : memref<125x80xi32, #tpu.memory_space<vmem>> -> memref<1x80xi32, #tpu.memory_space<vmem>>
        %dma_wait3A_386 = tpu.memref_squeeze %dma_wait3A_385 : memref<1x80xi32, #tpu.memory_space<vmem>> -> memref<80xi32, #tpu.memory_space<vmem>>
        %dma_wait3A_387 = arith.constant 0 : i32
        %dma_wait3A_388 = arith.constant 0 : i32
        %dma_wait3A_389 = tpu.memref_slice %arg8[%dma_wait3A_387, %dma_wait3A_388] : memref<10000x128xbf16, #tpu.memory_space<vmem_shared>> -> memref<10000x128xbf16, #tpu.memory_space<vmem_shared>>
        tpu.wait_indirect_dma semaphore(%run_scoped3A_369 : memref<!tpu.dma_semaphore, #tpu.memory_space<semaphore_mem>>) src(%dma_wait3A_383 : memref<80x128xbf16, #tpu.memory_space<vmem>>) dst(%dma_wait3A_389 : memref<10000x128xbf16, #tpu.memory_space<vmem_shared>>)
        tpu.yield
      }) : () -> ()
      %add3A_257 = arith.constant 1 : i32
      %add3A_258 = arith.addi %mul3A_228, %add3A_257 : i32
      %add3A_259 = arith.constant 4 : i32
      %add3A_260 = arith.addi %add3A_258, %add3A_259 : i32
      %dma_start3A_261 = arith.constant 0 : i32
      %dma_start3A_262 = arith.constant 0 : i32
      %dma_start3A_263 = arith.constant 0 : i32
      %dma_start3A_264 = tpu.memref_slice %arg7[%dma_start3A_261, %dma_start3A_262, %dma_start3A_263] : memref<5x80x128xbf16, #tpu.memory_space<vmem>> -> memref<1x80x128xbf16, #tpu.memory_space<vmem>>
      %dma_start3A_265 = tpu.memref_squeeze %dma_start3A_264 : memref<1x80x128xbf16, #tpu.memory_space<vmem>> -> memref<80x128xbf16, #tpu.memory_space<vmem>>
      %dma_start3A_266 = arith.constant 0 : i32
      %dma_start3A_267 = tpu.memref_slice %arg5[%add3A_260, %dma_start3A_266] : memref<125x80xi32, #tpu.memory_space<vmem>> -> memref<1x80xi32, #tpu.memory_space<vmem>>
      %dma_start3A_268 = tpu.memref_squeeze %dma_start3A_267 : memref<1x80xi32, #tpu.memory_space<vmem>> -> memref<80xi32, #tpu.memory_space<vmem>>
      %dma_start3A_269 = arith.constant 0 : i32
      %dma_start3A_270 = arith.constant 0 : i32
      %dma_start3A_271 = tpu.memref_slice %arg2[%dma_start3A_269, %dma_start3A_270] : memref<10000x128xbf16, #tpu.memory_space<hbm>> -> memref<10000x128xbf16, #tpu.memory_space<hbm>>
      tpu.enqueue_indirect_dma source(%dma_start3A_271 : memref<10000x128xbf16, #tpu.memory_space<hbm>>) target(%dma_start3A_265 : memref<80x128xbf16, #tpu.memory_space<vmem>>) offsets(%dma_start3A_268 : memref<80xi32, #tpu.memory_space<vmem>>) semaphore(%arg9 : memref<!tpu.dma_semaphore, #tpu.memory_space<semaphore_mem>>)
      %dma_wait3A_272 = arith.constant 0 : i32
      %dma_wait3A_273 = arith.constant 1 : i32
      %dma_wait3A_274 = arith.constant 0 : i32
      %dma_wait3A_275 = arith.constant 0 : i32
      %dma_wait3A_276 = tpu.memref_slice %arg7[%dma_wait3A_273, %dma_wait3A_274, %dma_wait3A_275] : memref<5x80x128xbf16, #tpu.memory_space<vmem>> -> memref<1x80x128xbf16, #tpu.memory_space<vmem>>
      %dma_wait3A_277 = tpu.memref_squeeze %dma_wait3A_276 : memref<1x80x128xbf16, #tpu.memory_space<vmem>> -> memref<80x128xbf16, #tpu.memory_space<vmem>>
      %dma_wait3A_278 = arith.constant 0 : i32
      %dma_wait3A_279 = tpu.memref_slice %arg5[%dma_wait3A_272, %dma_wait3A_278] : memref<125x80xi32, #tpu.memory_space<vmem>> -> memref<1x80xi32, #tpu.memory_space<vmem>>
      %dma_wait3A_280 = tpu.memref_squeeze %dma_wait3A_279 : memref<1x80xi32, #tpu.memory_space<vmem>> -> memref<80xi32, #tpu.memory_space<vmem>>
      %dma_wait3A_281 = arith.constant 0 : i32
      %dma_wait3A_282 = arith.constant 0 : i32
      %dma_wait3A_283 = tpu.memref_slice %arg2[%dma_wait3A_281, %dma_wait3A_282] : memref<10000x128xbf16, #tpu.memory_space<hbm>> -> memref<10000x128xbf16, #tpu.memory_space<hbm>>
      tpu.wait_indirect_dma semaphore(%arg10 : memref<!tpu.dma_semaphore, #tpu.memory_space<semaphore_mem>>) src(%dma_wait3A_283 : memref<10000x128xbf16, #tpu.memory_space<hbm>>) dst(%dma_wait3A_277 : memref<80x128xbf16, #tpu.memory_space<vmem>>)
      %run_scoped3A_284 = arith.constant 1 : i32
      "tpu.region"() ({
        %run_scoped3A_369 = tpu.sem_alloc : memref<!tpu.dma_semaphore, #tpu.memory_space<semaphore_mem>>
        %dma_start3A_370 = arith.constant 0 : i32
        %dma_start3A_371 = arith.constant 0 : i32
        %dma_start3A_372 = tpu.memref_slice %arg7[%run_scoped3A_284, %dma_start3A_370, %dma_start3A_371] : memref<5x80x128xbf16, #tpu.memory_space<vmem>> -> memref<1x80x128xbf16, #tpu.memory_space<vmem>>
        %dma_start3A_373 = tpu.memref_squeeze %dma_start3A_372 : memref<1x80x128xbf16, #tpu.memory_space<vmem>> -> memref<80x128xbf16, #tpu.memory_space<vmem>>
        %dma_start3A_374 = arith.constant 0 : i32
        %dma_start3A_375 = tpu.memref_slice %arg6[%add3A_258, %dma_start3A_374] : memref<125x80xi32, #tpu.memory_space<vmem>> -> memref<1x80xi32, #tpu.memory_space<vmem>>
        %dma_start3A_376 = tpu.memref_squeeze %dma_start3A_375 : memref<1x80xi32, #tpu.memory_space<vmem>> -> memref<80xi32, #tpu.memory_space<vmem>>
        %dma_start3A_377 = arith.constant 0 : i32
        %dma_start3A_378 = arith.constant 0 : i32
        %dma_start3A_379 = tpu.memref_slice %arg8[%dma_start3A_377, %dma_start3A_378] : memref<10000x128xbf16, #tpu.memory_space<vmem_shared>> -> memref<10000x128xbf16, #tpu.memory_space<vmem_shared>>
        tpu.enqueue_indirect_dma source(%dma_start3A_373 : memref<80x128xbf16, #tpu.memory_space<vmem>>) target(%dma_start3A_379 : memref<10000x128xbf16, #tpu.memory_space<vmem_shared>>) offsets(%dma_start3A_376 : memref<80xi32, #tpu.memory_space<vmem>>) semaphore(%run_scoped3A_369 : memref<!tpu.dma_semaphore, #tpu.memory_space<semaphore_mem>>) {add = true}
        %dma_wait3A_380 = arith.constant 0 : i32
        %dma_wait3A_381 = arith.constant 0 : i32
        %dma_wait3A_382 = tpu.memref_slice %arg7[%run_scoped3A_284, %dma_wait3A_380, %dma_wait3A_381] : memref<5x80x128xbf16, #tpu.memory_space<vmem>> -> memref<1x80x128xbf16, #tpu.memory_space<vmem>>
        %dma_wait3A_383 = tpu.memref_squeeze %dma_wait3A_382 : memref<1x80x128xbf16, #tpu.memory_space<vmem>> -> memref<80x128xbf16, #tpu.memory_space<vmem>>
        %dma_wait3A_384 = arith.constant 0 : i32
        %dma_wait3A_385 = tpu.memref_slice %arg6[%add3A_258, %dma_wait3A_384] : memref<125x80xi32, #tpu.memory_space<vmem>> -> memref<1x80xi32, #tpu.memory_space<vmem>>
        %dma_wait3A_386 = tpu.memref_squeeze %dma_wait3A_385 : memref<1x80xi32, #tpu.memory_space<vmem>> -> memref<80xi32, #tpu.memory_space<vmem>>
        %dma_wait3A_387 = arith.constant 0 : i32
        %dma_wait3A_388 = arith.constant 0 : i32
        %dma_wait3A_389 = tpu.memref_slice %arg8[%dma_wait3A_387, %dma_wait3A_388] : memref<10000x128xbf16, #tpu.memory_space<vmem_shared>> -> memref<10000x128xbf16, #tpu.memory_space<vmem_shared>>
        tpu.wait_indirect_dma semaphore(%run_scoped3A_369 : memref<!tpu.dma_semaphore, #tpu.memory_space<semaphore_mem>>) src(%dma_wait3A_383 : memref<80x128xbf16, #tpu.memory_space<vmem>>) dst(%dma_wait3A_389 : memref<10000x128xbf16, #tpu.memory_space<vmem_shared>>)
        tpu.yield
      }) : () -> ()
      %add3A_285 = arith.constant 2 : i32
      %add3A_286 = arith.addi %mul3A_228, %add3A_285 : i32
      %add3A_287 = arith.constant 4 : i32
      %add3A_288 = arith.addi %add3A_286, %add3A_287 : i32
      %dma_start3A_289 = arith.constant 1 : i32
      %dma_start3A_290 = arith.constant 0 : i32
      %dma_start3A_291 = arith.constant 0 : i32
      %dma_start3A_292 = tpu.memref_slice %arg7[%dma_start3A_289, %dma_start3A_290, %dma_start3A_291] : memref<5x80x128xbf16, #tpu.memory_space<vmem>> -> memref<1x80x128xbf16, #tpu.memory_space<vmem>>
      %dma_start3A_293 = tpu.memref_squeeze %dma_start3A_292 : memref<1x80x128xbf16, #tpu.memory_space<vmem>> -> memref<80x128xbf16, #tpu.memory_space<vmem>>
      %dma_start3A_294 = arith.constant 0 : i32
      %dma_start3A_295 = tpu.memref_slice %arg5[%add3A_288, %dma_start3A_294] : memref<125x80xi32, #tpu.memory_space<vmem>> -> memref<1x80xi32, #tpu.memory_space<vmem>>
      %dma_start3A_296 = tpu.memref_squeeze %dma_start3A_295 : memref<1x80xi32, #tpu.memory_space<vmem>> -> memref<80xi32, #tpu.memory_space<vmem>>
      %dma_start3A_297 = arith.constant 0 : i32
      %dma_start3A_298 = arith.constant 0 : i32
      %dma_start3A_299 = tpu.memref_slice %arg2[%dma_start3A_297, %dma_start3A_298] : memref<10000x128xbf16, #tpu.memory_space<hbm>> -> memref<10000x128xbf16, #tpu.memory_space<hbm>>
      tpu.enqueue_indirect_dma source(%dma_start3A_299 : memref<10000x128xbf16, #tpu.memory_space<hbm>>) target(%dma_start3A_293 : memref<80x128xbf16, #tpu.memory_space<vmem>>) offsets(%dma_start3A_296 : memref<80xi32, #tpu.memory_space<vmem>>) semaphore(%arg10 : memref<!tpu.dma_semaphore, #tpu.memory_space<semaphore_mem>>)
      %dma_wait3A_300 = arith.constant 0 : i32
      %dma_wait3A_301 = arith.constant 2 : i32
      %dma_wait3A_302 = arith.constant 0 : i32
      %dma_wait3A_303 = arith.constant 0 : i32
      %dma_wait3A_304 = tpu.memref_slice %arg7[%dma_wait3A_301, %dma_wait3A_302, %dma_wait3A_303] : memref<5x80x128xbf16, #tpu.memory_space<vmem>> -> memref<1x80x128xbf16, #tpu.memory_space<vmem>>
      %dma_wait3A_305 = tpu.memref_squeeze %dma_wait3A_304 : memref<1x80x128xbf16, #tpu.memory_space<vmem>> -> memref<80x128xbf16, #tpu.memory_space<vmem>>
      %dma_wait3A_306 = arith.constant 0 : i32
      %dma_wait3A_307 = tpu.memref_slice %arg5[%dma_wait3A_300, %dma_wait3A_306] : memref<125x80xi32, #tpu.memory_space<vmem>> -> memref<1x80xi32, #tpu.memory_space<vmem>>
      %dma_wait3A_308 = tpu.memref_squeeze %dma_wait3A_307 : memref<1x80xi32, #tpu.memory_space<vmem>> -> memref<80xi32, #tpu.memory_space<vmem>>
      %dma_wait3A_309 = arith.constant 0 : i32
      %dma_wait3A_310 = arith.constant 0 : i32
      %dma_wait3A_311 = tpu.memref_slice %arg2[%dma_wait3A_309, %dma_wait3A_310] : memref<10000x128xbf16, #tpu.memory_space<hbm>> -> memref<10000x128xbf16, #tpu.memory_space<hbm>>
      tpu.wait_indirect_dma semaphore(%arg11 : memref<!tpu.dma_semaphore, #tpu.memory_space<semaphore_mem>>) src(%dma_wait3A_311 : memref<10000x128xbf16, #tpu.memory_space<hbm>>) dst(%dma_wait3A_305 : memref<80x128xbf16, #tpu.memory_space<vmem>>)
      %run_scoped3A_312 = arith.constant 2 : i32
      "tpu.region"() ({
        %run_scoped3A_369 = tpu.sem_alloc : memref<!tpu.dma_semaphore, #tpu.memory_space<semaphore_mem>>
        %dma_start3A_370 = arith.constant 0 : i32
        %dma_start3A_371 = arith.constant 0 : i32
        %dma_start3A_372 = tpu.memref_slice %arg7[%run_scoped3A_312, %dma_start3A_370, %dma_start3A_371] : memref<5x80x128xbf16, #tpu.memory_space<vmem>> -> memref<1x80x128xbf16, #tpu.memory_space<vmem>>
        %dma_start3A_373 = tpu.memref_squeeze %dma_start3A_372 : memref<1x80x128xbf16, #tpu.memory_space<vmem>> -> memref<80x128xbf16, #tpu.memory_space<vmem>>
        %dma_start3A_374 = arith.constant 0 : i32
        %dma_start3A_375 = tpu.memref_slice %arg6[%add3A_286, %dma_start3A_374] : memref<125x80xi32, #tpu.memory_space<vmem>> -> memref<1x80xi32, #tpu.memory_space<vmem>>
        %dma_start3A_376 = tpu.memref_squeeze %dma_start3A_375 : memref<1x80xi32, #tpu.memory_space<vmem>> -> memref<80xi32, #tpu.memory_space<vmem>>
        %dma_start3A_377 = arith.constant 0 : i32
        %dma_start3A_378 = arith.constant 0 : i32
        %dma_start3A_379 = tpu.memref_slice %arg8[%dma_start3A_377, %dma_start3A_378] : memref<10000x128xbf16, #tpu.memory_space<vmem_shared>> -> memref<10000x128xbf16, #tpu.memory_space<vmem_shared>>
        tpu.enqueue_indirect_dma source(%dma_start3A_373 : memref<80x128xbf16, #tpu.memory_space<vmem>>) target(%dma_start3A_379 : memref<10000x128xbf16, #tpu.memory_space<vmem_shared>>) offsets(%dma_start3A_376 : memref<80xi32, #tpu.memory_space<vmem>>) semaphore(%run_scoped3A_369 : memref<!tpu.dma_semaphore, #tpu.memory_space<semaphore_mem>>) {add = true}
        %dma_wait3A_380 = arith.constant 0 : i32
        %dma_wait3A_381 = arith.constant 0 : i32
        %dma_wait3A_382 = tpu.memref_slice %arg7[%run_scoped3A_312, %dma_wait3A_380, %dma_wait3A_381] : memref<5x80x128xbf16, #tpu.memory_space<vmem>> -> memref<1x80x128xbf16, #tpu.memory_space<vmem>>
        %dma_wait3A_383 = tpu.memref_squeeze %dma_wait3A_382 : memref<1x80x128xbf16, #tpu.memory_space<vmem>> -> memref<80x128xbf16, #tpu.memory_space<vmem>>
        %dma_wait3A_384 = arith.constant 0 : i32
        %dma_wait3A_385 = tpu.memref_slice %arg6[%add3A_286, %dma_wait3A_384] : memref<125x80xi32, #tpu.memory_space<vmem>> -> memref<1x80xi32, #tpu.memory_space<vmem>>
        %dma_wait3A_386 = tpu.memref_squeeze %dma_wait3A_385 : memref<1x80xi32, #tpu.memory_space<vmem>> -> memref<80xi32, #tpu.memory_space<vmem>>
        %dma_wait3A_387 = arith.constant 0 : i32
        %dma_wait3A_388 = arith.constant 0 : i32
        %dma_wait3A_389 = tpu.memref_slice %arg8[%dma_wait3A_387, %dma_wait3A_388] : memref<10000x128xbf16, #tpu.memory_space<vmem_shared>> -> memref<10000x128xbf16, #tpu.memory_space<vmem_shared>>
        tpu.wait_indirect_dma semaphore(%run_scoped3A_369 : memref<!tpu.dma_semaphore, #tpu.memory_space<semaphore_mem>>) src(%dma_wait3A_383 : memref<80x128xbf16, #tpu.memory_space<vmem>>) dst(%dma_wait3A_389 : memref<10000x128xbf16, #tpu.memory_space<vmem_shared>>)
        tpu.yield
      }) : () -> ()
      %add3A_313 = arith.constant 3 : i32
      %add3A_314 = arith.addi %mul3A_228, %add3A_313 : i32
      %add3A_315 = arith.constant 4 : i32
      %add3A_316 = arith.addi %add3A_314, %add3A_315 : i32
      %dma_start3A_317 = arith.constant 2 : i32
      %dma_start3A_318 = arith.constant 0 : i32
      %dma_start3A_319 = arith.constant 0 : i32
      %dma_start3A_320 = tpu.memref_slice %arg7[%dma_start3A_317, %dma_start3A_318, %dma_start3A_319] : memref<5x80x128xbf16, #tpu.memory_space<vmem>> -> memref<1x80x128xbf16, #tpu.memory_space<vmem>>
      %dma_start3A_321 = tpu.memref_squeeze %dma_start3A_320 : memref<1x80x128xbf16, #tpu.memory_space<vmem>> -> memref<80x128xbf16, #tpu.memory_space<vmem>>
      %dma_start3A_322 = arith.constant 0 : i32
      %dma_start3A_323 = tpu.memref_slice %arg5[%add3A_316, %dma_start3A_322] : memref<125x80xi32, #tpu.memory_space<vmem>> -> memref<1x80xi32, #tpu.memory_space<vmem>>
      %dma_start3A_324 = tpu.memref_squeeze %dma_start3A_323 : memref<1x80xi32, #tpu.memory_space<vmem>> -> memref<80xi32, #tpu.memory_space<vmem>>
      %dma_start3A_325 = arith.constant 0 : i32
      %dma_start3A_326 = arith.constant 0 : i32
      %dma_start3A_327 = tpu.memref_slice %arg2[%dma_start3A_325, %dma_start3A_326] : memref<10000x128xbf16, #tpu.memory_space<hbm>> -> memref<10000x128xbf16, #tpu.memory_space<hbm>>
      tpu.enqueue_indirect_dma source(%dma_start3A_327 : memref<10000x128xbf16, #tpu.memory_space<hbm>>) target(%dma_start3A_321 : memref<80x128xbf16, #tpu.memory_space<vmem>>) offsets(%dma_start3A_324 : memref<80xi32, #tpu.memory_space<vmem>>) semaphore(%arg11 : memref<!tpu.dma_semaphore, #tpu.memory_space<semaphore_mem>>)
      %dma_wait3A_328 = arith.constant 0 : i32
      %dma_wait3A_329 = arith.constant 3 : i32
      %dma_wait3A_330 = arith.constant 0 : i32
      %dma_wait3A_331 = arith.constant 0 : i32
      %dma_wait3A_332 = tpu.memref_slice %arg7[%dma_wait3A_329, %dma_wait3A_330, %dma_wait3A_331] : memref<5x80x128xbf16, #tpu.memory_space<vmem>> -> memref<1x80x128xbf16, #tpu.memory_space<vmem>>
      %dma_wait3A_333 = tpu.memref_squeeze %dma_wait3A_332 : memref<1x80x128xbf16, #tpu.memory_space<vmem>> -> memref<80x128xbf16, #tpu.memory_space<vmem>>
      %dma_wait3A_334 = arith.constant 0 : i32
      %dma_wait3A_335 = tpu.memref_slice %arg5[%dma_wait3A_328, %dma_wait3A_334] : memref<125x80xi32, #tpu.memory_space<vmem>> -> memref<1x80xi32, #tpu.memory_space<vmem>>
      %dma_wait3A_336 = tpu.memref_squeeze %dma_wait3A_335 : memref<1x80xi32, #tpu.memory_space<vmem>> -> memref<80xi32, #tpu.memory_space<vmem>>
      %dma_wait3A_337 = arith.constant 0 : i32
      %dma_wait3A_338 = arith.constant 0 : i32
      %dma_wait3A_339 = tpu.memref_slice %arg2[%dma_wait3A_337, %dma_wait3A_338] : memref<10000x128xbf16, #tpu.memory_space<hbm>> -> memref<10000x128xbf16, #tpu.memory_space<hbm>>
      tpu.wait_indirect_dma semaphore(%arg12 : memref<!tpu.dma_semaphore, #tpu.memory_space<semaphore_mem>>) src(%dma_wait3A_339 : memref<10000x128xbf16, #tpu.memory_space<hbm>>) dst(%dma_wait3A_333 : memref<80x128xbf16, #tpu.memory_space<vmem>>)
      %run_scoped3A_340 = arith.constant 3 : i32
      "tpu.region"() ({
        %run_scoped3A_369 = tpu.sem_alloc : memref<!tpu.dma_semaphore, #tpu.memory_space<semaphore_mem>>
        %dma_start3A_370 = arith.constant 0 : i32
        %dma_start3A_371 = arith.constant 0 : i32
        %dma_start3A_372 = tpu.memref_slice %arg7[%run_scoped3A_340, %dma_start3A_370, %dma_start3A_371] : memref<5x80x128xbf16, #tpu.memory_space<vmem>> -> memref<1x80x128xbf16, #tpu.memory_space<vmem>>
        %dma_start3A_373 = tpu.memref_squeeze %dma_start3A_372 : memref<1x80x128xbf16, #tpu.memory_space<vmem>> -> memref<80x128xbf16, #tpu.memory_space<vmem>>
        %dma_start3A_374 = arith.constant 0 : i32
        %dma_start3A_375 = tpu.memref_slice %arg6[%add3A_314, %dma_start3A_374] : memref<125x80xi32, #tpu.memory_space<vmem>> -> memref<1x80xi32, #tpu.memory_space<vmem>>
        %dma_start3A_376 = tpu.memref_squeeze %dma_start3A_375 : memref<1x80xi32, #tpu.memory_space<vmem>> -> memref<80xi32, #tpu.memory_space<vmem>>
        %dma_start3A_377 = arith.constant 0 : i32
        %dma_start3A_378 = arith.constant 0 : i32
        %dma_start3A_379 = tpu.memref_slice %arg8[%dma_start3A_377, %dma_start3A_378] : memref<10000x128xbf16, #tpu.memory_space<vmem_shared>> -> memref<10000x128xbf16, #tpu.memory_space<vmem_shared>>
        tpu.enqueue_indirect_dma source(%dma_start3A_373 : memref<80x128xbf16, #tpu.memory_space<vmem>>) target(%dma_start3A_379 : memref<10000x128xbf16, #tpu.memory_space<vmem_shared>>) offsets(%dma_start3A_376 : memref<80xi32, #tpu.memory_space<vmem>>) semaphore(%run_scoped3A_369 : memref<!tpu.dma_semaphore, #tpu.memory_space<semaphore_mem>>) {add = true}
        %dma_wait3A_380 = arith.constant 0 : i32
        %dma_wait3A_381 = arith.constant 0 : i32
        %dma_wait3A_382 = tpu.memref_slice %arg7[%run_scoped3A_340, %dma_wait3A_380, %dma_wait3A_381] : memref<5x80x128xbf16, #tpu.memory_space<vmem>> -> memref<1x80x128xbf16, #tpu.memory_space<vmem>>
        %dma_wait3A_383 = tpu.memref_squeeze %dma_wait3A_382 : memref<1x80x128xbf16, #tpu.memory_space<vmem>> -> memref<80x128xbf16, #tpu.memory_space<vmem>>
        %dma_wait3A_384 = arith.constant 0 : i32
        %dma_wait3A_385 = tpu.memref_slice %arg6[%add3A_314, %dma_wait3A_384] : memref<125x80xi32, #tpu.memory_space<vmem>> -> memref<1x80xi32, #tpu.memory_space<vmem>>
        %dma_wait3A_386 = tpu.memref_squeeze %dma_wait3A_385 : memref<1x80xi32, #tpu.memory_space<vmem>> -> memref<80xi32, #tpu.memory_space<vmem>>
        %dma_wait3A_387 = arith.constant 0 : i32
        %dma_wait3A_388 = arith.constant 0 : i32
        %dma_wait3A_389 = tpu.memref_slice %arg8[%dma_wait3A_387, %dma_wait3A_388] : memref<10000x128xbf16, #tpu.memory_space<vmem_shared>> -> memref<10000x128xbf16, #tpu.memory_space<vmem_shared>>
        tpu.wait_indirect_dma semaphore(%run_scoped3A_369 : memref<!tpu.dma_semaphore, #tpu.memory_space<semaphore_mem>>) src(%dma_wait3A_383 : memref<80x128xbf16, #tpu.memory_space<vmem>>) dst(%dma_wait3A_389 : memref<10000x128xbf16, #tpu.memory_space<vmem_shared>>)
        tpu.yield
      }) : () -> ()
      %add3A_341 = arith.constant 4 : i32
      %add3A_342 = arith.addi %mul3A_228, %add3A_341 : i32
      %add3A_343 = arith.constant 4 : i32
      %add3A_344 = arith.addi %add3A_342, %add3A_343 : i32
      %dma_start3A_345 = arith.constant 3 : i32
      %dma_start3A_346 = arith.constant 0 : i32
      %dma_start3A_347 = arith.constant 0 : i32
      %dma_start3A_348 = tpu.memref_slice %arg7[%dma_start3A_345, %dma_start3A_346, %dma_start3A_347] : memref<5x80x128xbf16, #tpu.memory_space<vmem>> -> memref<1x80x128xbf16, #tpu.memory_space<vmem>>
      %dma_start3A_349 = tpu.memref_squeeze %dma_start3A_348 : memref<1x80x128xbf16, #tpu.memory_space<vmem>> -> memref<80x128xbf16, #tpu.memory_space<vmem>>
      %dma_start3A_350 = arith.constant 0 : i32
      %dma_start3A_351 = tpu.memref_slice %arg5[%add3A_344, %dma_start3A_350] : memref<125x80xi32, #tpu.memory_space<vmem>> -> memref<1x80xi32, #tpu.memory_space<vmem>>
      %dma_start3A_352 = tpu.memref_squeeze %dma_start3A_351 : memref<1x80xi32, #tpu.memory_space<vmem>> -> memref<80xi32, #tpu.memory_space<vmem>>
      %dma_start3A_353 = arith.constant 0 : i32
      %dma_start3A_354 = arith.constant 0 : i32
      %dma_start3A_355 = tpu.memref_slice %arg2[%dma_start3A_353, %dma_start3A_354] : memref<10000x128xbf16, #tpu.memory_space<hbm>> -> memref<10000x128xbf16, #tpu.memory_space<hbm>>
      tpu.enqueue_indirect_dma source(%dma_start3A_355 : memref<10000x128xbf16, #tpu.memory_space<hbm>>) target(%dma_start3A_349 : memref<80x128xbf16, #tpu.memory_space<vmem>>) offsets(%dma_start3A_352 : memref<80xi32, #tpu.memory_space<vmem>>) semaphore(%arg12 : memref<!tpu.dma_semaphore, #tpu.memory_space<semaphore_mem>>)
      %dma_wait3A_356 = arith.constant 0 : i32
      %dma_wait3A_357 = arith.constant 4 : i32
      %dma_wait3A_358 = arith.constant 0 : i32
      %dma_wait3A_359 = arith.constant 0 : i32
      %dma_wait3A_360 = tpu.memref_slice %arg7[%dma_wait3A_357, %dma_wait3A_358, %dma_wait3A_359] : memref<5x80x128xbf16, #tpu.memory_space<vmem>> -> memref<1x80x128xbf16, #tpu.memory_space<vmem>>
      %dma_wait3A_361 = tpu.memref_squeeze %dma_wait3A_360 : memref<1x80x128xbf16, #tpu.memory_space<vmem>> -> memref<80x128xbf16, #tpu.memory_space<vmem>>
      %dma_wait3A_362 = arith.constant 0 : i32
      %dma_wait3A_363 = tpu.memref_slice %arg5[%dma_wait3A_356, %dma_wait3A_362] : memref<125x80xi32, #tpu.memory_space<vmem>> -> memref<1x80xi32, #tpu.memory_space<vmem>>
      %dma_wait3A_364 = tpu.memref_squeeze %dma_wait3A_363 : memref<1x80xi32, #tpu.memory_space<vmem>> -> memref<80xi32, #tpu.memory_space<vmem>>
      %dma_wait3A_365 = arith.constant 0 : i32
      %dma_wait3A_366 = arith.constant 0 : i32
      %dma_wait3A_367 = tpu.memref_slice %arg2[%dma_wait3A_365, %dma_wait3A_366] : memref<10000x128xbf16, #tpu.memory_space<hbm>> -> memref<10000x128xbf16, #tpu.memory_space<hbm>>
      tpu.wait_indirect_dma semaphore(%arg13 : memref<!tpu.dma_semaphore, #tpu.memory_space<semaphore_mem>>) src(%dma_wait3A_367 : memref<10000x128xbf16, #tpu.memory_space<hbm>>) dst(%dma_wait3A_361 : memref<80x128xbf16, #tpu.memory_space<vmem>>)
      %run_scoped3A_368 = arith.constant 4 : i32
      "tpu.region"() ({
        %run_scoped3A_369 = tpu.sem_alloc : memref<!tpu.dma_semaphore, #tpu.memory_space<semaphore_mem>>
        %dma_start3A_370 = arith.constant 0 : i32
        %dma_start3A_371 = arith.constant 0 : i32
        %dma_start3A_372 = tpu.memref_slice %arg7[%run_scoped3A_368, %dma_start3A_370, %dma_start3A_371] : memref<5x80x128xbf16, #tpu.memory_space<vmem>> -> memref<1x80x128xbf16, #tpu.memory_space<vmem>>
        %dma_start3A_373 = tpu.memref_squeeze %dma_start3A_372 : memref<1x80x128xbf16, #tpu.memory_space<vmem>> -> memref<80x128xbf16, #tpu.memory_space<vmem>>
        %dma_start3A_374 = arith.constant 0 : i32
        %dma_start3A_375 = tpu.memref_slice %arg6[%add3A_342, %dma_start3A_374] : memref<125x80xi32, #tpu.memory_space<vmem>> -> memref<1x80xi32, #tpu.memory_space<vmem>>
        %dma_start3A_376 = tpu.memref_squeeze %dma_start3A_375 : memref<1x80xi32, #tpu.memory_space<vmem>> -> memref<80xi32, #tpu.memory_space<vmem>>
        %dma_start3A_377 = arith.constant 0 : i32
        %dma_start3A_378 = arith.constant 0 : i32
        %dma_start3A_379 = tpu.memref_slice %arg8[%dma_start3A_377, %dma_start3A_378] : memref<10000x128xbf16, #tpu.memory_space<vmem_shared>> -> memref<10000x128xbf16, #tpu.memory_space<vmem_shared>>
        tpu.enqueue_indirect_dma source(%dma_start3A_373 : memref<80x128xbf16, #tpu.memory_space<vmem>>) target(%dma_start3A_379 : memref<10000x128xbf16, #tpu.memory_space<vmem_shared>>) offsets(%dma_start3A_376 : memref<80xi32, #tpu.memory_space<vmem>>) semaphore(%run_scoped3A_369 : memref<!tpu.dma_semaphore, #tpu.memory_space<semaphore_mem>>) {add = true}
        %dma_wait3A_380 = arith.constant 0 : i32
        %dma_wait3A_381 = arith.constant 0 : i32
        %dma_wait3A_382 = tpu.memref_slice %arg7[%run_scoped3A_368, %dma_wait3A_380, %dma_wait3A_381] : memref<5x80x128xbf16, #tpu.memory_space<vmem>> -> memref<1x80x128xbf16, #tpu.memory_space<vmem>>
        %dma_wait3A_383 = tpu.memref_squeeze %dma_wait3A_382 : memref<1x80x128xbf16, #tpu.memory_space<vmem>> -> memref<80x128xbf16, #tpu.memory_space<vmem>>
        %dma_wait3A_384 = arith.constant 0 : i32
        %dma_wait3A_385 = tpu.memref_slice %arg6[%add3A_342, %dma_wait3A_384] : memref<125x80xi32, #tpu.memory_space<vmem>> -> memref<1x80xi32, #tpu.memory_space<vmem>>
        %dma_wait3A_386 = tpu.memref_squeeze %dma_wait3A_385 : memref<1x80xi32, #tpu.memory_space<vmem>> -> memref<80xi32, #tpu.memory_space<vmem>>
        %dma_wait3A_387 = arith.constant 0 : i32
        %dma_wait3A_388 = arith.constant 0 : i32
        %dma_wait3A_389 = tpu.memref_slice %arg8[%dma_wait3A_387, %dma_wait3A_388] : memref<10000x128xbf16, #tpu.memory_space<vmem_shared>> -> memref<10000x128xbf16, #tpu.memory_space<vmem_shared>>
        tpu.wait_indirect_dma semaphore(%run_scoped3A_369 : memref<!tpu.dma_semaphore, #tpu.memory_space<semaphore_mem>>) src(%dma_wait3A_383 : memref<80x128xbf16, #tpu.memory_space<vmem>>) dst(%dma_wait3A_389 : memref<10000x128xbf16, #tpu.memory_space<vmem_shared>>)
        tpu.yield
      }) : () -> ()
    }
    %scan3A_139 = arith.constant 24 : i32
    %dma_start3A_140 = arith.constant 124 : i32
    %dma_start3A_141 = arith.constant 4 : i32
    %dma_start3A_142 = arith.constant 0 : i32
    %dma_start3A_143 = arith.constant 0 : i32
    %dma_start3A_144 = tpu.memref_slice %arg7[%dma_start3A_141, %dma_start3A_142, %dma_start3A_143] : memref<5x80x128xbf16, #tpu.memory_space<vmem>> -> memref<1x80x128xbf16, #tpu.memory_space<vmem>>
    %dma_start3A_145 = tpu.memref_squeeze %dma_start3A_144 : memref<1x80x128xbf16, #tpu.memory_space<vmem>> -> memref<80x128xbf16, #tpu.memory_space<vmem>>
    %dma_start3A_146 = arith.constant 0 : i32
    %dma_start3A_147 = tpu.memref_slice %arg5[%dma_start3A_140, %dma_start3A_146] : memref<125x80xi32, #tpu.memory_space<vmem>> -> memref<1x80xi32, #tpu.memory_space<vmem>>
    %dma_start3A_148 = tpu.memref_squeeze %dma_start3A_147 : memref<1x80xi32, #tpu.memory_space<vmem>> -> memref<80xi32, #tpu.memory_space<vmem>>
    %dma_start3A_149 = arith.constant 0 : i32
    %dma_start3A_150 = arith.constant 0 : i32
    %dma_start3A_151 = tpu.memref_slice %arg2[%dma_start3A_149, %dma_start3A_150] : memref<10000x128xbf16, #tpu.memory_space<hbm>> -> memref<10000x128xbf16, #tpu.memory_space<hbm>>
    tpu.enqueue_indirect_dma source(%dma_start3A_151 : memref<10000x128xbf16, #tpu.memory_space<hbm>>) target(%dma_start3A_145 : memref<80x128xbf16, #tpu.memory_space<vmem>>) offsets(%dma_start3A_148 : memref<80xi32, #tpu.memory_space<vmem>>) semaphore(%arg13 : memref<!tpu.dma_semaphore, #tpu.memory_space<semaphore_mem>>)
    %dma_wait3A_152 = arith.constant 0 : i32
    %dma_wait3A_153 = arith.constant 0 : i32
    %dma_wait3A_154 = arith.constant 0 : i32
    %dma_wait3A_155 = arith.constant 0 : i32
    %dma_wait3A_156 = tpu.memref_slice %arg7[%dma_wait3A_153, %dma_wait3A_154, %dma_wait3A_155] : memref<5x80x128xbf16, #tpu.memory_space<vmem>> -> memref<1x80x128xbf16, #tpu.memory_space<vmem>>
    %dma_wait3A_157 = tpu.memref_squeeze %dma_wait3A_156 : memref<1x80x128xbf16, #tpu.memory_space<vmem>> -> memref<80x128xbf16, #tpu.memory_space<vmem>>
    %dma_wait3A_158 = arith.constant 0 : i32
    %dma_wait3A_159 = tpu.memref_slice %arg5[%dma_wait3A_152, %dma_wait3A_158] : memref<125x80xi32, #tpu.memory_space<vmem>> -> memref<1x80xi32, #tpu.memory_space<vmem>>
    %dma_wait3A_160 = tpu.memref_squeeze %dma_wait3A_159 : memref<1x80xi32, #tpu.memory_space<vmem>> -> memref<80xi32, #tpu.memory_space<vmem>>
    %dma_wait3A_161 = arith.constant 0 : i32
    %dma_wait3A_162 = arith.constant 0 : i32
    %dma_wait3A_163 = tpu.memref_slice %arg2[%dma_wait3A_161, %dma_wait3A_162] : memref<10000x128xbf16, #tpu.memory_space<hbm>> -> memref<10000x128xbf16, #tpu.memory_space<hbm>>
    tpu.wait_indirect_dma semaphore(%arg9 : memref<!tpu.dma_semaphore, #tpu.memory_space<semaphore_mem>>) src(%dma_wait3A_163 : memref<10000x128xbf16, #tpu.memory_space<hbm>>) dst(%dma_wait3A_157 : memref<80x128xbf16, #tpu.memory_space<vmem>>)
    %run_scoped3A = arith.constant 0 : i32
    %run_scoped3A_164 = arith.constant 120 : i32
    "tpu.region"() ({
      %run_scoped3A_226 = tpu.sem_alloc : memref<!tpu.dma_semaphore, #tpu.memory_space<semaphore_mem>>
      %dma_start3A_227 = arith.constant 0 : i32
      %dma_start3A_228 = arith.constant 0 : i32
      %dma_start3A_229 = tpu.memref_slice %arg7[%run_scoped3A, %dma_start3A_227, %dma_start3A_228] : memref<5x80x128xbf16, #tpu.memory_space<vmem>> -> memref<1x80x128xbf16, #tpu.memory_space<vmem>>
      %dma_start3A_230 = tpu.memref_squeeze %dma_start3A_229 : memref<1x80x128xbf16, #tpu.memory_space<vmem>> -> memref<80x128xbf16, #tpu.memory_space<vmem>>
      %dma_start3A_231 = arith.constant 0 : i32
      %dma_start3A_232 = tpu.memref_slice %arg6[%run_scoped3A_164, %dma_start3A_231] : memref<125x80xi32, #tpu.memory_space<vmem>> -> memref<1x80xi32, #tpu.memory_space<vmem>>
      %dma_start3A_233 = tpu.memref_squeeze %dma_start3A_232 : memref<1x80xi32, #tpu.memory_space<vmem>> -> memref<80xi32, #tpu.memory_space<vmem>>
      %dma_start3A_234 = arith.constant 0 : i32
      %dma_start3A_235 = arith.constant 0 : i32
      %dma_start3A_236 = tpu.memref_slice %arg8[%dma_start3A_234, %dma_start3A_235] : memref<10000x128xbf16, #tpu.memory_space<vmem_shared>> -> memref<10000x128xbf16, #tpu.memory_space<vmem_shared>>
      tpu.enqueue_indirect_dma source(%dma_start3A_230 : memref<80x128xbf16, #tpu.memory_space<vmem>>) target(%dma_start3A_236 : memref<10000x128xbf16, #tpu.memory_space<vmem_shared>>) offsets(%dma_start3A_233 : memref<80xi32, #tpu.memory_space<vmem>>) semaphore(%run_scoped3A_226 : memref<!tpu.dma_semaphore, #tpu.memory_space<semaphore_mem>>) {add = true}
      %dma_wait3A_237 = arith.constant 0 : i32
      %dma_wait3A_238 = arith.constant 0 : i32
      %dma_wait3A_239 = tpu.memref_slice %arg7[%run_scoped3A, %dma_wait3A_237, %dma_wait3A_238] : memref<5x80x128xbf16, #tpu.memory_space<vmem>> -> memref<1x80x128xbf16, #tpu.memory_space<vmem>>
      %dma_wait3A_240 = tpu.memref_squeeze %dma_wait3A_239 : memref<1x80x128xbf16, #tpu.memory_space<vmem>> -> memref<80x128xbf16, #tpu.memory_space<vmem>>
      %dma_wait3A_241 = arith.constant 0 : i32
      %dma_wait3A_242 = tpu.memref_slice %arg6[%run_scoped3A_164, %dma_wait3A_241] : memref<125x80xi32, #tpu.memory_space<vmem>> -> memref<1x80xi32, #tpu.memory_space<vmem>>
      %dma_wait3A_243 = tpu.memref_squeeze %dma_wait3A_242 : memref<1x80xi32, #tpu.memory_space<vmem>> -> memref<80xi32, #tpu.memory_space<vmem>>
      %dma_wait3A_244 = arith.constant 0 : i32
      %dma_wait3A_245 = arith.constant 0 : i32
      %dma_wait3A_246 = tpu.memref_slice %arg8[%dma_wait3A_244, %dma_wait3A_245] : memref<10000x128xbf16, #tpu.memory_space<vmem_shared>> -> memref<10000x128xbf16, #tpu.memory_space<vmem_shared>>
      tpu.wait_indirect_dma semaphore(%run_scoped3A_226 : memref<!tpu.dma_semaphore, #tpu.memory_space<semaphore_mem>>) src(%dma_wait3A_240 : memref<80x128xbf16, #tpu.memory_space<vmem>>) dst(%dma_wait3A_246 : memref<10000x128xbf16, #tpu.memory_space<vmem_shared>>)
      tpu.yield
    }) : () -> ()
    %dma_wait3A_165 = arith.constant 0 : i32
    %dma_wait3A_166 = arith.constant 1 : i32
    %dma_wait3A_167 = arith.constant 0 : i32
    %dma_wait3A_168 = arith.constant 0 : i32
    %dma_wait3A_169 = tpu.memref_slice %arg7[%dma_wait3A_166, %dma_wait3A_167, %dma_wait3A_168] : memref<5x80x128xbf16, #tpu.memory_space<vmem>> -> memref<1x80x128xbf16, #tpu.memory_space<vmem>>
    %dma_wait3A_170 = tpu.memref_squeeze %dma_wait3A_169 : memref<1x80x128xbf16, #tpu.memory_space<vmem>> -> memref<80x128xbf16, #tpu.memory_space<vmem>>
    %dma_wait3A_171 = arith.constant 0 : i32
    %dma_wait3A_172 = tpu.memref_slice %arg5[%dma_wait3A_165, %dma_wait3A_171] : memref<125x80xi32, #tpu.memory_space<vmem>> -> memref<1x80xi32, #tpu.memory_space<vmem>>
    %dma_wait3A_173 = tpu.memref_squeeze %dma_wait3A_172 : memref<1x80xi32, #tpu.memory_space<vmem>> -> memref<80xi32, #tpu.memory_space<vmem>>
    %dma_wait3A_174 = arith.constant 0 : i32
    %dma_wait3A_175 = arith.constant 0 : i32
    %dma_wait3A_176 = tpu.memref_slice %arg2[%dma_wait3A_174, %dma_wait3A_175] : memref<10000x128xbf16, #tpu.memory_space<hbm>> -> memref<10000x128xbf16, #tpu.memory_space<hbm>>
    tpu.wait_indirect_dma semaphore(%arg10 : memref<!tpu.dma_semaphore, #tpu.memory_space<semaphore_mem>>) src(%dma_wait3A_176 : memref<10000x128xbf16, #tpu.memory_space<hbm>>) dst(%dma_wait3A_170 : memref<80x128xbf16, #tpu.memory_space<vmem>>)
    %run_scoped3A_177 = arith.constant 1 : i32
    %run_scoped3A_178 = arith.constant 121 : i32
    "tpu.region"() ({
      %run_scoped3A_226 = tpu.sem_alloc : memref<!tpu.dma_semaphore, #tpu.memory_space<semaphore_mem>>
      %dma_start3A_227 = arith.constant 0 : i32
      %dma_start3A_228 = arith.constant 0 : i32
      %dma_start3A_229 = tpu.memref_slice %arg7[%run_scoped3A_177, %dma_start3A_227, %dma_start3A_228] : memref<5x80x128xbf16, #tpu.memory_space<vmem>> -> memref<1x80x128xbf16, #tpu.memory_space<vmem>>
      %dma_start3A_230 = tpu.memref_squeeze %dma_start3A_229 : memref<1x80x128xbf16, #tpu.memory_space<vmem>> -> memref<80x128xbf16, #tpu.memory_space<vmem>>
      %dma_start3A_231 = arith.constant 0 : i32
      %dma_start3A_232 = tpu.memref_slice %arg6[%run_scoped3A_178, %dma_start3A_231] : memref<125x80xi32, #tpu.memory_space<vmem>> -> memref<1x80xi32, #tpu.memory_space<vmem>>
      %dma_start3A_233 = tpu.memref_squeeze %dma_start3A_232 : memref<1x80xi32, #tpu.memory_space<vmem>> -> memref<80xi32, #tpu.memory_space<vmem>>
      %dma_start3A_234 = arith.constant 0 : i32
      %dma_start3A_235 = arith.constant 0 : i32
      %dma_start3A_236 = tpu.memref_slice %arg8[%dma_start3A_234, %dma_start3A_235] : memref<10000x128xbf16, #tpu.memory_space<vmem_shared>> -> memref<10000x128xbf16, #tpu.memory_space<vmem_shared>>
      tpu.enqueue_indirect_dma source(%dma_start3A_230 : memref<80x128xbf16, #tpu.memory_space<vmem>>) target(%dma_start3A_236 : memref<10000x128xbf16, #tpu.memory_space<vmem_shared>>) offsets(%dma_start3A_233 : memref<80xi32, #tpu.memory_space<vmem>>) semaphore(%run_scoped3A_226 : memref<!tpu.dma_semaphore, #tpu.memory_space<semaphore_mem>>) {add = true}
      %dma_wait3A_237 = arith.constant 0 : i32
      %dma_wait3A_238 = arith.constant 0 : i32
      %dma_wait3A_239 = tpu.memref_slice %arg7[%run_scoped3A_177, %dma_wait3A_237, %dma_wait3A_238] : memref<5x80x128xbf16, #tpu.memory_space<vmem>> -> memref<1x80x128xbf16, #tpu.memory_space<vmem>>
      %dma_wait3A_240 = tpu.memref_squeeze %dma_wait3A_239 : memref<1x80x128xbf16, #tpu.memory_space<vmem>> -> memref<80x128xbf16, #tpu.memory_space<vmem>>
      %dma_wait3A_241 = arith.constant 0 : i32
      %dma_wait3A_242 = tpu.memref_slice %arg6[%run_scoped3A_178, %dma_wait3A_241] : memref<125x80xi32, #tpu.memory_space<vmem>> -> memref<1x80xi32, #tpu.memory_space<vmem>>
      %dma_wait3A_243 = tpu.memref_squeeze %dma_wait3A_242 : memref<1x80xi32, #tpu.memory_space<vmem>> -> memref<80xi32, #tpu.memory_space<vmem>>
      %dma_wait3A_244 = arith.constant 0 : i32
      %dma_wait3A_245 = arith.constant 0 : i32
      %dma_wait3A_246 = tpu.memref_slice %arg8[%dma_wait3A_244, %dma_wait3A_245] : memref<10000x128xbf16, #tpu.memory_space<vmem_shared>> -> memref<10000x128xbf16, #tpu.memory_space<vmem_shared>>
      tpu.wait_indirect_dma semaphore(%run_scoped3A_226 : memref<!tpu.dma_semaphore, #tpu.memory_space<semaphore_mem>>) src(%dma_wait3A_240 : memref<80x128xbf16, #tpu.memory_space<vmem>>) dst(%dma_wait3A_246 : memref<10000x128xbf16, #tpu.memory_space<vmem_shared>>)
      tpu.yield
    }) : () -> ()
    %dma_wait3A_179 = arith.constant 0 : i32
    %dma_wait3A_180 = arith.constant 2 : i32
    %dma_wait3A_181 = arith.constant 0 : i32
    %dma_wait3A_182 = arith.constant 0 : i32
    %dma_wait3A_183 = tpu.memref_slice %arg7[%dma_wait3A_180, %dma_wait3A_181, %dma_wait3A_182] : memref<5x80x128xbf16, #tpu.memory_space<vmem>> -> memref<1x80x128xbf16, #tpu.memory_space<vmem>>
    %dma_wait3A_184 = tpu.memref_squeeze %dma_wait3A_183 : memref<1x80x128xbf16, #tpu.memory_space<vmem>> -> memref<80x128xbf16, #tpu.memory_space<vmem>>
    %dma_wait3A_185 = arith.constant 0 : i32
    %dma_wait3A_186 = tpu.memref_slice %arg5[%dma_wait3A_179, %dma_wait3A_185] : memref<125x80xi32, #tpu.memory_space<vmem>> -> memref<1x80xi32, #tpu.memory_space<vmem>>
    %dma_wait3A_187 = tpu.memref_squeeze %dma_wait3A_186 : memref<1x80xi32, #tpu.memory_space<vmem>> -> memref<80xi32, #tpu.memory_space<vmem>>
    %dma_wait3A_188 = arith.constant 0 : i32
    %dma_wait3A_189 = arith.constant 0 : i32
    %dma_wait3A_190 = tpu.memref_slice %arg2[%dma_wait3A_188, %dma_wait3A_189] : memref<10000x128xbf16, #tpu.memory_space<hbm>> -> memref<10000x128xbf16, #tpu.memory_space<hbm>>
    tpu.wait_indirect_dma semaphore(%arg11 : memref<!tpu.dma_semaphore, #tpu.memory_space<semaphore_mem>>) src(%dma_wait3A_190 : memref<10000x128xbf16, #tpu.memory_space<hbm>>) dst(%dma_wait3A_184 : memref<80x128xbf16, #tpu.memory_space<vmem>>)
    %run_scoped3A_191 = arith.constant 2 : i32
    %run_scoped3A_192 = arith.constant 122 : i32
    "tpu.region"() ({
      %run_scoped3A_226 = tpu.sem_alloc : memref<!tpu.dma_semaphore, #tpu.memory_space<semaphore_mem>>
      %dma_start3A_227 = arith.constant 0 : i32
      %dma_start3A_228 = arith.constant 0 : i32
      %dma_start3A_229 = tpu.memref_slice %arg7[%run_scoped3A_191, %dma_start3A_227, %dma_start3A_228] : memref<5x80x128xbf16, #tpu.memory_space<vmem>> -> memref<1x80x128xbf16, #tpu.memory_space<vmem>>
      %dma_start3A_230 = tpu.memref_squeeze %dma_start3A_229 : memref<1x80x128xbf16, #tpu.memory_space<vmem>> -> memref<80x128xbf16, #tpu.memory_space<vmem>>
      %dma_start3A_231 = arith.constant 0 : i32
      %dma_start3A_232 = tpu.memref_slice %arg6[%run_scoped3A_192, %dma_start3A_231] : memref<125x80xi32, #tpu.memory_space<vmem>> -> memref<1x80xi32, #tpu.memory_space<vmem>>
      %dma_start3A_233 = tpu.memref_squeeze %dma_start3A_232 : memref<1x80xi32, #tpu.memory_space<vmem>> -> memref<80xi32, #tpu.memory_space<vmem>>
      %dma_start3A_234 = arith.constant 0 : i32
      %dma_start3A_235 = arith.constant 0 : i32
      %dma_start3A_236 = tpu.memref_slice %arg8[%dma_start3A_234, %dma_start3A_235] : memref<10000x128xbf16, #tpu.memory_space<vmem_shared>> -> memref<10000x128xbf16, #tpu.memory_space<vmem_shared>>
      tpu.enqueue_indirect_dma source(%dma_start3A_230 : memref<80x128xbf16, #tpu.memory_space<vmem>>) target(%dma_start3A_236 : memref<10000x128xbf16, #tpu.memory_space<vmem_shared>>) offsets(%dma_start3A_233 : memref<80xi32, #tpu.memory_space<vmem>>) semaphore(%run_scoped3A_226 : memref<!tpu.dma_semaphore, #tpu.memory_space<semaphore_mem>>) {add = true}
      %dma_wait3A_237 = arith.constant 0 : i32
      %dma_wait3A_238 = arith.constant 0 : i32
      %dma_wait3A_239 = tpu.memref_slice %arg7[%run_scoped3A_191, %dma_wait3A_237, %dma_wait3A_238] : memref<5x80x128xbf16, #tpu.memory_space<vmem>> -> memref<1x80x128xbf16, #tpu.memory_space<vmem>>
      %dma_wait3A_240 = tpu.memref_squeeze %dma_wait3A_239 : memref<1x80x128xbf16, #tpu.memory_space<vmem>> -> memref<80x128xbf16, #tpu.memory_space<vmem>>
      %dma_wait3A_241 = arith.constant 0 : i32
      %dma_wait3A_242 = tpu.memref_slice %arg6[%run_scoped3A_192, %dma_wait3A_241] : memref<125x80xi32, #tpu.memory_space<vmem>> -> memref<1x80xi32, #tpu.memory_space<vmem>>
      %dma_wait3A_243 = tpu.memref_squeeze %dma_wait3A_242 : memref<1x80xi32, #tpu.memory_space<vmem>> -> memref<80xi32, #tpu.memory_space<vmem>>
      %dma_wait3A_244 = arith.constant 0 : i32
      %dma_wait3A_245 = arith.constant 0 : i32
      %dma_wait3A_246 = tpu.memref_slice %arg8[%dma_wait3A_244, %dma_wait3A_245] : memref<10000x128xbf16, #tpu.memory_space<vmem_shared>> -> memref<10000x128xbf16, #tpu.memory_space<vmem_shared>>
      tpu.wait_indirect_dma semaphore(%run_scoped3A_226 : memref<!tpu.dma_semaphore, #tpu.memory_space<semaphore_mem>>) src(%dma_wait3A_240 : memref<80x128xbf16, #tpu.memory_space<vmem>>) dst(%dma_wait3A_246 : memref<10000x128xbf16, #tpu.memory_space<vmem_shared>>)
      tpu.yield
    }) : () -> ()
    %dma_wait3A_193 = arith.constant 0 : i32
    %dma_wait3A_194 = arith.constant 3 : i32
    %dma_wait3A_195 = arith.constant 0 : i32
    %dma_wait3A_196 = arith.constant 0 : i32
    %dma_wait3A_197 = tpu.memref_slice %arg7[%dma_wait3A_194, %dma_wait3A_195, %dma_wait3A_196] : memref<5x80x128xbf16, #tpu.memory_space<vmem>> -> memref<1x80x128xbf16, #tpu.memory_space<vmem>>
    %dma_wait3A_198 = tpu.memref_squeeze %dma_wait3A_197 : memref<1x80x128xbf16, #tpu.memory_space<vmem>> -> memref<80x128xbf16, #tpu.memory_space<vmem>>
    %dma_wait3A_199 = arith.constant 0 : i32
    %dma_wait3A_200 = tpu.memref_slice %arg5[%dma_wait3A_193, %dma_wait3A_199] : memref<125x80xi32, #tpu.memory_space<vmem>> -> memref<1x80xi32, #tpu.memory_space<vmem>>
    %dma_wait3A_201 = tpu.memref_squeeze %dma_wait3A_200 : memref<1x80xi32, #tpu.memory_space<vmem>> -> memref<80xi32, #tpu.memory_space<vmem>>
    %dma_wait3A_202 = arith.constant 0 : i32
    %dma_wait3A_203 = arith.constant 0 : i32
    %dma_wait3A_204 = tpu.memref_slice %arg2[%dma_wait3A_202, %dma_wait3A_203] : memref<10000x128xbf16, #tpu.memory_space<hbm>> -> memref<10000x128xbf16, #tpu.memory_space<hbm>>
    tpu.wait_indirect_dma semaphore(%arg12 : memref<!tpu.dma_semaphore, #tpu.memory_space<semaphore_mem>>) src(%dma_wait3A_204 : memref<10000x128xbf16, #tpu.memory_space<hbm>>) dst(%dma_wait3A_198 : memref<80x128xbf16, #tpu.memory_space<vmem>>)
    %run_scoped3A_205 = arith.constant 3 : i32
    %run_scoped3A_206 = arith.constant 123 : i32
    "tpu.region"() ({
      %run_scoped3A_226 = tpu.sem_alloc : memref<!tpu.dma_semaphore, #tpu.memory_space<semaphore_mem>>
      %dma_start3A_227 = arith.constant 0 : i32
      %dma_start3A_228 = arith.constant 0 : i32
      %dma_start3A_229 = tpu.memref_slice %arg7[%run_scoped3A_205, %dma_start3A_227, %dma_start3A_228] : memref<5x80x128xbf16, #tpu.memory_space<vmem>> -> memref<1x80x128xbf16, #tpu.memory_space<vmem>>
      %dma_start3A_230 = tpu.memref_squeeze %dma_start3A_229 : memref<1x80x128xbf16, #tpu.memory_space<vmem>> -> memref<80x128xbf16, #tpu.memory_space<vmem>>
      %dma_start3A_231 = arith.constant 0 : i32
      %dma_start3A_232 = tpu.memref_slice %arg6[%run_scoped3A_206, %dma_start3A_231] : memref<125x80xi32, #tpu.memory_space<vmem>> -> memref<1x80xi32, #tpu.memory_space<vmem>>
      %dma_start3A_233 = tpu.memref_squeeze %dma_start3A_232 : memref<1x80xi32, #tpu.memory_space<vmem>> -> memref<80xi32, #tpu.memory_space<vmem>>
      %dma_start3A_234 = arith.constant 0 : i32
      %dma_start3A_235 = arith.constant 0 : i32
      %dma_start3A_236 = tpu.memref_slice %arg8[%dma_start3A_234, %dma_start3A_235] : memref<10000x128xbf16, #tpu.memory_space<vmem_shared>> -> memref<10000x128xbf16, #tpu.memory_space<vmem_shared>>
      tpu.enqueue_indirect_dma source(%dma_start3A_230 : memref<80x128xbf16, #tpu.memory_space<vmem>>) target(%dma_start3A_236 : memref<10000x128xbf16, #tpu.memory_space<vmem_shared>>) offsets(%dma_start3A_233 : memref<80xi32, #tpu.memory_space<vmem>>) semaphore(%run_scoped3A_226 : memref<!tpu.dma_semaphore, #tpu.memory_space<semaphore_mem>>) {add = true}
      %dma_wait3A_237 = arith.constant 0 : i32
      %dma_wait3A_238 = arith.constant 0 : i32
      %dma_wait3A_239 = tpu.memref_slice %arg7[%run_scoped3A_205, %dma_wait3A_237, %dma_wait3A_238] : memref<5x80x128xbf16, #tpu.memory_space<vmem>> -> memref<1x80x128xbf16, #tpu.memory_space<vmem>>
      %dma_wait3A_240 = tpu.memref_squeeze %dma_wait3A_239 : memref<1x80x128xbf16, #tpu.memory_space<vmem>> -> memref<80x128xbf16, #tpu.memory_space<vmem>>
      %dma_wait3A_241 = arith.constant 0 : i32
      %dma_wait3A_242 = tpu.memref_slice %arg6[%run_scoped3A_206, %dma_wait3A_241] : memref<125x80xi32, #tpu.memory_space<vmem>> -> memref<1x80xi32, #tpu.memory_space<vmem>>
      %dma_wait3A_243 = tpu.memref_squeeze %dma_wait3A_242 : memref<1x80xi32, #tpu.memory_space<vmem>> -> memref<80xi32, #tpu.memory_space<vmem>>
      %dma_wait3A_244 = arith.constant 0 : i32
      %dma_wait3A_245 = arith.constant 0 : i32
      %dma_wait3A_246 = tpu.memref_slice %arg8[%dma_wait3A_244, %dma_wait3A_245] : memref<10000x128xbf16, #tpu.memory_space<vmem_shared>> -> memref<10000x128xbf16, #tpu.memory_space<vmem_shared>>
      tpu.wait_indirect_dma semaphore(%run_scoped3A_226 : memref<!tpu.dma_semaphore, #tpu.memory_space<semaphore_mem>>) src(%dma_wait3A_240 : memref<80x128xbf16, #tpu.memory_space<vmem>>) dst(%dma_wait3A_246 : memref<10000x128xbf16, #tpu.memory_space<vmem_shared>>)
      tpu.yield
    }) : () -> ()
    %dma_wait3A_207 = arith.constant 0 : i32
    %dma_wait3A_208 = arith.constant 4 : i32
    %dma_wait3A_209 = arith.constant 0 : i32
    %dma_wait3A_210 = arith.constant 0 : i32
    %dma_wait3A_211 = tpu.memref_slice %arg7[%dma_wait3A_208, %dma_wait3A_209, %dma_wait3A_210] : memref<5x80x128xbf16, #tpu.memory_space<vmem>> -> memref<1x80x128xbf16, #tpu.memory_space<vmem>>
    %dma_wait3A_212 = tpu.memref_squeeze %dma_wait3A_211 : memref<1x80x128xbf16, #tpu.memory_space<vmem>> -> memref<80x128xbf16, #tpu.memory_space<vmem>>
    %dma_wait3A_213 = arith.constant 0 : i32
    %dma_wait3A_214 = tpu.memref_slice %arg5[%dma_wait3A_207, %dma_wait3A_213] : memref<125x80xi32, #tpu.memory_space<vmem>> -> memref<1x80xi32, #tpu.memory_space<vmem>>
    %dma_wait3A_215 = tpu.memref_squeeze %dma_wait3A_214 : memref<1x80xi32, #tpu.memory_space<vmem>> -> memref<80xi32, #tpu.memory_space<vmem>>
    %dma_wait3A_216 = arith.constant 0 : i32
    %dma_wait3A_217 = arith.constant 0 : i32
    %dma_wait3A_218 = tpu.memref_slice %arg2[%dma_wait3A_216, %dma_wait3A_217] : memref<10000x128xbf16, #tpu.memory_space<hbm>> -> memref<10000x128xbf16, #tpu.memory_space<hbm>>
    tpu.wait_indirect_dma semaphore(%arg13 : memref<!tpu.dma_semaphore, #tpu.memory_space<semaphore_mem>>) src(%dma_wait3A_218 : memref<10000x128xbf16, #tpu.memory_space<hbm>>) dst(%dma_wait3A_212 : memref<80x128xbf16, #tpu.memory_space<vmem>>)
    %run_scoped3A_219 = arith.constant 4 : i32
    %run_scoped3A_220 = arith.constant 124 : i32
    "tpu.region"() ({
      %run_scoped3A_226 = tpu.sem_alloc : memref<!tpu.dma_semaphore, #tpu.memory_space<semaphore_mem>>
      %dma_start3A_227 = arith.constant 0 : i32
      %dma_start3A_228 = arith.constant 0 : i32
      %dma_start3A_229 = tpu.memref_slice %arg7[%run_scoped3A_219, %dma_start3A_227, %dma_start3A_228] : memref<5x80x128xbf16, #tpu.memory_space<vmem>> -> memref<1x80x128xbf16, #tpu.memory_space<vmem>>
      %dma_start3A_230 = tpu.memref_squeeze %dma_start3A_229 : memref<1x80x128xbf16, #tpu.memory_space<vmem>> -> memref<80x128xbf16, #tpu.memory_space<vmem>>
      %dma_start3A_231 = arith.constant 0 : i32
      %dma_start3A_232 = tpu.memref_slice %arg6[%run_scoped3A_220, %dma_start3A_231] : memref<125x80xi32, #tpu.memory_space<vmem>> -> memref<1x80xi32, #tpu.memory_space<vmem>>
      %dma_start3A_233 = tpu.memref_squeeze %dma_start3A_232 : memref<1x80xi32, #tpu.memory_space<vmem>> -> memref<80xi32, #tpu.memory_space<vmem>>
      %dma_start3A_234 = arith.constant 0 : i32
      %dma_start3A_235 = arith.constant 0 : i32
      %dma_start3A_236 = tpu.memref_slice %arg8[%dma_start3A_234, %dma_start3A_235] : memref<10000x128xbf16, #tpu.memory_space<vmem_shared>> -> memref<10000x128xbf16, #tpu.memory_space<vmem_shared>>
      tpu.enqueue_indirect_dma source(%dma_start3A_230 : memref<80x128xbf16, #tpu.memory_space<vmem>>) target(%dma_start3A_236 : memref<10000x128xbf16, #tpu.memory_space<vmem_shared>>) offsets(%dma_start3A_233 : memref<80xi32, #tpu.memory_space<vmem>>) semaphore(%run_scoped3A_226 : memref<!tpu.dma_semaphore, #tpu.memory_space<semaphore_mem>>) {add = true}
      %dma_wait3A_237 = arith.constant 0 : i32
      %dma_wait3A_238 = arith.constant 0 : i32
      %dma_wait3A_239 = tpu.memref_slice %arg7[%run_scoped3A_219, %dma_wait3A_237, %dma_wait3A_238] : memref<5x80x128xbf16, #tpu.memory_space<vmem>> -> memref<1x80x128xbf16, #tpu.memory_space<vmem>>
      %dma_wait3A_240 = tpu.memref_squeeze %dma_wait3A_239 : memref<1x80x128xbf16, #tpu.memory_space<vmem>> -> memref<80x128xbf16, #tpu.memory_space<vmem>>
      %dma_wait3A_241 = arith.constant 0 : i32
      %dma_wait3A_242 = tpu.memref_slice %arg6[%run_scoped3A_220, %dma_wait3A_241] : memref<125x80xi32, #tpu.memory_space<vmem>> -> memref<1x80xi32, #tpu.memory_space<vmem>>
      %dma_wait3A_243 = tpu.memref_squeeze %dma_wait3A_242 : memref<1x80xi32, #tpu.memory_space<vmem>> -> memref<80xi32, #tpu.memory_space<vmem>>
      %dma_wait3A_244 = arith.constant 0 : i32
      %dma_wait3A_245 = arith.constant 0 : i32
      %dma_wait3A_246 = tpu.memref_slice %arg8[%dma_wait3A_244, %dma_wait3A_245] : memref<10000x128xbf16, #tpu.memory_space<vmem_shared>> -> memref<10000x128xbf16, #tpu.memory_space<vmem_shared>>
      tpu.wait_indirect_dma semaphore(%run_scoped3A_226 : memref<!tpu.dma_semaphore, #tpu.memory_space<semaphore_mem>>) src(%dma_wait3A_240 : memref<80x128xbf16, #tpu.memory_space<vmem>>) dst(%dma_wait3A_246 : memref<10000x128xbf16, #tpu.memory_space<vmem_shared>>)
      tpu.yield
    }) : () -> ()
    %barrier3A_221 = arith.constant 0 : index
    tpu.barrier barrier_id(%barrier3A_221)
    %mul3A_222 = arith.constant 625 : i32
    %mul3A_223 = arith.muli %arg1, %mul3A_222 : i32
    %mul3A_224 = arith.constant 625 : i32
    %mul3A_225 = arith.muli %arg1, %mul3A_224 : i32
    "tpu.region"() ({
      %run_scoped3A_226 = tpu.sem_alloc : memref<!tpu.dma_semaphore, #tpu.memory_space<semaphore_mem>>
      %dma_start3A_227 = arith.constant 0 : i32
      %dma_start3A_228 = arith.constant 0 : i32
      %dma_start3A_229 = tpu.memref_slice %arg4[%arg0, %dma_start3A_227, %dma_start3A_228] : memref<2x10000x128xbf16, #tpu.memory_space<hbm>> -> memref<1x10000x128xbf16, #tpu.memory_space<hbm>>
      %dma_start3A_230 = tpu.memref_squeeze %dma_start3A_229 : memref<1x10000x128xbf16, #tpu.memory_space<hbm>> -> memref<10000x128xbf16, #tpu.memory_space<hbm>>
      %dma_start3A_231 = arith.constant 0 : i32
      %dma_start3A_232 = tpu.memref_slice %dma_start3A_230[%mul3A_225, %dma_start3A_231] : memref<10000x128xbf16, #tpu.memory_space<hbm>> -> memref<625x128xbf16, #tpu.memory_space<hbm>>
      %dma_start3A_233 = arith.constant 0 : i32
      %dma_start3A_234 = tpu.memref_slice %arg8[%mul3A_223, %dma_start3A_233] : memref<10000x128xbf16, #tpu.memory_space<vmem_shared>> -> memref<625x128xbf16, #tpu.memory_space<vmem_shared>>
      tpu.enqueue_dma source(%dma_start3A_234 : memref<625x128xbf16, #tpu.memory_space<vmem_shared>>) target(%dma_start3A_232 : memref<625x128xbf16, #tpu.memory_space<hbm>>) target_semaphore(%run_scoped3A_226 : memref<!tpu.dma_semaphore, #tpu.memory_space<semaphore_mem>>)
      %dma_wait3A_235 = arith.constant 0 : i32
      %dma_wait3A_236 = arith.constant 0 : i32
      %dma_wait3A_237 = tpu.memref_slice %arg4[%arg0, %dma_wait3A_235, %dma_wait3A_236] : memref<2x10000x128xbf16, #tpu.memory_space<hbm>> -> memref<1x10000x128xbf16, #tpu.memory_space<hbm>>
      %dma_wait3A_238 = tpu.memref_squeeze %dma_wait3A_237 : memref<1x10000x128xbf16, #tpu.memory_space<hbm>> -> memref<10000x128xbf16, #tpu.memory_space<hbm>>
      %dma_wait3A_239 = arith.constant 0 : i32
      %dma_wait3A_240 = tpu.memref_slice %dma_wait3A_238[%mul3A_225, %dma_wait3A_239] : memref<10000x128xbf16, #tpu.memory_space<hbm>> -> memref<625x128xbf16, #tpu.memory_space<hbm>>
      %dma_wait3A_241 = arith.constant 0 : i32
      %dma_wait3A_242 = tpu.memref_slice %arg8[%mul3A_223, %dma_wait3A_241] : memref<10000x128xbf16, #tpu.memory_space<vmem_shared>> -> memref<625x128xbf16, #tpu.memory_space<vmem_shared>>
      tpu.wait_dma2 semaphore(%run_scoped3A_226 : memref<!tpu.dma_semaphore, #tpu.memory_space<semaphore_mem>>) src(%dma_wait3A_242 : memref<625x128xbf16, #tpu.memory_space<vmem_shared>>) dst(%dma_wait3A_240 : memref<625x128xbf16, #tpu.memory_space<hbm>>)
      tpu.yield
    }) : () -> ()
    return
  }
}

#map = affine_map<(d0, d1) -> (0, 0, 0, 0)>
#map1 = affine_map<(d0, d1) -> (0, 0)>
#map2 = affine_map<(d0, d1) -> (0, 0, 0)>
module attributes {stable_mosaic.version = 14 : i64} {
  func.func @_deg_kernel(%arg0: i32, %arg1: i32, %arg2: memref<2x32x125x80xi32, #tpu.memory_space<hbm>>, %arg3: memref<10000x8xf32, #tpu.memory_space<hbm>>, %arg4: memref<2x10000x128xf32, #tpu.memory_space<hbm>>, %arg5: memref<125x80xi32, #tpu.memory_space<vmem>>, %arg6: memref<80x8xf32, #tpu.memory_space<vmem>>, %arg7: memref<10000x8xf32, #tpu.memory_space<vmem_shared>>, %arg8: memref<!tpu.dma_semaphore, #tpu.memory_space<semaphore_mem>>) attributes {dimension_semantics = [#tpu.dimension_semantics<core_parallel>, #tpu.dimension_semantics<subcore_parallel>], iteration_bounds = array<i64: 2, 16>, scalar_prefetch = 0 : i64, scratch_operands = 4 : i64, tpu.core_type = #tpu.core_type<sc_vector_subcore>, window_params = [{transform_indices = #map}, {transform_indices = #map1}, {transform_indices = #map2}]} {
    %mul3A = arith.constant 2 : i32
    %mul3A_0 = arith.muli %arg1, %mul3A : i32
    %add3A = arith.addi %mul3A_0, %arg0 : i32
    %dma_start3A = arith.constant 1 : i32
    %dma_start3A_1 = arith.constant 0 : i32
    %dma_start3A_2 = arith.constant 0 : i32
    %dma_start3A_3 = arith.constant 0 : i32
    %dma_start3A_4 = tpu.memref_slice %arg2[%dma_start3A, %dma_start3A_1, %dma_start3A_2, %dma_start3A_3] : memref<2x32x125x80xi32, #tpu.memory_space<hbm>> -> memref<1x32x125x80xi32, #tpu.memory_space<hbm>>
    %dma_start3A_5 = tpu.memref_squeeze %dma_start3A_4 : memref<1x32x125x80xi32, #tpu.memory_space<hbm>> -> memref<32x125x80xi32, #tpu.memory_space<hbm>>
    %dma_start3A_6 = arith.constant 0 : i32
    %dma_start3A_7 = arith.constant 0 : i32
    %dma_start3A_8 = tpu.memref_slice %dma_start3A_5[%add3A, %dma_start3A_6, %dma_start3A_7] : memref<32x125x80xi32, #tpu.memory_space<hbm>> -> memref<1x125x80xi32, #tpu.memory_space<hbm>>
    %dma_start3A_9 = tpu.memref_squeeze %dma_start3A_8 : memref<1x125x80xi32, #tpu.memory_space<hbm>> -> memref<125x80xi32, #tpu.memory_space<hbm>>
    %dma_start3A_10 = arith.constant 0 : i32
    %dma_start3A_11 = arith.constant 0 : i32
    %dma_start3A_12 = arith.constant 0 : i32
    %dma_start3A_13 = tpu.memref_slice %arg2[%dma_start3A, %dma_start3A_10, %dma_start3A_11, %dma_start3A_12] : memref<2x32x125x80xi32, #tpu.memory_space<hbm>> -> memref<1x32x125x80xi32, #tpu.memory_space<hbm>>
    %dma_start3A_14 = tpu.memref_squeeze %dma_start3A_13 : memref<1x32x125x80xi32, #tpu.memory_space<hbm>> -> memref<32x125x80xi32, #tpu.memory_space<hbm>>
    %dma_start3A_15 = arith.constant 0 : i32
    %dma_start3A_16 = arith.constant 0 : i32
    %dma_start3A_17 = tpu.memref_slice %dma_start3A_14[%add3A, %dma_start3A_15, %dma_start3A_16] : memref<32x125x80xi32, #tpu.memory_space<hbm>> -> memref<1x125x80xi32, #tpu.memory_space<hbm>>
    %dma_start3A_18 = tpu.memref_squeeze %dma_start3A_17 : memref<1x125x80xi32, #tpu.memory_space<hbm>> -> memref<125x80xi32, #tpu.memory_space<hbm>>
    tpu.enqueue_dma source(%dma_start3A_18 : memref<125x80xi32, #tpu.memory_space<hbm>>) target(%arg5 : memref<125x80xi32, #tpu.memory_space<vmem>>) target_semaphore(%arg8 : memref<!tpu.dma_semaphore, #tpu.memory_space<semaphore_mem>>)
    %dma_start3A_19 = arith.constant 0 : i32
    %dma_start3A_20 = arith.constant 0 : i32
    %dma_start3A_21 = tpu.memref_slice %arg3[%dma_start3A_19, %dma_start3A_20] : memref<10000x8xf32, #tpu.memory_space<hbm>> -> memref<80x8xf32, #tpu.memory_space<hbm>>
    %dma_start3A_22 = arith.constant 0 : i32
    %dma_start3A_23 = arith.constant 0 : i32
    %dma_start3A_24 = tpu.memref_slice %arg3[%dma_start3A_22, %dma_start3A_23] : memref<10000x8xf32, #tpu.memory_space<hbm>> -> memref<80x8xf32, #tpu.memory_space<hbm>>
    tpu.enqueue_dma source(%dma_start3A_24 : memref<80x8xf32, #tpu.memory_space<hbm>>) target(%arg6 : memref<80x8xf32, #tpu.memory_space<vmem>>) target_semaphore(%arg8 : memref<!tpu.dma_semaphore, #tpu.memory_space<semaphore_mem>>)
    %mul3A_25 = arith.constant 625 : i32
    %mul3A_26 = arith.muli %arg1, %mul3A_25 : i32
    %mul3A_27 = arith.constant 625 : i32
    %mul3A_28 = arith.muli %arg1, %mul3A_27 : i32
    %dma_start3A_29 = arith.constant 0 : i32
    %dma_start3A_30 = tpu.memref_slice %arg7[%mul3A_28, %dma_start3A_29] : memref<10000x8xf32, #tpu.memory_space<vmem_shared>> -> memref<625x8xf32, #tpu.memory_space<vmem_shared>>
    %dma_start3A_31 = arith.constant 0 : i32
    %dma_start3A_32 = tpu.memref_slice %arg3[%mul3A_26, %dma_start3A_31] : memref<10000x8xf32, #tpu.memory_space<hbm>> -> memref<625x8xf32, #tpu.memory_space<hbm>>
    tpu.enqueue_dma source(%dma_start3A_32 : memref<625x8xf32, #tpu.memory_space<hbm>>) target(%dma_start3A_30 : memref<625x8xf32, #tpu.memory_space<vmem_shared>>) target_semaphore(%arg8 : memref<!tpu.dma_semaphore, #tpu.memory_space<semaphore_mem>>)
    %dma_wait3A = arith.constant 1 : i32
    %dma_wait3A_33 = arith.constant 0 : i32
    %dma_wait3A_34 = arith.constant 0 : i32
    %dma_wait3A_35 = arith.constant 0 : i32
    %dma_wait3A_36 = tpu.memref_slice %arg2[%dma_wait3A, %dma_wait3A_33, %dma_wait3A_34, %dma_wait3A_35] : memref<2x32x125x80xi32, #tpu.memory_space<hbm>> -> memref<1x32x125x80xi32, #tpu.memory_space<hbm>>
    %dma_wait3A_37 = tpu.memref_squeeze %dma_wait3A_36 : memref<1x32x125x80xi32, #tpu.memory_space<hbm>> -> memref<32x125x80xi32, #tpu.memory_space<hbm>>
    %dma_wait3A_38 = arith.constant 0 : i32
    %dma_wait3A_39 = arith.constant 0 : i32
    %dma_wait3A_40 = tpu.memref_slice %dma_wait3A_37[%add3A, %dma_wait3A_38, %dma_wait3A_39] : memref<32x125x80xi32, #tpu.memory_space<hbm>> -> memref<1x125x80xi32, #tpu.memory_space<hbm>>
    %dma_wait3A_41 = tpu.memref_squeeze %dma_wait3A_40 : memref<1x125x80xi32, #tpu.memory_space<hbm>> -> memref<125x80xi32, #tpu.memory_space<hbm>>
    %dma_wait3A_42 = arith.constant 0 : i32
    %dma_wait3A_43 = arith.constant 0 : i32
    %dma_wait3A_44 = arith.constant 0 : i32
    %dma_wait3A_45 = tpu.memref_slice %arg2[%dma_wait3A, %dma_wait3A_42, %dma_wait3A_43, %dma_wait3A_44] : memref<2x32x125x80xi32, #tpu.memory_space<hbm>> -> memref<1x32x125x80xi32, #tpu.memory_space<hbm>>
    %dma_wait3A_46 = tpu.memref_squeeze %dma_wait3A_45 : memref<1x32x125x80xi32, #tpu.memory_space<hbm>> -> memref<32x125x80xi32, #tpu.memory_space<hbm>>
    %dma_wait3A_47 = arith.constant 0 : i32
    %dma_wait3A_48 = arith.constant 0 : i32
    %dma_wait3A_49 = tpu.memref_slice %dma_wait3A_46[%add3A, %dma_wait3A_47, %dma_wait3A_48] : memref<32x125x80xi32, #tpu.memory_space<hbm>> -> memref<1x125x80xi32, #tpu.memory_space<hbm>>
    %dma_wait3A_50 = tpu.memref_squeeze %dma_wait3A_49 : memref<1x125x80xi32, #tpu.memory_space<hbm>> -> memref<125x80xi32, #tpu.memory_space<hbm>>
    tpu.wait_dma2 semaphore(%arg8 : memref<!tpu.dma_semaphore, #tpu.memory_space<semaphore_mem>>) src(%dma_wait3A_50 : memref<125x80xi32, #tpu.memory_space<hbm>>) dst(%arg5 : memref<125x80xi32, #tpu.memory_space<vmem>>)
    %dma_wait3A_51 = arith.constant 0 : i32
    %dma_wait3A_52 = arith.constant 0 : i32
    %dma_wait3A_53 = tpu.memref_slice %arg3[%dma_wait3A_51, %dma_wait3A_52] : memref<10000x8xf32, #tpu.memory_space<hbm>> -> memref<80x8xf32, #tpu.memory_space<hbm>>
    %dma_wait3A_54 = arith.constant 0 : i32
    %dma_wait3A_55 = arith.constant 0 : i32
    %dma_wait3A_56 = tpu.memref_slice %arg3[%dma_wait3A_54, %dma_wait3A_55] : memref<10000x8xf32, #tpu.memory_space<hbm>> -> memref<80x8xf32, #tpu.memory_space<hbm>>
    tpu.wait_dma2 semaphore(%arg8 : memref<!tpu.dma_semaphore, #tpu.memory_space<semaphore_mem>>) src(%dma_wait3A_56 : memref<80x8xf32, #tpu.memory_space<hbm>>) dst(%arg6 : memref<80x8xf32, #tpu.memory_space<vmem>>)
    %dma_wait3A_57 = arith.constant 0 : i32
    %dma_wait3A_58 = tpu.memref_slice %arg7[%mul3A_28, %dma_wait3A_57] : memref<10000x8xf32, #tpu.memory_space<vmem_shared>> -> memref<625x8xf32, #tpu.memory_space<vmem_shared>>
    %dma_wait3A_59 = arith.constant 0 : i32
    %dma_wait3A_60 = tpu.memref_slice %arg3[%mul3A_26, %dma_wait3A_59] : memref<10000x8xf32, #tpu.memory_space<hbm>> -> memref<625x8xf32, #tpu.memory_space<hbm>>
    tpu.wait_dma2 semaphore(%arg8 : memref<!tpu.dma_semaphore, #tpu.memory_space<semaphore_mem>>) src(%dma_wait3A_60 : memref<625x8xf32, #tpu.memory_space<hbm>>) dst(%dma_wait3A_58 : memref<625x8xf32, #tpu.memory_space<vmem_shared>>)
    %barrier3A = arith.constant 0 : index
    tpu.barrier barrier_id(%barrier3A)
    %scan3A = arith.constant 0 : i32
    %scan3A_61 = arith.constant 0 : i32
    %scan3A_62 = arith.constant 25 : i32
    %scan3A_63 = arith.addi %scan3A_61, %scan3A_62 : i32
    %scan3A_64 = arith.constant 1 : i32
    scf.for %scan3A_71 = %scan3A_61 to %scan3A_63 step %scan3A_64  : i32 {
      %mul3A_72 = arith.constant 5 : i32
      %mul3A_73 = arith.muli %scan3A_71, %mul3A_72 : i32
      %add3A_74 = arith.constant 0 : i32
      %add3A_75 = arith.addi %mul3A_73, %add3A_74 : i32
      %dma_start3A_76 = arith.constant 0 : i32
      %dma_start3A_77 = tpu.memref_slice %arg5[%add3A_75, %dma_start3A_76] : memref<125x80xi32, #tpu.memory_space<vmem>> -> memref<1x80xi32, #tpu.memory_space<vmem>>
      %dma_start3A_78 = tpu.memref_squeeze %dma_start3A_77 : memref<1x80xi32, #tpu.memory_space<vmem>> -> memref<80xi32, #tpu.memory_space<vmem>>
      %dma_start3A_79 = arith.constant 0 : i32
      %dma_start3A_80 = arith.constant 0 : i32
      %dma_start3A_81 = tpu.memref_slice %arg7[%dma_start3A_79, %dma_start3A_80] : memref<10000x8xf32, #tpu.memory_space<vmem_shared>> -> memref<10000x8xf32, #tpu.memory_space<vmem_shared>>
      tpu.enqueue_indirect_dma source(%arg6 : memref<80x8xf32, #tpu.memory_space<vmem>>) target(%dma_start3A_81 : memref<10000x8xf32, #tpu.memory_space<vmem_shared>>) offsets(%dma_start3A_78 : memref<80xi32, #tpu.memory_space<vmem>>) semaphore(%arg8 : memref<!tpu.dma_semaphore, #tpu.memory_space<semaphore_mem>>) {add = true}
      %add3A_82 = arith.constant 1 : i32
      %add3A_83 = arith.addi %mul3A_73, %add3A_82 : i32
      %dma_start3A_84 = arith.constant 0 : i32
      %dma_start3A_85 = tpu.memref_slice %arg5[%add3A_83, %dma_start3A_84] : memref<125x80xi32, #tpu.memory_space<vmem>> -> memref<1x80xi32, #tpu.memory_space<vmem>>
      %dma_start3A_86 = tpu.memref_squeeze %dma_start3A_85 : memref<1x80xi32, #tpu.memory_space<vmem>> -> memref<80xi32, #tpu.memory_space<vmem>>
      %dma_start3A_87 = arith.constant 0 : i32
      %dma_start3A_88 = arith.constant 0 : i32
      %dma_start3A_89 = tpu.memref_slice %arg7[%dma_start3A_87, %dma_start3A_88] : memref<10000x8xf32, #tpu.memory_space<vmem_shared>> -> memref<10000x8xf32, #tpu.memory_space<vmem_shared>>
      tpu.enqueue_indirect_dma source(%arg6 : memref<80x8xf32, #tpu.memory_space<vmem>>) target(%dma_start3A_89 : memref<10000x8xf32, #tpu.memory_space<vmem_shared>>) offsets(%dma_start3A_86 : memref<80xi32, #tpu.memory_space<vmem>>) semaphore(%arg8 : memref<!tpu.dma_semaphore, #tpu.memory_space<semaphore_mem>>) {add = true}
      %add3A_90 = arith.constant 2 : i32
      %add3A_91 = arith.addi %mul3A_73, %add3A_90 : i32
      %dma_start3A_92 = arith.constant 0 : i32
      %dma_start3A_93 = tpu.memref_slice %arg5[%add3A_91, %dma_start3A_92] : memref<125x80xi32, #tpu.memory_space<vmem>> -> memref<1x80xi32, #tpu.memory_space<vmem>>
      %dma_start3A_94 = tpu.memref_squeeze %dma_start3A_93 : memref<1x80xi32, #tpu.memory_space<vmem>> -> memref<80xi32, #tpu.memory_space<vmem>>
      %dma_start3A_95 = arith.constant 0 : i32
      %dma_start3A_96 = arith.constant 0 : i32
      %dma_start3A_97 = tpu.memref_slice %arg7[%dma_start3A_95, %dma_start3A_96] : memref<10000x8xf32, #tpu.memory_space<vmem_shared>> -> memref<10000x8xf32, #tpu.memory_space<vmem_shared>>
      tpu.enqueue_indirect_dma source(%arg6 : memref<80x8xf32, #tpu.memory_space<vmem>>) target(%dma_start3A_97 : memref<10000x8xf32, #tpu.memory_space<vmem_shared>>) offsets(%dma_start3A_94 : memref<80xi32, #tpu.memory_space<vmem>>) semaphore(%arg8 : memref<!tpu.dma_semaphore, #tpu.memory_space<semaphore_mem>>) {add = true}
      %add3A_98 = arith.constant 3 : i32
      %add3A_99 = arith.addi %mul3A_73, %add3A_98 : i32
      %dma_start3A_100 = arith.constant 0 : i32
      %dma_start3A_101 = tpu.memref_slice %arg5[%add3A_99, %dma_start3A_100] : memref<125x80xi32, #tpu.memory_space<vmem>> -> memref<1x80xi32, #tpu.memory_space<vmem>>
      %dma_start3A_102 = tpu.memref_squeeze %dma_start3A_101 : memref<1x80xi32, #tpu.memory_space<vmem>> -> memref<80xi32, #tpu.memory_space<vmem>>
      %dma_start3A_103 = arith.constant 0 : i32
      %dma_start3A_104 = arith.constant 0 : i32
      %dma_start3A_105 = tpu.memref_slice %arg7[%dma_start3A_103, %dma_start3A_104] : memref<10000x8xf32, #tpu.memory_space<vmem_shared>> -> memref<10000x8xf32, #tpu.memory_space<vmem_shared>>
      tpu.enqueue_indirect_dma source(%arg6 : memref<80x8xf32, #tpu.memory_space<vmem>>) target(%dma_start3A_105 : memref<10000x8xf32, #tpu.memory_space<vmem_shared>>) offsets(%dma_start3A_102 : memref<80xi32, #tpu.memory_space<vmem>>) semaphore(%arg8 : memref<!tpu.dma_semaphore, #tpu.memory_space<semaphore_mem>>) {add = true}
      %add3A_106 = arith.constant 4 : i32
      %add3A_107 = arith.addi %mul3A_73, %add3A_106 : i32
      %dma_start3A_108 = arith.constant 0 : i32
      %dma_start3A_109 = tpu.memref_slice %arg5[%add3A_107, %dma_start3A_108] : memref<125x80xi32, #tpu.memory_space<vmem>> -> memref<1x80xi32, #tpu.memory_space<vmem>>
      %dma_start3A_110 = tpu.memref_squeeze %dma_start3A_109 : memref<1x80xi32, #tpu.memory_space<vmem>> -> memref<80xi32, #tpu.memory_space<vmem>>
      %dma_start3A_111 = arith.constant 0 : i32
      %dma_start3A_112 = arith.constant 0 : i32
      %dma_start3A_113 = tpu.memref_slice %arg7[%dma_start3A_111, %dma_start3A_112] : memref<10000x8xf32, #tpu.memory_space<vmem_shared>> -> memref<10000x8xf32, #tpu.memory_space<vmem_shared>>
      tpu.enqueue_indirect_dma source(%arg6 : memref<80x8xf32, #tpu.memory_space<vmem>>) target(%dma_start3A_113 : memref<10000x8xf32, #tpu.memory_space<vmem_shared>>) offsets(%dma_start3A_110 : memref<80xi32, #tpu.memory_space<vmem>>) semaphore(%arg8 : memref<!tpu.dma_semaphore, #tpu.memory_space<semaphore_mem>>) {add = true}
      %dma_wait3A_114 = arith.constant 0 : i32
      %dma_wait3A_115 = tpu.memref_slice %arg5[%add3A_75, %dma_wait3A_114] : memref<125x80xi32, #tpu.memory_space<vmem>> -> memref<1x80xi32, #tpu.memory_space<vmem>>
      %dma_wait3A_116 = tpu.memref_squeeze %dma_wait3A_115 : memref<1x80xi32, #tpu.memory_space<vmem>> -> memref<80xi32, #tpu.memory_space<vmem>>
      %dma_wait3A_117 = arith.constant 0 : i32
      %dma_wait3A_118 = arith.constant 0 : i32
      %dma_wait3A_119 = tpu.memref_slice %arg7[%dma_wait3A_117, %dma_wait3A_118] : memref<10000x8xf32, #tpu.memory_space<vmem_shared>> -> memref<10000x8xf32, #tpu.memory_space<vmem_shared>>
      tpu.wait_indirect_dma semaphore(%arg8 : memref<!tpu.dma_semaphore, #tpu.memory_space<semaphore_mem>>) src(%arg6 : memref<80x8xf32, #tpu.memory_space<vmem>>) dst(%dma_wait3A_119 : memref<10000x8xf32, #tpu.memory_space<vmem_shared>>)
      %dma_wait3A_120 = arith.constant 0 : i32
      %dma_wait3A_121 = tpu.memref_slice %arg5[%add3A_83, %dma_wait3A_120] : memref<125x80xi32, #tpu.memory_space<vmem>> -> memref<1x80xi32, #tpu.memory_space<vmem>>
      %dma_wait3A_122 = tpu.memref_squeeze %dma_wait3A_121 : memref<1x80xi32, #tpu.memory_space<vmem>> -> memref<80xi32, #tpu.memory_space<vmem>>
      %dma_wait3A_123 = arith.constant 0 : i32
      %dma_wait3A_124 = arith.constant 0 : i32
      %dma_wait3A_125 = tpu.memref_slice %arg7[%dma_wait3A_123, %dma_wait3A_124] : memref<10000x8xf32, #tpu.memory_space<vmem_shared>> -> memref<10000x8xf32, #tpu.memory_space<vmem_shared>>
      tpu.wait_indirect_dma semaphore(%arg8 : memref<!tpu.dma_semaphore, #tpu.memory_space<semaphore_mem>>) src(%arg6 : memref<80x8xf32, #tpu.memory_space<vmem>>) dst(%dma_wait3A_125 : memref<10000x8xf32, #tpu.memory_space<vmem_shared>>)
      %dma_wait3A_126 = arith.constant 0 : i32
      %dma_wait3A_127 = tpu.memref_slice %arg5[%add3A_91, %dma_wait3A_126] : memref<125x80xi32, #tpu.memory_space<vmem>> -> memref<1x80xi32, #tpu.memory_space<vmem>>
      %dma_wait3A_128 = tpu.memref_squeeze %dma_wait3A_127 : memref<1x80xi32, #tpu.memory_space<vmem>> -> memref<80xi32, #tpu.memory_space<vmem>>
      %dma_wait3A_129 = arith.constant 0 : i32
      %dma_wait3A_130 = arith.constant 0 : i32
      %dma_wait3A_131 = tpu.memref_slice %arg7[%dma_wait3A_129, %dma_wait3A_130] : memref<10000x8xf32, #tpu.memory_space<vmem_shared>> -> memref<10000x8xf32, #tpu.memory_space<vmem_shared>>
      tpu.wait_indirect_dma semaphore(%arg8 : memref<!tpu.dma_semaphore, #tpu.memory_space<semaphore_mem>>) src(%arg6 : memref<80x8xf32, #tpu.memory_space<vmem>>) dst(%dma_wait3A_131 : memref<10000x8xf32, #tpu.memory_space<vmem_shared>>)
      %dma_wait3A_132 = arith.constant 0 : i32
      %dma_wait3A_133 = tpu.memref_slice %arg5[%add3A_99, %dma_wait3A_132] : memref<125x80xi32, #tpu.memory_space<vmem>> -> memref<1x80xi32, #tpu.memory_space<vmem>>
      %dma_wait3A_134 = tpu.memref_squeeze %dma_wait3A_133 : memref<1x80xi32, #tpu.memory_space<vmem>> -> memref<80xi32, #tpu.memory_space<vmem>>
      %dma_wait3A_135 = arith.constant 0 : i32
      %dma_wait3A_136 = arith.constant 0 : i32
      %dma_wait3A_137 = tpu.memref_slice %arg7[%dma_wait3A_135, %dma_wait3A_136] : memref<10000x8xf32, #tpu.memory_space<vmem_shared>> -> memref<10000x8xf32, #tpu.memory_space<vmem_shared>>
      tpu.wait_indirect_dma semaphore(%arg8 : memref<!tpu.dma_semaphore, #tpu.memory_space<semaphore_mem>>) src(%arg6 : memref<80x8xf32, #tpu.memory_space<vmem>>) dst(%dma_wait3A_137 : memref<10000x8xf32, #tpu.memory_space<vmem_shared>>)
      %dma_wait3A_138 = arith.constant 0 : i32
      %dma_wait3A_139 = tpu.memref_slice %arg5[%add3A_107, %dma_wait3A_138] : memref<125x80xi32, #tpu.memory_space<vmem>> -> memref<1x80xi32, #tpu.memory_space<vmem>>
      %dma_wait3A_140 = tpu.memref_squeeze %dma_wait3A_139 : memref<1x80xi32, #tpu.memory_space<vmem>> -> memref<80xi32, #tpu.memory_space<vmem>>
      %dma_wait3A_141 = arith.constant 0 : i32
      %dma_wait3A_142 = arith.constant 0 : i32
      %dma_wait3A_143 = tpu.memref_slice %arg7[%dma_wait3A_141, %dma_wait3A_142] : memref<10000x8xf32, #tpu.memory_space<vmem_shared>> -> memref<10000x8xf32, #tpu.memory_space<vmem_shared>>
      tpu.wait_indirect_dma semaphore(%arg8 : memref<!tpu.dma_semaphore, #tpu.memory_space<semaphore_mem>>) src(%arg6 : memref<80x8xf32, #tpu.memory_space<vmem>>) dst(%dma_wait3A_143 : memref<10000x8xf32, #tpu.memory_space<vmem_shared>>)
    }
    %scan3A_65 = arith.constant 25 : i32
    %barrier3A_66 = arith.constant 0 : index
    tpu.barrier barrier_id(%barrier3A_66)
    %mul3A_67 = arith.constant 625 : i32
    %mul3A_68 = arith.muli %arg1, %mul3A_67 : i32
    %mul3A_69 = arith.constant 625 : i32
    %mul3A_70 = arith.muli %arg1, %mul3A_69 : i32
    "tpu.region"() ({
      %run_scoped3A = tpu.sem_alloc : memref<!tpu.dma_semaphore, #tpu.memory_space<semaphore_mem>>
      %dma_start3A_71 = arith.constant 0 : i32
      %dma_start3A_72 = arith.constant 0 : i32
      %dma_start3A_73 = tpu.memref_slice %arg4[%arg0, %dma_start3A_71, %dma_start3A_72] : memref<2x10000x128xf32, #tpu.memory_space<hbm>> -> memref<1x10000x128xf32, #tpu.memory_space<hbm>>
      %dma_start3A_74 = tpu.memref_squeeze %dma_start3A_73 : memref<1x10000x128xf32, #tpu.memory_space<hbm>> -> memref<10000x128xf32, #tpu.memory_space<hbm>>
      %dma_start3A_75 = arith.constant 0 : i32
      %dma_start3A_76 = tpu.memref_slice %dma_start3A_74[%mul3A_70, %dma_start3A_75] : memref<10000x128xf32, #tpu.memory_space<hbm>> -> memref<625x8xf32, #tpu.memory_space<hbm>>
      %dma_start3A_77 = arith.constant 0 : i32
      %dma_start3A_78 = tpu.memref_slice %arg7[%mul3A_68, %dma_start3A_77] : memref<10000x8xf32, #tpu.memory_space<vmem_shared>> -> memref<625x8xf32, #tpu.memory_space<vmem_shared>>
      tpu.enqueue_dma source(%dma_start3A_78 : memref<625x8xf32, #tpu.memory_space<vmem_shared>>) target(%dma_start3A_76 : memref<625x8xf32, #tpu.memory_space<hbm>>) target_semaphore(%run_scoped3A : memref<!tpu.dma_semaphore, #tpu.memory_space<semaphore_mem>>)
      %dma_wait3A_79 = arith.constant 0 : i32
      %dma_wait3A_80 = arith.constant 0 : i32
      %dma_wait3A_81 = tpu.memref_slice %arg4[%arg0, %dma_wait3A_79, %dma_wait3A_80] : memref<2x10000x128xf32, #tpu.memory_space<hbm>> -> memref<1x10000x128xf32, #tpu.memory_space<hbm>>
      %dma_wait3A_82 = tpu.memref_squeeze %dma_wait3A_81 : memref<1x10000x128xf32, #tpu.memory_space<hbm>> -> memref<10000x128xf32, #tpu.memory_space<hbm>>
      %dma_wait3A_83 = arith.constant 0 : i32
      %dma_wait3A_84 = tpu.memref_slice %dma_wait3A_82[%mul3A_70, %dma_wait3A_83] : memref<10000x128xf32, #tpu.memory_space<hbm>> -> memref<625x8xf32, #tpu.memory_space<hbm>>
      %dma_wait3A_85 = arith.constant 0 : i32
      %dma_wait3A_86 = tpu.memref_slice %arg7[%mul3A_68, %dma_wait3A_85] : memref<10000x8xf32, #tpu.memory_space<vmem_shared>> -> memref<625x8xf32, #tpu.memory_space<vmem_shared>>
      tpu.wait_dma2 semaphore(%run_scoped3A : memref<!tpu.dma_semaphore, #tpu.memory_space<semaphore_mem>>) src(%dma_wait3A_86 : memref<625x8xf32, #tpu.memory_space<vmem_shared>>) dst(%dma_wait3A_84 : memref<625x8xf32, #tpu.memory_space<hbm>>)
      tpu.yield
    }) : () -> ()
    return
  }
}

#map = affine_map<(d0, d1) -> (0, 0)>
#map1 = affine_map<(d0, d1) -> (0, 0, 0, 0)>
#map2 = affine_map<(d0, d1) -> (0, 0, 0)>
module attributes {stable_mosaic.version = 14 : i64} {
  func.func @_agg_kernel(%arg0: i32, %arg1: i32, %arg2: memref<10000x128xbf16, #tpu.memory_space<hbm>>, %arg3: memref<2x32x125x80xi32, #tpu.memory_space<hbm>>, %arg4: memref<2x10000x128xbf16, #tpu.memory_space<hbm>>, %arg5: memref<125x80xi32, #tpu.memory_space<vmem>>, %arg6: memref<125x80xi32, #tpu.memory_space<vmem>>, %arg7: memref<5x80x128xbf16, #tpu.memory_space<vmem>>, %arg8: memref<10000x128xbf16, #tpu.memory_space<vmem_shared>>, %arg9: memref<!tpu.dma_semaphore, #tpu.memory_space<semaphore_mem>>, %arg10: memref<!tpu.dma_semaphore, #tpu.memory_space<semaphore_mem>>, %arg11: memref<!tpu.dma_semaphore, #tpu.memory_space<semaphore_mem>>, %arg12: memref<!tpu.dma_semaphore, #tpu.memory_space<semaphore_mem>>, %arg13: memref<!tpu.dma_semaphore, #tpu.memory_space<semaphore_mem>>) attributes {dimension_semantics = [#tpu.dimension_semantics<core_parallel>, #tpu.dimension_semantics<subcore_parallel>], iteration_bounds = array<i64: 2, 16>, scalar_prefetch = 0 : i64, scratch_operands = 9 : i64, tpu.core_type = #tpu.core_type<sc_vector_subcore>, window_params = [{transform_indices = #map}, {transform_indices = #map1}, {transform_indices = #map2}]} {
    %mul3A = arith.constant 2 : i32
    %mul3A_0 = arith.muli %arg1, %mul3A : i32
    %add3A = arith.addi %mul3A_0, %arg0 : i32
    %dma_start3A = arith.constant 0 : i32
    %dma_start3A_1 = arith.constant 0 : i32
    %dma_start3A_2 = arith.constant 0 : i32
    %dma_start3A_3 = arith.constant 0 : i32
    %dma_start3A_4 = tpu.memref_slice %arg3[%dma_start3A, %dma_start3A_1, %dma_start3A_2, %dma_start3A_3] : memref<2x32x125x80xi32, #tpu.memory_space<hbm>> -> memref<1x32x125x80xi32, #tpu.memory_space<hbm>>
    %dma_start3A_5 = tpu.memref_squeeze %dma_start3A_4 : memref<1x32x125x80xi32, #tpu.memory_space<hbm>> -> memref<32x125x80xi32, #tpu.memory_space<hbm>>
    %dma_start3A_6 = arith.constant 0 : i32
    %dma_start3A_7 = arith.constant 0 : i32
    %dma_start3A_8 = tpu.memref_slice %dma_start3A_5[%add3A, %dma_start3A_6, %dma_start3A_7] : memref<32x125x80xi32, #tpu.memory_space<hbm>> -> memref<1x125x80xi32, #tpu.memory_space<hbm>>
    %dma_start3A_9 = tpu.memref_squeeze %dma_start3A_8 : memref<1x125x80xi32, #tpu.memory_space<hbm>> -> memref<125x80xi32, #tpu.memory_space<hbm>>
    %dma_start3A_10 = arith.constant 0 : i32
    %dma_start3A_11 = arith.constant 0 : i32
    %dma_start3A_12 = arith.constant 0 : i32
    %dma_start3A_13 = tpu.memref_slice %arg3[%dma_start3A, %dma_start3A_10, %dma_start3A_11, %dma_start3A_12] : memref<2x32x125x80xi32, #tpu.memory_space<hbm>> -> memref<1x32x125x80xi32, #tpu.memory_space<hbm>>
    %dma_start3A_14 = tpu.memref_squeeze %dma_start3A_13 : memref<1x32x125x80xi32, #tpu.memory_space<hbm>> -> memref<32x125x80xi32, #tpu.memory_space<hbm>>
    %dma_start3A_15 = arith.constant 0 : i32
    %dma_start3A_16 = arith.constant 0 : i32
    %dma_start3A_17 = tpu.memref_slice %dma_start3A_14[%add3A, %dma_start3A_15, %dma_start3A_16] : memref<32x125x80xi32, #tpu.memory_space<hbm>> -> memref<1x125x80xi32, #tpu.memory_space<hbm>>
    %dma_start3A_18 = tpu.memref_squeeze %dma_start3A_17 : memref<1x125x80xi32, #tpu.memory_space<hbm>> -> memref<125x80xi32, #tpu.memory_space<hbm>>
    tpu.enqueue_dma source(%dma_start3A_18 : memref<125x80xi32, #tpu.memory_space<hbm>>) target(%arg5 : memref<125x80xi32, #tpu.memory_space<vmem>>) target_semaphore(%arg9 : memref<!tpu.dma_semaphore, #tpu.memory_space<semaphore_mem>>)
    %dma_start3A_19 = arith.constant 1 : i32
    %dma_start3A_20 = arith.constant 0 : i32
    %dma_start3A_21 = arith.constant 0 : i32
    %dma_start3A_22 = arith.constant 0 : i32
    %dma_start3A_23 = tpu.memref_slice %arg3[%dma_start3A_19, %dma_start3A_20, %dma_start3A_21, %dma_start3A_22] : memref<2x32x125x80xi32, #tpu.memory_space<hbm>> -> memref<1x32x125x80xi32, #tpu.memory_space<hbm>>
    %dma_start3A_24 = tpu.memref_squeeze %dma_start3A_23 : memref<1x32x125x80xi32, #tpu.memory_space<hbm>> -> memref<32x125x80xi32, #tpu.memory_space<hbm>>
    %dma_start3A_25 = arith.constant 0 : i32
    %dma_start3A_26 = arith.constant 0 : i32
    %dma_start3A_27 = tpu.memref_slice %dma_start3A_24[%add3A, %dma_start3A_25, %dma_start3A_26] : memref<32x125x80xi32, #tpu.memory_space<hbm>> -> memref<1x125x80xi32, #tpu.memory_space<hbm>>
    %dma_start3A_28 = tpu.memref_squeeze %dma_start3A_27 : memref<1x125x80xi32, #tpu.memory_space<hbm>> -> memref<125x80xi32, #tpu.memory_space<hbm>>
    %dma_start3A_29 = arith.constant 0 : i32
    %dma_start3A_30 = arith.constant 0 : i32
    %dma_start3A_31 = arith.constant 0 : i32
    %dma_start3A_32 = tpu.memref_slice %arg3[%dma_start3A_19, %dma_start3A_29, %dma_start3A_30, %dma_start3A_31] : memref<2x32x125x80xi32, #tpu.memory_space<hbm>> -> memref<1x32x125x80xi32, #tpu.memory_space<hbm>>
    %dma_start3A_33 = tpu.memref_squeeze %dma_start3A_32 : memref<1x32x125x80xi32, #tpu.memory_space<hbm>> -> memref<32x125x80xi32, #tpu.memory_space<hbm>>
    %dma_start3A_34 = arith.constant 0 : i32
    %dma_start3A_35 = arith.constant 0 : i32
    %dma_start3A_36 = tpu.memref_slice %dma_start3A_33[%add3A, %dma_start3A_34, %dma_start3A_35] : memref<32x125x80xi32, #tpu.memory_space<hbm>> -> memref<1x125x80xi32, #tpu.memory_space<hbm>>
    %dma_start3A_37 = tpu.memref_squeeze %dma_start3A_36 : memref<1x125x80xi32, #tpu.memory_space<hbm>> -> memref<125x80xi32, #tpu.memory_space<hbm>>
    tpu.enqueue_dma source(%dma_start3A_37 : memref<125x80xi32, #tpu.memory_space<hbm>>) target(%arg6 : memref<125x80xi32, #tpu.memory_space<vmem>>) target_semaphore(%arg10 : memref<!tpu.dma_semaphore, #tpu.memory_space<semaphore_mem>>)
    %mul3A_38 = arith.constant 625 : i32
    %mul3A_39 = arith.muli %arg1, %mul3A_38 : i32
    %mul3A_40 = arith.constant 625 : i32
    %mul3A_41 = arith.muli %arg1, %mul3A_40 : i32
    %dma_start3A_42 = arith.constant 0 : i32
    %dma_start3A_43 = tpu.memref_slice %arg8[%mul3A_41, %dma_start3A_42] : memref<10000x128xbf16, #tpu.memory_space<vmem_shared>> -> memref<625x128xbf16, #tpu.memory_space<vmem_shared>>
    %dma_start3A_44 = arith.constant 0 : i32
    %dma_start3A_45 = tpu.memref_slice %arg2[%mul3A_39, %dma_start3A_44] : memref<10000x128xbf16, #tpu.memory_space<hbm>> -> memref<625x128xbf16, #tpu.memory_space<hbm>>
    tpu.enqueue_dma source(%dma_start3A_45 : memref<625x128xbf16, #tpu.memory_space<hbm>>) target(%dma_start3A_43 : memref<625x128xbf16, #tpu.memory_space<vmem_shared>>) target_semaphore(%arg11 : memref<!tpu.dma_semaphore, #tpu.memory_space<semaphore_mem>>)
    %dma_wait3A = arith.constant 0 : i32
    %dma_wait3A_46 = arith.constant 0 : i32
    %dma_wait3A_47 = arith.constant 0 : i32
    %dma_wait3A_48 = arith.constant 0 : i32
    %dma_wait3A_49 = tpu.memref_slice %arg3[%dma_wait3A, %dma_wait3A_46, %dma_wait3A_47, %dma_wait3A_48] : memref<2x32x125x80xi32, #tpu.memory_space<hbm>> -> memref<1x32x125x80xi32, #tpu.memory_space<hbm>>
    %dma_wait3A_50 = tpu.memref_squeeze %dma_wait3A_49 : memref<1x32x125x80xi32, #tpu.memory_space<hbm>> -> memref<32x125x80xi32, #tpu.memory_space<hbm>>
    %dma_wait3A_51 = arith.constant 0 : i32
    %dma_wait3A_52 = arith.constant 0 : i32
    %dma_wait3A_53 = tpu.memref_slice %dma_wait3A_50[%add3A, %dma_wait3A_51, %dma_wait3A_52] : memref<32x125x80xi32, #tpu.memory_space<hbm>> -> memref<1x125x80xi32, #tpu.memory_space<hbm>>
    %dma_wait3A_54 = tpu.memref_squeeze %dma_wait3A_53 : memref<1x125x80xi32, #tpu.memory_space<hbm>> -> memref<125x80xi32, #tpu.memory_space<hbm>>
    %dma_wait3A_55 = arith.constant 0 : i32
    %dma_wait3A_56 = arith.constant 0 : i32
    %dma_wait3A_57 = arith.constant 0 : i32
    %dma_wait3A_58 = tpu.memref_slice %arg3[%dma_wait3A, %dma_wait3A_55, %dma_wait3A_56, %dma_wait3A_57] : memref<2x32x125x80xi32, #tpu.memory_space<hbm>> -> memref<1x32x125x80xi32, #tpu.memory_space<hbm>>
    %dma_wait3A_59 = tpu.memref_squeeze %dma_wait3A_58 : memref<1x32x125x80xi32, #tpu.memory_space<hbm>> -> memref<32x125x80xi32, #tpu.memory_space<hbm>>
    %dma_wait3A_60 = arith.constant 0 : i32
    %dma_wait3A_61 = arith.constant 0 : i32
    %dma_wait3A_62 = tpu.memref_slice %dma_wait3A_59[%add3A, %dma_wait3A_60, %dma_wait3A_61] : memref<32x125x80xi32, #tpu.memory_space<hbm>> -> memref<1x125x80xi32, #tpu.memory_space<hbm>>
    %dma_wait3A_63 = tpu.memref_squeeze %dma_wait3A_62 : memref<1x125x80xi32, #tpu.memory_space<hbm>> -> memref<125x80xi32, #tpu.memory_space<hbm>>
    tpu.wait_dma2 semaphore(%arg9 : memref<!tpu.dma_semaphore, #tpu.memory_space<semaphore_mem>>) src(%dma_wait3A_63 : memref<125x80xi32, #tpu.memory_space<hbm>>) dst(%arg5 : memref<125x80xi32, #tpu.memory_space<vmem>>)
    %dma_wait3A_64 = arith.constant 1 : i32
    %dma_wait3A_65 = arith.constant 0 : i32
    %dma_wait3A_66 = arith.constant 0 : i32
    %dma_wait3A_67 = arith.constant 0 : i32
    %dma_wait3A_68 = tpu.memref_slice %arg3[%dma_wait3A_64, %dma_wait3A_65, %dma_wait3A_66, %dma_wait3A_67] : memref<2x32x125x80xi32, #tpu.memory_space<hbm>> -> memref<1x32x125x80xi32, #tpu.memory_space<hbm>>
    %dma_wait3A_69 = tpu.memref_squeeze %dma_wait3A_68 : memref<1x32x125x80xi32, #tpu.memory_space<hbm>> -> memref<32x125x80xi32, #tpu.memory_space<hbm>>
    %dma_wait3A_70 = arith.constant 0 : i32
    %dma_wait3A_71 = arith.constant 0 : i32
    %dma_wait3A_72 = tpu.memref_slice %dma_wait3A_69[%add3A, %dma_wait3A_70, %dma_wait3A_71] : memref<32x125x80xi32, #tpu.memory_space<hbm>> -> memref<1x125x80xi32, #tpu.memory_space<hbm>>
    %dma_wait3A_73 = tpu.memref_squeeze %dma_wait3A_72 : memref<1x125x80xi32, #tpu.memory_space<hbm>> -> memref<125x80xi32, #tpu.memory_space<hbm>>
    %dma_wait3A_74 = arith.constant 0 : i32
    %dma_wait3A_75 = arith.constant 0 : i32
    %dma_wait3A_76 = arith.constant 0 : i32
    %dma_wait3A_77 = tpu.memref_slice %arg3[%dma_wait3A_64, %dma_wait3A_74, %dma_wait3A_75, %dma_wait3A_76] : memref<2x32x125x80xi32, #tpu.memory_space<hbm>> -> memref<1x32x125x80xi32, #tpu.memory_space<hbm>>
    %dma_wait3A_78 = tpu.memref_squeeze %dma_wait3A_77 : memref<1x32x125x80xi32, #tpu.memory_space<hbm>> -> memref<32x125x80xi32, #tpu.memory_space<hbm>>
    %dma_wait3A_79 = arith.constant 0 : i32
    %dma_wait3A_80 = arith.constant 0 : i32
    %dma_wait3A_81 = tpu.memref_slice %dma_wait3A_78[%add3A, %dma_wait3A_79, %dma_wait3A_80] : memref<32x125x80xi32, #tpu.memory_space<hbm>> -> memref<1x125x80xi32, #tpu.memory_space<hbm>>
    %dma_wait3A_82 = tpu.memref_squeeze %dma_wait3A_81 : memref<1x125x80xi32, #tpu.memory_space<hbm>> -> memref<125x80xi32, #tpu.memory_space<hbm>>
    tpu.wait_dma2 semaphore(%arg10 : memref<!tpu.dma_semaphore, #tpu.memory_space<semaphore_mem>>) src(%dma_wait3A_82 : memref<125x80xi32, #tpu.memory_space<hbm>>) dst(%arg6 : memref<125x80xi32, #tpu.memory_space<vmem>>)
    %dma_wait3A_83 = arith.constant 0 : i32
    %dma_wait3A_84 = tpu.memref_slice %arg8[%mul3A_41, %dma_wait3A_83] : memref<10000x128xbf16, #tpu.memory_space<vmem_shared>> -> memref<625x128xbf16, #tpu.memory_space<vmem_shared>>
    %dma_wait3A_85 = arith.constant 0 : i32
    %dma_wait3A_86 = tpu.memref_slice %arg2[%mul3A_39, %dma_wait3A_85] : memref<10000x128xbf16, #tpu.memory_space<hbm>> -> memref<625x128xbf16, #tpu.memory_space<hbm>>
    tpu.wait_dma2 semaphore(%arg11 : memref<!tpu.dma_semaphore, #tpu.memory_space<semaphore_mem>>) src(%dma_wait3A_86 : memref<625x128xbf16, #tpu.memory_space<hbm>>) dst(%dma_wait3A_84 : memref<625x128xbf16, #tpu.memory_space<vmem_shared>>)
    %barrier3A = arith.constant 0 : index
    tpu.barrier barrier_id(%barrier3A)
    %dma_start3A_87 = arith.constant 0 : i32
    %dma_start3A_88 = arith.constant 0 : i32
    %dma_start3A_89 = arith.constant 0 : i32
    %dma_start3A_90 = arith.constant 0 : i32
    %dma_start3A_91 = tpu.memref_slice %arg7[%dma_start3A_88, %dma_start3A_89, %dma_start3A_90] : memref<5x80x128xbf16, #tpu.memory_space<vmem>> -> memref<1x80x128xbf16, #tpu.memory_space<vmem>>
    %dma_start3A_92 = tpu.memref_squeeze %dma_start3A_91 : memref<1x80x128xbf16, #tpu.memory_space<vmem>> -> memref<80x128xbf16, #tpu.memory_space<vmem>>
    %dma_start3A_93 = arith.constant 0 : i32
    %dma_start3A_94 = tpu.memref_slice %arg5[%dma_start3A_87, %dma_start3A_93] : memref<125x80xi32, #tpu.memory_space<vmem>> -> memref<1x80xi32, #tpu.memory_space<vmem>>
    %dma_start3A_95 = tpu.memref_squeeze %dma_start3A_94 : memref<1x80xi32, #tpu.memory_space<vmem>> -> memref<80xi32, #tpu.memory_space<vmem>>
    %dma_start3A_96 = arith.constant 0 : i32
    %dma_start3A_97 = arith.constant 0 : i32
    %dma_start3A_98 = tpu.memref_slice %arg2[%dma_start3A_96, %dma_start3A_97] : memref<10000x128xbf16, #tpu.memory_space<hbm>> -> memref<10000x128xbf16, #tpu.memory_space<hbm>>
    tpu.enqueue_indirect_dma source(%dma_start3A_98 : memref<10000x128xbf16, #tpu.memory_space<hbm>>) target(%dma_start3A_92 : memref<80x128xbf16, #tpu.memory_space<vmem>>) offsets(%dma_start3A_95 : memref<80xi32, #tpu.memory_space<vmem>>) semaphore(%arg9 : memref<!tpu.dma_semaphore, #tpu.memory_space<semaphore_mem>>)
    %dma_start3A_99 = arith.constant 1 : i32
    %dma_start3A_100 = arith.constant 1 : i32
    %dma_start3A_101 = arith.constant 0 : i32
    %dma_start3A_102 = arith.constant 0 : i32
    %dma_start3A_103 = tpu.memref_slice %arg7[%dma_start3A_100, %dma_start3A_101, %dma_start3A_102] : memref<5x80x128xbf16, #tpu.memory_space<vmem>> -> memref<1x80x128xbf16, #tpu.memory_space<vmem>>
    %dma_start3A_104 = tpu.memref_squeeze %dma_start3A_103 : memref<1x80x128xbf16, #tpu.memory_space<vmem>> -> memref<80x128xbf16, #tpu.memory_space<vmem>>
    %dma_start3A_105 = arith.constant 0 : i32
    %dma_start3A_106 = tpu.memref_slice %arg5[%dma_start3A_99, %dma_start3A_105] : memref<125x80xi32, #tpu.memory_space<vmem>> -> memref<1x80xi32, #tpu.memory_space<vmem>>
    %dma_start3A_107 = tpu.memref_squeeze %dma_start3A_106 : memref<1x80xi32, #tpu.memory_space<vmem>> -> memref<80xi32, #tpu.memory_space<vmem>>
    %dma_start3A_108 = arith.constant 0 : i32
    %dma_start3A_109 = arith.constant 0 : i32
    %dma_start3A_110 = tpu.memref_slice %arg2[%dma_start3A_108, %dma_start3A_109] : memref<10000x128xbf16, #tpu.memory_space<hbm>> -> memref<10000x128xbf16, #tpu.memory_space<hbm>>
    tpu.enqueue_indirect_dma source(%dma_start3A_110 : memref<10000x128xbf16, #tpu.memory_space<hbm>>) target(%dma_start3A_104 : memref<80x128xbf16, #tpu.memory_space<vmem>>) offsets(%dma_start3A_107 : memref<80xi32, #tpu.memory_space<vmem>>) semaphore(%arg10 : memref<!tpu.dma_semaphore, #tpu.memory_space<semaphore_mem>>)
    %dma_start3A_111 = arith.constant 2 : i32
    %dma_start3A_112 = arith.constant 2 : i32
    %dma_start3A_113 = arith.constant 0 : i32
    %dma_start3A_114 = arith.constant 0 : i32
    %dma_start3A_115 = tpu.memref_slice %arg7[%dma_start3A_112, %dma_start3A_113, %dma_start3A_114] : memref<5x80x128xbf16, #tpu.memory_space<vmem>> -> memref<1x80x128xbf16, #tpu.memory_space<vmem>>
    %dma_start3A_116 = tpu.memref_squeeze %dma_start3A_115 : memref<1x80x128xbf16, #tpu.memory_space<vmem>> -> memref<80x128xbf16, #tpu.memory_space<vmem>>
    %dma_start3A_117 = arith.constant 0 : i32
    %dma_start3A_118 = tpu.memref_slice %arg5[%dma_start3A_111, %dma_start3A_117] : memref<125x80xi32, #tpu.memory_space<vmem>> -> memref<1x80xi32, #tpu.memory_space<vmem>>
    %dma_start3A_119 = tpu.memref_squeeze %dma_start3A_118 : memref<1x80xi32, #tpu.memory_space<vmem>> -> memref<80xi32, #tpu.memory_space<vmem>>
    %dma_start3A_120 = arith.constant 0 : i32
    %dma_start3A_121 = arith.constant 0 : i32
    %dma_start3A_122 = tpu.memref_slice %arg2[%dma_start3A_120, %dma_start3A_121] : memref<10000x128xbf16, #tpu.memory_space<hbm>> -> memref<10000x128xbf16, #tpu.memory_space<hbm>>
    tpu.enqueue_indirect_dma source(%dma_start3A_122 : memref<10000x128xbf16, #tpu.memory_space<hbm>>) target(%dma_start3A_116 : memref<80x128xbf16, #tpu.memory_space<vmem>>) offsets(%dma_start3A_119 : memref<80xi32, #tpu.memory_space<vmem>>) semaphore(%arg11 : memref<!tpu.dma_semaphore, #tpu.memory_space<semaphore_mem>>)
    %dma_start3A_123 = arith.constant 3 : i32
    %dma_start3A_124 = arith.constant 3 : i32
    %dma_start3A_125 = arith.constant 0 : i32
    %dma_start3A_126 = arith.constant 0 : i32
    %dma_start3A_127 = tpu.memref_slice %arg7[%dma_start3A_124, %dma_start3A_125, %dma_start3A_126] : memref<5x80x128xbf16, #tpu.memory_space<vmem>> -> memref<1x80x128xbf16, #tpu.memory_space<vmem>>
    %dma_start3A_128 = tpu.memref_squeeze %dma_start3A_127 : memref<1x80x128xbf16, #tpu.memory_space<vmem>> -> memref<80x128xbf16, #tpu.memory_space<vmem>>
    %dma_start3A_129 = arith.constant 0 : i32
    %dma_start3A_130 = tpu.memref_slice %arg5[%dma_start3A_123, %dma_start3A_129] : memref<125x80xi32, #tpu.memory_space<vmem>> -> memref<1x80xi32, #tpu.memory_space<vmem>>
    %dma_start3A_131 = tpu.memref_squeeze %dma_start3A_130 : memref<1x80xi32, #tpu.memory_space<vmem>> -> memref<80xi32, #tpu.memory_space<vmem>>
    %dma_start3A_132 = arith.constant 0 : i32
    %dma_start3A_133 = arith.constant 0 : i32
    %dma_start3A_134 = tpu.memref_slice %arg2[%dma_start3A_132, %dma_start3A_133] : memref<10000x128xbf16, #tpu.memory_space<hbm>> -> memref<10000x128xbf16, #tpu.memory_space<hbm>>
    tpu.enqueue_indirect_dma source(%dma_start3A_134 : memref<10000x128xbf16, #tpu.memory_space<hbm>>) target(%dma_start3A_128 : memref<80x128xbf16, #tpu.memory_space<vmem>>) offsets(%dma_start3A_131 : memref<80xi32, #tpu.memory_space<vmem>>) semaphore(%arg12 : memref<!tpu.dma_semaphore, #tpu.memory_space<semaphore_mem>>)
    %scan3A = arith.constant 0 : i32
    %scan3A_135 = arith.constant 0 : i32
    %scan3A_136 = arith.constant 24 : i32
    %scan3A_137 = arith.addi %scan3A_135, %scan3A_136 : i32
    %scan3A_138 = arith.constant 1 : i32
    scf.for %scan3A_226 = %scan3A_135 to %scan3A_137 step %scan3A_138  : i32 {
      %mul3A_227 = arith.constant 5 : i32
      %mul3A_228 = arith.muli %scan3A_226, %mul3A_227 : i32
      %add3A_229 = arith.constant 0 : i32
      %add3A_230 = arith.addi %mul3A_228, %add3A_229 : i32
      %add3A_231 = arith.constant 4 : i32
      %add3A_232 = arith.addi %add3A_230, %add3A_231 : i32
      %dma_start3A_233 = arith.constant 4 : i32
      %dma_start3A_234 = arith.constant 0 : i32
      %dma_start3A_235 = arith.constant 0 : i32
      %dma_start3A_236 = tpu.memref_slice %arg7[%dma_start3A_233, %dma_start3A_234, %dma_start3A_235] : memref<5x80x128xbf16, #tpu.memory_space<vmem>> -> memref<1x80x128xbf16, #tpu.memory_space<vmem>>
      %dma_start3A_237 = tpu.memref_squeeze %dma_start3A_236 : memref<1x80x128xbf16, #tpu.memory_space<vmem>> -> memref<80x128xbf16, #tpu.memory_space<vmem>>
      %dma_start3A_238 = arith.constant 0 : i32
      %dma_start3A_239 = tpu.memref_slice %arg5[%add3A_232, %dma_start3A_238] : memref<125x80xi32, #tpu.memory_space<vmem>> -> memref<1x80xi32, #tpu.memory_space<vmem>>
      %dma_start3A_240 = tpu.memref_squeeze %dma_start3A_239 : memref<1x80xi32, #tpu.memory_space<vmem>> -> memref<80xi32, #tpu.memory_space<vmem>>
      %dma_start3A_241 = arith.constant 0 : i32
      %dma_start3A_242 = arith.constant 0 : i32
      %dma_start3A_243 = tpu.memref_slice %arg2[%dma_start3A_241, %dma_start3A_242] : memref<10000x128xbf16, #tpu.memory_space<hbm>> -> memref<10000x128xbf16, #tpu.memory_space<hbm>>
      tpu.enqueue_indirect_dma source(%dma_start3A_243 : memref<10000x128xbf16, #tpu.memory_space<hbm>>) target(%dma_start3A_237 : memref<80x128xbf16, #tpu.memory_space<vmem>>) offsets(%dma_start3A_240 : memref<80xi32, #tpu.memory_space<vmem>>) semaphore(%arg13 : memref<!tpu.dma_semaphore, #tpu.memory_space<semaphore_mem>>)
      %dma_wait3A_244 = arith.constant 0 : i32
      %dma_wait3A_245 = arith.constant 0 : i32
      %dma_wait3A_246 = arith.constant 0 : i32
      %dma_wait3A_247 = arith.constant 0 : i32
      %dma_wait3A_248 = tpu.memref_slice %arg7[%dma_wait3A_245, %dma_wait3A_246, %dma_wait3A_247] : memref<5x80x128xbf16, #tpu.memory_space<vmem>> -> memref<1x80x128xbf16, #tpu.memory_space<vmem>>
      %dma_wait3A_249 = tpu.memref_squeeze %dma_wait3A_248 : memref<1x80x128xbf16, #tpu.memory_space<vmem>> -> memref<80x128xbf16, #tpu.memory_space<vmem>>
      %dma_wait3A_250 = arith.constant 0 : i32
      %dma_wait3A_251 = tpu.memref_slice %arg5[%dma_wait3A_244, %dma_wait3A_250] : memref<125x80xi32, #tpu.memory_space<vmem>> -> memref<1x80xi32, #tpu.memory_space<vmem>>
      %dma_wait3A_252 = tpu.memref_squeeze %dma_wait3A_251 : memref<1x80xi32, #tpu.memory_space<vmem>> -> memref<80xi32, #tpu.memory_space<vmem>>
      %dma_wait3A_253 = arith.constant 0 : i32
      %dma_wait3A_254 = arith.constant 0 : i32
      %dma_wait3A_255 = tpu.memref_slice %arg2[%dma_wait3A_253, %dma_wait3A_254] : memref<10000x128xbf16, #tpu.memory_space<hbm>> -> memref<10000x128xbf16, #tpu.memory_space<hbm>>
      tpu.wait_indirect_dma semaphore(%arg9 : memref<!tpu.dma_semaphore, #tpu.memory_space<semaphore_mem>>) src(%dma_wait3A_255 : memref<10000x128xbf16, #tpu.memory_space<hbm>>) dst(%dma_wait3A_249 : memref<80x128xbf16, #tpu.memory_space<vmem>>)
      %run_scoped3A_256 = arith.constant 0 : i32
      "tpu.region"() ({
        %run_scoped3A_369 = tpu.sem_alloc : memref<!tpu.dma_semaphore, #tpu.memory_space<semaphore_mem>>
        %dma_start3A_370 = arith.constant 0 : i32
        %dma_start3A_371 = arith.constant 0 : i32
        %dma_start3A_372 = tpu.memref_slice %arg7[%run_scoped3A_256, %dma_start3A_370, %dma_start3A_371] : memref<5x80x128xbf16, #tpu.memory_space<vmem>> -> memref<1x80x128xbf16, #tpu.memory_space<vmem>>
        %dma_start3A_373 = tpu.memref_squeeze %dma_start3A_372 : memref<1x80x128xbf16, #tpu.memory_space<vmem>> -> memref<80x128xbf16, #tpu.memory_space<vmem>>
        %dma_start3A_374 = arith.constant 0 : i32
        %dma_start3A_375 = tpu.memref_slice %arg6[%add3A_230, %dma_start3A_374] : memref<125x80xi32, #tpu.memory_space<vmem>> -> memref<1x80xi32, #tpu.memory_space<vmem>>
        %dma_start3A_376 = tpu.memref_squeeze %dma_start3A_375 : memref<1x80xi32, #tpu.memory_space<vmem>> -> memref<80xi32, #tpu.memory_space<vmem>>
        %dma_start3A_377 = arith.constant 0 : i32
        %dma_start3A_378 = arith.constant 0 : i32
        %dma_start3A_379 = tpu.memref_slice %arg8[%dma_start3A_377, %dma_start3A_378] : memref<10000x128xbf16, #tpu.memory_space<vmem_shared>> -> memref<10000x128xbf16, #tpu.memory_space<vmem_shared>>
        tpu.enqueue_indirect_dma source(%dma_start3A_373 : memref<80x128xbf16, #tpu.memory_space<vmem>>) target(%dma_start3A_379 : memref<10000x128xbf16, #tpu.memory_space<vmem_shared>>) offsets(%dma_start3A_376 : memref<80xi32, #tpu.memory_space<vmem>>) semaphore(%run_scoped3A_369 : memref<!tpu.dma_semaphore, #tpu.memory_space<semaphore_mem>>) {add = true}
        %dma_wait3A_380 = arith.constant 0 : i32
        %dma_wait3A_381 = arith.constant 0 : i32
        %dma_wait3A_382 = tpu.memref_slice %arg7[%run_scoped3A_256, %dma_wait3A_380, %dma_wait3A_381] : memref<5x80x128xbf16, #tpu.memory_space<vmem>> -> memref<1x80x128xbf16, #tpu.memory_space<vmem>>
        %dma_wait3A_383 = tpu.memref_squeeze %dma_wait3A_382 : memref<1x80x128xbf16, #tpu.memory_space<vmem>> -> memref<80x128xbf16, #tpu.memory_space<vmem>>
        %dma_wait3A_384 = arith.constant 0 : i32
        %dma_wait3A_385 = tpu.memref_slice %arg6[%add3A_230, %dma_wait3A_384] : memref<125x80xi32, #tpu.memory_space<vmem>> -> memref<1x80xi32, #tpu.memory_space<vmem>>
        %dma_wait3A_386 = tpu.memref_squeeze %dma_wait3A_385 : memref<1x80xi32, #tpu.memory_space<vmem>> -> memref<80xi32, #tpu.memory_space<vmem>>
        %dma_wait3A_387 = arith.constant 0 : i32
        %dma_wait3A_388 = arith.constant 0 : i32
        %dma_wait3A_389 = tpu.memref_slice %arg8[%dma_wait3A_387, %dma_wait3A_388] : memref<10000x128xbf16, #tpu.memory_space<vmem_shared>> -> memref<10000x128xbf16, #tpu.memory_space<vmem_shared>>
        tpu.wait_indirect_dma semaphore(%run_scoped3A_369 : memref<!tpu.dma_semaphore, #tpu.memory_space<semaphore_mem>>) src(%dma_wait3A_383 : memref<80x128xbf16, #tpu.memory_space<vmem>>) dst(%dma_wait3A_389 : memref<10000x128xbf16, #tpu.memory_space<vmem_shared>>)
        tpu.yield
      }) : () -> ()
      %add3A_257 = arith.constant 1 : i32
      %add3A_258 = arith.addi %mul3A_228, %add3A_257 : i32
      %add3A_259 = arith.constant 4 : i32
      %add3A_260 = arith.addi %add3A_258, %add3A_259 : i32
      %dma_start3A_261 = arith.constant 0 : i32
      %dma_start3A_262 = arith.constant 0 : i32
      %dma_start3A_263 = arith.constant 0 : i32
      %dma_start3A_264 = tpu.memref_slice %arg7[%dma_start3A_261, %dma_start3A_262, %dma_start3A_263] : memref<5x80x128xbf16, #tpu.memory_space<vmem>> -> memref<1x80x128xbf16, #tpu.memory_space<vmem>>
      %dma_start3A_265 = tpu.memref_squeeze %dma_start3A_264 : memref<1x80x128xbf16, #tpu.memory_space<vmem>> -> memref<80x128xbf16, #tpu.memory_space<vmem>>
      %dma_start3A_266 = arith.constant 0 : i32
      %dma_start3A_267 = tpu.memref_slice %arg5[%add3A_260, %dma_start3A_266] : memref<125x80xi32, #tpu.memory_space<vmem>> -> memref<1x80xi32, #tpu.memory_space<vmem>>
      %dma_start3A_268 = tpu.memref_squeeze %dma_start3A_267 : memref<1x80xi32, #tpu.memory_space<vmem>> -> memref<80xi32, #tpu.memory_space<vmem>>
      %dma_start3A_269 = arith.constant 0 : i32
      %dma_start3A_270 = arith.constant 0 : i32
      %dma_start3A_271 = tpu.memref_slice %arg2[%dma_start3A_269, %dma_start3A_270] : memref<10000x128xbf16, #tpu.memory_space<hbm>> -> memref<10000x128xbf16, #tpu.memory_space<hbm>>
      tpu.enqueue_indirect_dma source(%dma_start3A_271 : memref<10000x128xbf16, #tpu.memory_space<hbm>>) target(%dma_start3A_265 : memref<80x128xbf16, #tpu.memory_space<vmem>>) offsets(%dma_start3A_268 : memref<80xi32, #tpu.memory_space<vmem>>) semaphore(%arg9 : memref<!tpu.dma_semaphore, #tpu.memory_space<semaphore_mem>>)
      %dma_wait3A_272 = arith.constant 0 : i32
      %dma_wait3A_273 = arith.constant 1 : i32
      %dma_wait3A_274 = arith.constant 0 : i32
      %dma_wait3A_275 = arith.constant 0 : i32
      %dma_wait3A_276 = tpu.memref_slice %arg7[%dma_wait3A_273, %dma_wait3A_274, %dma_wait3A_275] : memref<5x80x128xbf16, #tpu.memory_space<vmem>> -> memref<1x80x128xbf16, #tpu.memory_space<vmem>>
      %dma_wait3A_277 = tpu.memref_squeeze %dma_wait3A_276 : memref<1x80x128xbf16, #tpu.memory_space<vmem>> -> memref<80x128xbf16, #tpu.memory_space<vmem>>
      %dma_wait3A_278 = arith.constant 0 : i32
      %dma_wait3A_279 = tpu.memref_slice %arg5[%dma_wait3A_272, %dma_wait3A_278] : memref<125x80xi32, #tpu.memory_space<vmem>> -> memref<1x80xi32, #tpu.memory_space<vmem>>
      %dma_wait3A_280 = tpu.memref_squeeze %dma_wait3A_279 : memref<1x80xi32, #tpu.memory_space<vmem>> -> memref<80xi32, #tpu.memory_space<vmem>>
      %dma_wait3A_281 = arith.constant 0 : i32
      %dma_wait3A_282 = arith.constant 0 : i32
      %dma_wait3A_283 = tpu.memref_slice %arg2[%dma_wait3A_281, %dma_wait3A_282] : memref<10000x128xbf16, #tpu.memory_space<hbm>> -> memref<10000x128xbf16, #tpu.memory_space<hbm>>
      tpu.wait_indirect_dma semaphore(%arg10 : memref<!tpu.dma_semaphore, #tpu.memory_space<semaphore_mem>>) src(%dma_wait3A_283 : memref<10000x128xbf16, #tpu.memory_space<hbm>>) dst(%dma_wait3A_277 : memref<80x128xbf16, #tpu.memory_space<vmem>>)
      %run_scoped3A_284 = arith.constant 1 : i32
      "tpu.region"() ({
        %run_scoped3A_369 = tpu.sem_alloc : memref<!tpu.dma_semaphore, #tpu.memory_space<semaphore_mem>>
        %dma_start3A_370 = arith.constant 0 : i32
        %dma_start3A_371 = arith.constant 0 : i32
        %dma_start3A_372 = tpu.memref_slice %arg7[%run_scoped3A_284, %dma_start3A_370, %dma_start3A_371] : memref<5x80x128xbf16, #tpu.memory_space<vmem>> -> memref<1x80x128xbf16, #tpu.memory_space<vmem>>
        %dma_start3A_373 = tpu.memref_squeeze %dma_start3A_372 : memref<1x80x128xbf16, #tpu.memory_space<vmem>> -> memref<80x128xbf16, #tpu.memory_space<vmem>>
        %dma_start3A_374 = arith.constant 0 : i32
        %dma_start3A_375 = tpu.memref_slice %arg6[%add3A_258, %dma_start3A_374] : memref<125x80xi32, #tpu.memory_space<vmem>> -> memref<1x80xi32, #tpu.memory_space<vmem>>
        %dma_start3A_376 = tpu.memref_squeeze %dma_start3A_375 : memref<1x80xi32, #tpu.memory_space<vmem>> -> memref<80xi32, #tpu.memory_space<vmem>>
        %dma_start3A_377 = arith.constant 0 : i32
        %dma_start3A_378 = arith.constant 0 : i32
        %dma_start3A_379 = tpu.memref_slice %arg8[%dma_start3A_377, %dma_start3A_378] : memref<10000x128xbf16, #tpu.memory_space<vmem_shared>> -> memref<10000x128xbf16, #tpu.memory_space<vmem_shared>>
        tpu.enqueue_indirect_dma source(%dma_start3A_373 : memref<80x128xbf16, #tpu.memory_space<vmem>>) target(%dma_start3A_379 : memref<10000x128xbf16, #tpu.memory_space<vmem_shared>>) offsets(%dma_start3A_376 : memref<80xi32, #tpu.memory_space<vmem>>) semaphore(%run_scoped3A_369 : memref<!tpu.dma_semaphore, #tpu.memory_space<semaphore_mem>>) {add = true}
        %dma_wait3A_380 = arith.constant 0 : i32
        %dma_wait3A_381 = arith.constant 0 : i32
        %dma_wait3A_382 = tpu.memref_slice %arg7[%run_scoped3A_284, %dma_wait3A_380, %dma_wait3A_381] : memref<5x80x128xbf16, #tpu.memory_space<vmem>> -> memref<1x80x128xbf16, #tpu.memory_space<vmem>>
        %dma_wait3A_383 = tpu.memref_squeeze %dma_wait3A_382 : memref<1x80x128xbf16, #tpu.memory_space<vmem>> -> memref<80x128xbf16, #tpu.memory_space<vmem>>
        %dma_wait3A_384 = arith.constant 0 : i32
        %dma_wait3A_385 = tpu.memref_slice %arg6[%add3A_258, %dma_wait3A_384] : memref<125x80xi32, #tpu.memory_space<vmem>> -> memref<1x80xi32, #tpu.memory_space<vmem>>
        %dma_wait3A_386 = tpu.memref_squeeze %dma_wait3A_385 : memref<1x80xi32, #tpu.memory_space<vmem>> -> memref<80xi32, #tpu.memory_space<vmem>>
        %dma_wait3A_387 = arith.constant 0 : i32
        %dma_wait3A_388 = arith.constant 0 : i32
        %dma_wait3A_389 = tpu.memref_slice %arg8[%dma_wait3A_387, %dma_wait3A_388] : memref<10000x128xbf16, #tpu.memory_space<vmem_shared>> -> memref<10000x128xbf16, #tpu.memory_space<vmem_shared>>
        tpu.wait_indirect_dma semaphore(%run_scoped3A_369 : memref<!tpu.dma_semaphore, #tpu.memory_space<semaphore_mem>>) src(%dma_wait3A_383 : memref<80x128xbf16, #tpu.memory_space<vmem>>) dst(%dma_wait3A_389 : memref<10000x128xbf16, #tpu.memory_space<vmem_shared>>)
        tpu.yield
      }) : () -> ()
      %add3A_285 = arith.constant 2 : i32
      %add3A_286 = arith.addi %mul3A_228, %add3A_285 : i32
      %add3A_287 = arith.constant 4 : i32
      %add3A_288 = arith.addi %add3A_286, %add3A_287 : i32
      %dma_start3A_289 = arith.constant 1 : i32
      %dma_start3A_290 = arith.constant 0 : i32
      %dma_start3A_291 = arith.constant 0 : i32
      %dma_start3A_292 = tpu.memref_slice %arg7[%dma_start3A_289, %dma_start3A_290, %dma_start3A_291] : memref<5x80x128xbf16, #tpu.memory_space<vmem>> -> memref<1x80x128xbf16, #tpu.memory_space<vmem>>
      %dma_start3A_293 = tpu.memref_squeeze %dma_start3A_292 : memref<1x80x128xbf16, #tpu.memory_space<vmem>> -> memref<80x128xbf16, #tpu.memory_space<vmem>>
      %dma_start3A_294 = arith.constant 0 : i32
      %dma_start3A_295 = tpu.memref_slice %arg5[%add3A_288, %dma_start3A_294] : memref<125x80xi32, #tpu.memory_space<vmem>> -> memref<1x80xi32, #tpu.memory_space<vmem>>
      %dma_start3A_296 = tpu.memref_squeeze %dma_start3A_295 : memref<1x80xi32, #tpu.memory_space<vmem>> -> memref<80xi32, #tpu.memory_space<vmem>>
      %dma_start3A_297 = arith.constant 0 : i32
      %dma_start3A_298 = arith.constant 0 : i32
      %dma_start3A_299 = tpu.memref_slice %arg2[%dma_start3A_297, %dma_start3A_298] : memref<10000x128xbf16, #tpu.memory_space<hbm>> -> memref<10000x128xbf16, #tpu.memory_space<hbm>>
      tpu.enqueue_indirect_dma source(%dma_start3A_299 : memref<10000x128xbf16, #tpu.memory_space<hbm>>) target(%dma_start3A_293 : memref<80x128xbf16, #tpu.memory_space<vmem>>) offsets(%dma_start3A_296 : memref<80xi32, #tpu.memory_space<vmem>>) semaphore(%arg10 : memref<!tpu.dma_semaphore, #tpu.memory_space<semaphore_mem>>)
      %dma_wait3A_300 = arith.constant 0 : i32
      %dma_wait3A_301 = arith.constant 2 : i32
      %dma_wait3A_302 = arith.constant 0 : i32
      %dma_wait3A_303 = arith.constant 0 : i32
      %dma_wait3A_304 = tpu.memref_slice %arg7[%dma_wait3A_301, %dma_wait3A_302, %dma_wait3A_303] : memref<5x80x128xbf16, #tpu.memory_space<vmem>> -> memref<1x80x128xbf16, #tpu.memory_space<vmem>>
      %dma_wait3A_305 = tpu.memref_squeeze %dma_wait3A_304 : memref<1x80x128xbf16, #tpu.memory_space<vmem>> -> memref<80x128xbf16, #tpu.memory_space<vmem>>
      %dma_wait3A_306 = arith.constant 0 : i32
      %dma_wait3A_307 = tpu.memref_slice %arg5[%dma_wait3A_300, %dma_wait3A_306] : memref<125x80xi32, #tpu.memory_space<vmem>> -> memref<1x80xi32, #tpu.memory_space<vmem>>
      %dma_wait3A_308 = tpu.memref_squeeze %dma_wait3A_307 : memref<1x80xi32, #tpu.memory_space<vmem>> -> memref<80xi32, #tpu.memory_space<vmem>>
      %dma_wait3A_309 = arith.constant 0 : i32
      %dma_wait3A_310 = arith.constant 0 : i32
      %dma_wait3A_311 = tpu.memref_slice %arg2[%dma_wait3A_309, %dma_wait3A_310] : memref<10000x128xbf16, #tpu.memory_space<hbm>> -> memref<10000x128xbf16, #tpu.memory_space<hbm>>
      tpu.wait_indirect_dma semaphore(%arg11 : memref<!tpu.dma_semaphore, #tpu.memory_space<semaphore_mem>>) src(%dma_wait3A_311 : memref<10000x128xbf16, #tpu.memory_space<hbm>>) dst(%dma_wait3A_305 : memref<80x128xbf16, #tpu.memory_space<vmem>>)
      %run_scoped3A_312 = arith.constant 2 : i32
      "tpu.region"() ({
        %run_scoped3A_369 = tpu.sem_alloc : memref<!tpu.dma_semaphore, #tpu.memory_space<semaphore_mem>>
        %dma_start3A_370 = arith.constant 0 : i32
        %dma_start3A_371 = arith.constant 0 : i32
        %dma_start3A_372 = tpu.memref_slice %arg7[%run_scoped3A_312, %dma_start3A_370, %dma_start3A_371] : memref<5x80x128xbf16, #tpu.memory_space<vmem>> -> memref<1x80x128xbf16, #tpu.memory_space<vmem>>
        %dma_start3A_373 = tpu.memref_squeeze %dma_start3A_372 : memref<1x80x128xbf16, #tpu.memory_space<vmem>> -> memref<80x128xbf16, #tpu.memory_space<vmem>>
        %dma_start3A_374 = arith.constant 0 : i32
        %dma_start3A_375 = tpu.memref_slice %arg6[%add3A_286, %dma_start3A_374] : memref<125x80xi32, #tpu.memory_space<vmem>> -> memref<1x80xi32, #tpu.memory_space<vmem>>
        %dma_start3A_376 = tpu.memref_squeeze %dma_start3A_375 : memref<1x80xi32, #tpu.memory_space<vmem>> -> memref<80xi32, #tpu.memory_space<vmem>>
        %dma_start3A_377 = arith.constant 0 : i32
        %dma_start3A_378 = arith.constant 0 : i32
        %dma_start3A_379 = tpu.memref_slice %arg8[%dma_start3A_377, %dma_start3A_378] : memref<10000x128xbf16, #tpu.memory_space<vmem_shared>> -> memref<10000x128xbf16, #tpu.memory_space<vmem_shared>>
        tpu.enqueue_indirect_dma source(%dma_start3A_373 : memref<80x128xbf16, #tpu.memory_space<vmem>>) target(%dma_start3A_379 : memref<10000x128xbf16, #tpu.memory_space<vmem_shared>>) offsets(%dma_start3A_376 : memref<80xi32, #tpu.memory_space<vmem>>) semaphore(%run_scoped3A_369 : memref<!tpu.dma_semaphore, #tpu.memory_space<semaphore_mem>>) {add = true}
        %dma_wait3A_380 = arith.constant 0 : i32
        %dma_wait3A_381 = arith.constant 0 : i32
        %dma_wait3A_382 = tpu.memref_slice %arg7[%run_scoped3A_312, %dma_wait3A_380, %dma_wait3A_381] : memref<5x80x128xbf16, #tpu.memory_space<vmem>> -> memref<1x80x128xbf16, #tpu.memory_space<vmem>>
        %dma_wait3A_383 = tpu.memref_squeeze %dma_wait3A_382 : memref<1x80x128xbf16, #tpu.memory_space<vmem>> -> memref<80x128xbf16, #tpu.memory_space<vmem>>
        %dma_wait3A_384 = arith.constant 0 : i32
        %dma_wait3A_385 = tpu.memref_slice %arg6[%add3A_286, %dma_wait3A_384] : memref<125x80xi32, #tpu.memory_space<vmem>> -> memref<1x80xi32, #tpu.memory_space<vmem>>
        %dma_wait3A_386 = tpu.memref_squeeze %dma_wait3A_385 : memref<1x80xi32, #tpu.memory_space<vmem>> -> memref<80xi32, #tpu.memory_space<vmem>>
        %dma_wait3A_387 = arith.constant 0 : i32
        %dma_wait3A_388 = arith.constant 0 : i32
        %dma_wait3A_389 = tpu.memref_slice %arg8[%dma_wait3A_387, %dma_wait3A_388] : memref<10000x128xbf16, #tpu.memory_space<vmem_shared>> -> memref<10000x128xbf16, #tpu.memory_space<vmem_shared>>
        tpu.wait_indirect_dma semaphore(%run_scoped3A_369 : memref<!tpu.dma_semaphore, #tpu.memory_space<semaphore_mem>>) src(%dma_wait3A_383 : memref<80x128xbf16, #tpu.memory_space<vmem>>) dst(%dma_wait3A_389 : memref<10000x128xbf16, #tpu.memory_space<vmem_shared>>)
        tpu.yield
      }) : () -> ()
      %add3A_313 = arith.constant 3 : i32
      %add3A_314 = arith.addi %mul3A_228, %add3A_313 : i32
      %add3A_315 = arith.constant 4 : i32
      %add3A_316 = arith.addi %add3A_314, %add3A_315 : i32
      %dma_start3A_317 = arith.constant 2 : i32
      %dma_start3A_318 = arith.constant 0 : i32
      %dma_start3A_319 = arith.constant 0 : i32
      %dma_start3A_320 = tpu.memref_slice %arg7[%dma_start3A_317, %dma_start3A_318, %dma_start3A_319] : memref<5x80x128xbf16, #tpu.memory_space<vmem>> -> memref<1x80x128xbf16, #tpu.memory_space<vmem>>
      %dma_start3A_321 = tpu.memref_squeeze %dma_start3A_320 : memref<1x80x128xbf16, #tpu.memory_space<vmem>> -> memref<80x128xbf16, #tpu.memory_space<vmem>>
      %dma_start3A_322 = arith.constant 0 : i32
      %dma_start3A_323 = tpu.memref_slice %arg5[%add3A_316, %dma_start3A_322] : memref<125x80xi32, #tpu.memory_space<vmem>> -> memref<1x80xi32, #tpu.memory_space<vmem>>
      %dma_start3A_324 = tpu.memref_squeeze %dma_start3A_323 : memref<1x80xi32, #tpu.memory_space<vmem>> -> memref<80xi32, #tpu.memory_space<vmem>>
      %dma_start3A_325 = arith.constant 0 : i32
      %dma_start3A_326 = arith.constant 0 : i32
      %dma_start3A_327 = tpu.memref_slice %arg2[%dma_start3A_325, %dma_start3A_326] : memref<10000x128xbf16, #tpu.memory_space<hbm>> -> memref<10000x128xbf16, #tpu.memory_space<hbm>>
      tpu.enqueue_indirect_dma source(%dma_start3A_327 : memref<10000x128xbf16, #tpu.memory_space<hbm>>) target(%dma_start3A_321 : memref<80x128xbf16, #tpu.memory_space<vmem>>) offsets(%dma_start3A_324 : memref<80xi32, #tpu.memory_space<vmem>>) semaphore(%arg11 : memref<!tpu.dma_semaphore, #tpu.memory_space<semaphore_mem>>)
      %dma_wait3A_328 = arith.constant 0 : i32
      %dma_wait3A_329 = arith.constant 3 : i32
      %dma_wait3A_330 = arith.constant 0 : i32
      %dma_wait3A_331 = arith.constant 0 : i32
      %dma_wait3A_332 = tpu.memref_slice %arg7[%dma_wait3A_329, %dma_wait3A_330, %dma_wait3A_331] : memref<5x80x128xbf16, #tpu.memory_space<vmem>> -> memref<1x80x128xbf16, #tpu.memory_space<vmem>>
      %dma_wait3A_333 = tpu.memref_squeeze %dma_wait3A_332 : memref<1x80x128xbf16, #tpu.memory_space<vmem>> -> memref<80x128xbf16, #tpu.memory_space<vmem>>
      %dma_wait3A_334 = arith.constant 0 : i32
      %dma_wait3A_335 = tpu.memref_slice %arg5[%dma_wait3A_328, %dma_wait3A_334] : memref<125x80xi32, #tpu.memory_space<vmem>> -> memref<1x80xi32, #tpu.memory_space<vmem>>
      %dma_wait3A_336 = tpu.memref_squeeze %dma_wait3A_335 : memref<1x80xi32, #tpu.memory_space<vmem>> -> memref<80xi32, #tpu.memory_space<vmem>>
      %dma_wait3A_337 = arith.constant 0 : i32
      %dma_wait3A_338 = arith.constant 0 : i32
      %dma_wait3A_339 = tpu.memref_slice %arg2[%dma_wait3A_337, %dma_wait3A_338] : memref<10000x128xbf16, #tpu.memory_space<hbm>> -> memref<10000x128xbf16, #tpu.memory_space<hbm>>
      tpu.wait_indirect_dma semaphore(%arg12 : memref<!tpu.dma_semaphore, #tpu.memory_space<semaphore_mem>>) src(%dma_wait3A_339 : memref<10000x128xbf16, #tpu.memory_space<hbm>>) dst(%dma_wait3A_333 : memref<80x128xbf16, #tpu.memory_space<vmem>>)
      %run_scoped3A_340 = arith.constant 3 : i32
      "tpu.region"() ({
        %run_scoped3A_369 = tpu.sem_alloc : memref<!tpu.dma_semaphore, #tpu.memory_space<semaphore_mem>>
        %dma_start3A_370 = arith.constant 0 : i32
        %dma_start3A_371 = arith.constant 0 : i32
        %dma_start3A_372 = tpu.memref_slice %arg7[%run_scoped3A_340, %dma_start3A_370, %dma_start3A_371] : memref<5x80x128xbf16, #tpu.memory_space<vmem>> -> memref<1x80x128xbf16, #tpu.memory_space<vmem>>
        %dma_start3A_373 = tpu.memref_squeeze %dma_start3A_372 : memref<1x80x128xbf16, #tpu.memory_space<vmem>> -> memref<80x128xbf16, #tpu.memory_space<vmem>>
        %dma_start3A_374 = arith.constant 0 : i32
        %dma_start3A_375 = tpu.memref_slice %arg6[%add3A_314, %dma_start3A_374] : memref<125x80xi32, #tpu.memory_space<vmem>> -> memref<1x80xi32, #tpu.memory_space<vmem>>
        %dma_start3A_376 = tpu.memref_squeeze %dma_start3A_375 : memref<1x80xi32, #tpu.memory_space<vmem>> -> memref<80xi32, #tpu.memory_space<vmem>>
        %dma_start3A_377 = arith.constant 0 : i32
        %dma_start3A_378 = arith.constant 0 : i32
        %dma_start3A_379 = tpu.memref_slice %arg8[%dma_start3A_377, %dma_start3A_378] : memref<10000x128xbf16, #tpu.memory_space<vmem_shared>> -> memref<10000x128xbf16, #tpu.memory_space<vmem_shared>>
        tpu.enqueue_indirect_dma source(%dma_start3A_373 : memref<80x128xbf16, #tpu.memory_space<vmem>>) target(%dma_start3A_379 : memref<10000x128xbf16, #tpu.memory_space<vmem_shared>>) offsets(%dma_start3A_376 : memref<80xi32, #tpu.memory_space<vmem>>) semaphore(%run_scoped3A_369 : memref<!tpu.dma_semaphore, #tpu.memory_space<semaphore_mem>>) {add = true}
        %dma_wait3A_380 = arith.constant 0 : i32
        %dma_wait3A_381 = arith.constant 0 : i32
        %dma_wait3A_382 = tpu.memref_slice %arg7[%run_scoped3A_340, %dma_wait3A_380, %dma_wait3A_381] : memref<5x80x128xbf16, #tpu.memory_space<vmem>> -> memref<1x80x128xbf16, #tpu.memory_space<vmem>>
        %dma_wait3A_383 = tpu.memref_squeeze %dma_wait3A_382 : memref<1x80x128xbf16, #tpu.memory_space<vmem>> -> memref<80x128xbf16, #tpu.memory_space<vmem>>
        %dma_wait3A_384 = arith.constant 0 : i32
        %dma_wait3A_385 = tpu.memref_slice %arg6[%add3A_314, %dma_wait3A_384] : memref<125x80xi32, #tpu.memory_space<vmem>> -> memref<1x80xi32, #tpu.memory_space<vmem>>
        %dma_wait3A_386 = tpu.memref_squeeze %dma_wait3A_385 : memref<1x80xi32, #tpu.memory_space<vmem>> -> memref<80xi32, #tpu.memory_space<vmem>>
        %dma_wait3A_387 = arith.constant 0 : i32
        %dma_wait3A_388 = arith.constant 0 : i32
        %dma_wait3A_389 = tpu.memref_slice %arg8[%dma_wait3A_387, %dma_wait3A_388] : memref<10000x128xbf16, #tpu.memory_space<vmem_shared>> -> memref<10000x128xbf16, #tpu.memory_space<vmem_shared>>
        tpu.wait_indirect_dma semaphore(%run_scoped3A_369 : memref<!tpu.dma_semaphore, #tpu.memory_space<semaphore_mem>>) src(%dma_wait3A_383 : memref<80x128xbf16, #tpu.memory_space<vmem>>) dst(%dma_wait3A_389 : memref<10000x128xbf16, #tpu.memory_space<vmem_shared>>)
        tpu.yield
      }) : () -> ()
      %add3A_341 = arith.constant 4 : i32
      %add3A_342 = arith.addi %mul3A_228, %add3A_341 : i32
      %add3A_343 = arith.constant 4 : i32
      %add3A_344 = arith.addi %add3A_342, %add3A_343 : i32
      %dma_start3A_345 = arith.constant 3 : i32
      %dma_start3A_346 = arith.constant 0 : i32
      %dma_start3A_347 = arith.constant 0 : i32
      %dma_start3A_348 = tpu.memref_slice %arg7[%dma_start3A_345, %dma_start3A_346, %dma_start3A_347] : memref<5x80x128xbf16, #tpu.memory_space<vmem>> -> memref<1x80x128xbf16, #tpu.memory_space<vmem>>
      %dma_start3A_349 = tpu.memref_squeeze %dma_start3A_348 : memref<1x80x128xbf16, #tpu.memory_space<vmem>> -> memref<80x128xbf16, #tpu.memory_space<vmem>>
      %dma_start3A_350 = arith.constant 0 : i32
      %dma_start3A_351 = tpu.memref_slice %arg5[%add3A_344, %dma_start3A_350] : memref<125x80xi32, #tpu.memory_space<vmem>> -> memref<1x80xi32, #tpu.memory_space<vmem>>
      %dma_start3A_352 = tpu.memref_squeeze %dma_start3A_351 : memref<1x80xi32, #tpu.memory_space<vmem>> -> memref<80xi32, #tpu.memory_space<vmem>>
      %dma_start3A_353 = arith.constant 0 : i32
      %dma_start3A_354 = arith.constant 0 : i32
      %dma_start3A_355 = tpu.memref_slice %arg2[%dma_start3A_353, %dma_start3A_354] : memref<10000x128xbf16, #tpu.memory_space<hbm>> -> memref<10000x128xbf16, #tpu.memory_space<hbm>>
      tpu.enqueue_indirect_dma source(%dma_start3A_355 : memref<10000x128xbf16, #tpu.memory_space<hbm>>) target(%dma_start3A_349 : memref<80x128xbf16, #tpu.memory_space<vmem>>) offsets(%dma_start3A_352 : memref<80xi32, #tpu.memory_space<vmem>>) semaphore(%arg12 : memref<!tpu.dma_semaphore, #tpu.memory_space<semaphore_mem>>)
      %dma_wait3A_356 = arith.constant 0 : i32
      %dma_wait3A_357 = arith.constant 4 : i32
      %dma_wait3A_358 = arith.constant 0 : i32
      %dma_wait3A_359 = arith.constant 0 : i32
      %dma_wait3A_360 = tpu.memref_slice %arg7[%dma_wait3A_357, %dma_wait3A_358, %dma_wait3A_359] : memref<5x80x128xbf16, #tpu.memory_space<vmem>> -> memref<1x80x128xbf16, #tpu.memory_space<vmem>>
      %dma_wait3A_361 = tpu.memref_squeeze %dma_wait3A_360 : memref<1x80x128xbf16, #tpu.memory_space<vmem>> -> memref<80x128xbf16, #tpu.memory_space<vmem>>
      %dma_wait3A_362 = arith.constant 0 : i32
      %dma_wait3A_363 = tpu.memref_slice %arg5[%dma_wait3A_356, %dma_wait3A_362] : memref<125x80xi32, #tpu.memory_space<vmem>> -> memref<1x80xi32, #tpu.memory_space<vmem>>
      %dma_wait3A_364 = tpu.memref_squeeze %dma_wait3A_363 : memref<1x80xi32, #tpu.memory_space<vmem>> -> memref<80xi32, #tpu.memory_space<vmem>>
      %dma_wait3A_365 = arith.constant 0 : i32
      %dma_wait3A_366 = arith.constant 0 : i32
      %dma_wait3A_367 = tpu.memref_slice %arg2[%dma_wait3A_365, %dma_wait3A_366] : memref<10000x128xbf16, #tpu.memory_space<hbm>> -> memref<10000x128xbf16, #tpu.memory_space<hbm>>
      tpu.wait_indirect_dma semaphore(%arg13 : memref<!tpu.dma_semaphore, #tpu.memory_space<semaphore_mem>>) src(%dma_wait3A_367 : memref<10000x128xbf16, #tpu.memory_space<hbm>>) dst(%dma_wait3A_361 : memref<80x128xbf16, #tpu.memory_space<vmem>>)
      %run_scoped3A_368 = arith.constant 4 : i32
      "tpu.region"() ({
        %run_scoped3A_369 = tpu.sem_alloc : memref<!tpu.dma_semaphore, #tpu.memory_space<semaphore_mem>>
        %dma_start3A_370 = arith.constant 0 : i32
        %dma_start3A_371 = arith.constant 0 : i32
        %dma_start3A_372 = tpu.memref_slice %arg7[%run_scoped3A_368, %dma_start3A_370, %dma_start3A_371] : memref<5x80x128xbf16, #tpu.memory_space<vmem>> -> memref<1x80x128xbf16, #tpu.memory_space<vmem>>
        %dma_start3A_373 = tpu.memref_squeeze %dma_start3A_372 : memref<1x80x128xbf16, #tpu.memory_space<vmem>> -> memref<80x128xbf16, #tpu.memory_space<vmem>>
        %dma_start3A_374 = arith.constant 0 : i32
        %dma_start3A_375 = tpu.memref_slice %arg6[%add3A_342, %dma_start3A_374] : memref<125x80xi32, #tpu.memory_space<vmem>> -> memref<1x80xi32, #tpu.memory_space<vmem>>
        %dma_start3A_376 = tpu.memref_squeeze %dma_start3A_375 : memref<1x80xi32, #tpu.memory_space<vmem>> -> memref<80xi32, #tpu.memory_space<vmem>>
        %dma_start3A_377 = arith.constant 0 : i32
        %dma_start3A_378 = arith.constant 0 : i32
        %dma_start3A_379 = tpu.memref_slice %arg8[%dma_start3A_377, %dma_start3A_378] : memref<10000x128xbf16, #tpu.memory_space<vmem_shared>> -> memref<10000x128xbf16, #tpu.memory_space<vmem_shared>>
        tpu.enqueue_indirect_dma source(%dma_start3A_373 : memref<80x128xbf16, #tpu.memory_space<vmem>>) target(%dma_start3A_379 : memref<10000x128xbf16, #tpu.memory_space<vmem_shared>>) offsets(%dma_start3A_376 : memref<80xi32, #tpu.memory_space<vmem>>) semaphore(%run_scoped3A_369 : memref<!tpu.dma_semaphore, #tpu.memory_space<semaphore_mem>>) {add = true}
        %dma_wait3A_380 = arith.constant 0 : i32
        %dma_wait3A_381 = arith.constant 0 : i32
        %dma_wait3A_382 = tpu.memref_slice %arg7[%run_scoped3A_368, %dma_wait3A_380, %dma_wait3A_381] : memref<5x80x128xbf16, #tpu.memory_space<vmem>> -> memref<1x80x128xbf16, #tpu.memory_space<vmem>>
        %dma_wait3A_383 = tpu.memref_squeeze %dma_wait3A_382 : memref<1x80x128xbf16, #tpu.memory_space<vmem>> -> memref<80x128xbf16, #tpu.memory_space<vmem>>
        %dma_wait3A_384 = arith.constant 0 : i32
        %dma_wait3A_385 = tpu.memref_slice %arg6[%add3A_342, %dma_wait3A_384] : memref<125x80xi32, #tpu.memory_space<vmem>> -> memref<1x80xi32, #tpu.memory_space<vmem>>
        %dma_wait3A_386 = tpu.memref_squeeze %dma_wait3A_385 : memref<1x80xi32, #tpu.memory_space<vmem>> -> memref<80xi32, #tpu.memory_space<vmem>>
        %dma_wait3A_387 = arith.constant 0 : i32
        %dma_wait3A_388 = arith.constant 0 : i32
        %dma_wait3A_389 = tpu.memref_slice %arg8[%dma_wait3A_387, %dma_wait3A_388] : memref<10000x128xbf16, #tpu.memory_space<vmem_shared>> -> memref<10000x128xbf16, #tpu.memory_space<vmem_shared>>
        tpu.wait_indirect_dma semaphore(%run_scoped3A_369 : memref<!tpu.dma_semaphore, #tpu.memory_space<semaphore_mem>>) src(%dma_wait3A_383 : memref<80x128xbf16, #tpu.memory_space<vmem>>) dst(%dma_wait3A_389 : memref<10000x128xbf16, #tpu.memory_space<vmem_shared>>)
        tpu.yield
      }) : () -> ()
    }
    %scan3A_139 = arith.constant 24 : i32
    %dma_start3A_140 = arith.constant 124 : i32
    %dma_start3A_141 = arith.constant 4 : i32
    %dma_start3A_142 = arith.constant 0 : i32
    %dma_start3A_143 = arith.constant 0 : i32
    %dma_start3A_144 = tpu.memref_slice %arg7[%dma_start3A_141, %dma_start3A_142, %dma_start3A_143] : memref<5x80x128xbf16, #tpu.memory_space<vmem>> -> memref<1x80x128xbf16, #tpu.memory_space<vmem>>
    %dma_start3A_145 = tpu.memref_squeeze %dma_start3A_144 : memref<1x80x128xbf16, #tpu.memory_space<vmem>> -> memref<80x128xbf16, #tpu.memory_space<vmem>>
    %dma_start3A_146 = arith.constant 0 : i32
    %dma_start3A_147 = tpu.memref_slice %arg5[%dma_start3A_140, %dma_start3A_146] : memref<125x80xi32, #tpu.memory_space<vmem>> -> memref<1x80xi32, #tpu.memory_space<vmem>>
    %dma_start3A_148 = tpu.memref_squeeze %dma_start3A_147 : memref<1x80xi32, #tpu.memory_space<vmem>> -> memref<80xi32, #tpu.memory_space<vmem>>
    %dma_start3A_149 = arith.constant 0 : i32
    %dma_start3A_150 = arith.constant 0 : i32
    %dma_start3A_151 = tpu.memref_slice %arg2[%dma_start3A_149, %dma_start3A_150] : memref<10000x128xbf16, #tpu.memory_space<hbm>> -> memref<10000x128xbf16, #tpu.memory_space<hbm>>
    tpu.enqueue_indirect_dma source(%dma_start3A_151 : memref<10000x128xbf16, #tpu.memory_space<hbm>>) target(%dma_start3A_145 : memref<80x128xbf16, #tpu.memory_space<vmem>>) offsets(%dma_start3A_148 : memref<80xi32, #tpu.memory_space<vmem>>) semaphore(%arg13 : memref<!tpu.dma_semaphore, #tpu.memory_space<semaphore_mem>>)
    %dma_wait3A_152 = arith.constant 0 : i32
    %dma_wait3A_153 = arith.constant 0 : i32
    %dma_wait3A_154 = arith.constant 0 : i32
    %dma_wait3A_155 = arith.constant 0 : i32
    %dma_wait3A_156 = tpu.memref_slice %arg7[%dma_wait3A_153, %dma_wait3A_154, %dma_wait3A_155] : memref<5x80x128xbf16, #tpu.memory_space<vmem>> -> memref<1x80x128xbf16, #tpu.memory_space<vmem>>
    %dma_wait3A_157 = tpu.memref_squeeze %dma_wait3A_156 : memref<1x80x128xbf16, #tpu.memory_space<vmem>> -> memref<80x128xbf16, #tpu.memory_space<vmem>>
    %dma_wait3A_158 = arith.constant 0 : i32
    %dma_wait3A_159 = tpu.memref_slice %arg5[%dma_wait3A_152, %dma_wait3A_158] : memref<125x80xi32, #tpu.memory_space<vmem>> -> memref<1x80xi32, #tpu.memory_space<vmem>>
    %dma_wait3A_160 = tpu.memref_squeeze %dma_wait3A_159 : memref<1x80xi32, #tpu.memory_space<vmem>> -> memref<80xi32, #tpu.memory_space<vmem>>
    %dma_wait3A_161 = arith.constant 0 : i32
    %dma_wait3A_162 = arith.constant 0 : i32
    %dma_wait3A_163 = tpu.memref_slice %arg2[%dma_wait3A_161, %dma_wait3A_162] : memref<10000x128xbf16, #tpu.memory_space<hbm>> -> memref<10000x128xbf16, #tpu.memory_space<hbm>>
    tpu.wait_indirect_dma semaphore(%arg9 : memref<!tpu.dma_semaphore, #tpu.memory_space<semaphore_mem>>) src(%dma_wait3A_163 : memref<10000x128xbf16, #tpu.memory_space<hbm>>) dst(%dma_wait3A_157 : memref<80x128xbf16, #tpu.memory_space<vmem>>)
    %run_scoped3A = arith.constant 0 : i32
    %run_scoped3A_164 = arith.constant 120 : i32
    "tpu.region"() ({
      %run_scoped3A_226 = tpu.sem_alloc : memref<!tpu.dma_semaphore, #tpu.memory_space<semaphore_mem>>
      %dma_start3A_227 = arith.constant 0 : i32
      %dma_start3A_228 = arith.constant 0 : i32
      %dma_start3A_229 = tpu.memref_slice %arg7[%run_scoped3A, %dma_start3A_227, %dma_start3A_228] : memref<5x80x128xbf16, #tpu.memory_space<vmem>> -> memref<1x80x128xbf16, #tpu.memory_space<vmem>>
      %dma_start3A_230 = tpu.memref_squeeze %dma_start3A_229 : memref<1x80x128xbf16, #tpu.memory_space<vmem>> -> memref<80x128xbf16, #tpu.memory_space<vmem>>
      %dma_start3A_231 = arith.constant 0 : i32
      %dma_start3A_232 = tpu.memref_slice %arg6[%run_scoped3A_164, %dma_start3A_231] : memref<125x80xi32, #tpu.memory_space<vmem>> -> memref<1x80xi32, #tpu.memory_space<vmem>>
      %dma_start3A_233 = tpu.memref_squeeze %dma_start3A_232 : memref<1x80xi32, #tpu.memory_space<vmem>> -> memref<80xi32, #tpu.memory_space<vmem>>
      %dma_start3A_234 = arith.constant 0 : i32
      %dma_start3A_235 = arith.constant 0 : i32
      %dma_start3A_236 = tpu.memref_slice %arg8[%dma_start3A_234, %dma_start3A_235] : memref<10000x128xbf16, #tpu.memory_space<vmem_shared>> -> memref<10000x128xbf16, #tpu.memory_space<vmem_shared>>
      tpu.enqueue_indirect_dma source(%dma_start3A_230 : memref<80x128xbf16, #tpu.memory_space<vmem>>) target(%dma_start3A_236 : memref<10000x128xbf16, #tpu.memory_space<vmem_shared>>) offsets(%dma_start3A_233 : memref<80xi32, #tpu.memory_space<vmem>>) semaphore(%run_scoped3A_226 : memref<!tpu.dma_semaphore, #tpu.memory_space<semaphore_mem>>) {add = true}
      %dma_wait3A_237 = arith.constant 0 : i32
      %dma_wait3A_238 = arith.constant 0 : i32
      %dma_wait3A_239 = tpu.memref_slice %arg7[%run_scoped3A, %dma_wait3A_237, %dma_wait3A_238] : memref<5x80x128xbf16, #tpu.memory_space<vmem>> -> memref<1x80x128xbf16, #tpu.memory_space<vmem>>
      %dma_wait3A_240 = tpu.memref_squeeze %dma_wait3A_239 : memref<1x80x128xbf16, #tpu.memory_space<vmem>> -> memref<80x128xbf16, #tpu.memory_space<vmem>>
      %dma_wait3A_241 = arith.constant 0 : i32
      %dma_wait3A_242 = tpu.memref_slice %arg6[%run_scoped3A_164, %dma_wait3A_241] : memref<125x80xi32, #tpu.memory_space<vmem>> -> memref<1x80xi32, #tpu.memory_space<vmem>>
      %dma_wait3A_243 = tpu.memref_squeeze %dma_wait3A_242 : memref<1x80xi32, #tpu.memory_space<vmem>> -> memref<80xi32, #tpu.memory_space<vmem>>
      %dma_wait3A_244 = arith.constant 0 : i32
      %dma_wait3A_245 = arith.constant 0 : i32
      %dma_wait3A_246 = tpu.memref_slice %arg8[%dma_wait3A_244, %dma_wait3A_245] : memref<10000x128xbf16, #tpu.memory_space<vmem_shared>> -> memref<10000x128xbf16, #tpu.memory_space<vmem_shared>>
      tpu.wait_indirect_dma semaphore(%run_scoped3A_226 : memref<!tpu.dma_semaphore, #tpu.memory_space<semaphore_mem>>) src(%dma_wait3A_240 : memref<80x128xbf16, #tpu.memory_space<vmem>>) dst(%dma_wait3A_246 : memref<10000x128xbf16, #tpu.memory_space<vmem_shared>>)
      tpu.yield
    }) : () -> ()
    %dma_wait3A_165 = arith.constant 0 : i32
    %dma_wait3A_166 = arith.constant 1 : i32
    %dma_wait3A_167 = arith.constant 0 : i32
    %dma_wait3A_168 = arith.constant 0 : i32
    %dma_wait3A_169 = tpu.memref_slice %arg7[%dma_wait3A_166, %dma_wait3A_167, %dma_wait3A_168] : memref<5x80x128xbf16, #tpu.memory_space<vmem>> -> memref<1x80x128xbf16, #tpu.memory_space<vmem>>
    %dma_wait3A_170 = tpu.memref_squeeze %dma_wait3A_169 : memref<1x80x128xbf16, #tpu.memory_space<vmem>> -> memref<80x128xbf16, #tpu.memory_space<vmem>>
    %dma_wait3A_171 = arith.constant 0 : i32
    %dma_wait3A_172 = tpu.memref_slice %arg5[%dma_wait3A_165, %dma_wait3A_171] : memref<125x80xi32, #tpu.memory_space<vmem>> -> memref<1x80xi32, #tpu.memory_space<vmem>>
    %dma_wait3A_173 = tpu.memref_squeeze %dma_wait3A_172 : memref<1x80xi32, #tpu.memory_space<vmem>> -> memref<80xi32, #tpu.memory_space<vmem>>
    %dma_wait3A_174 = arith.constant 0 : i32
    %dma_wait3A_175 = arith.constant 0 : i32
    %dma_wait3A_176 = tpu.memref_slice %arg2[%dma_wait3A_174, %dma_wait3A_175] : memref<10000x128xbf16, #tpu.memory_space<hbm>> -> memref<10000x128xbf16, #tpu.memory_space<hbm>>
    tpu.wait_indirect_dma semaphore(%arg10 : memref<!tpu.dma_semaphore, #tpu.memory_space<semaphore_mem>>) src(%dma_wait3A_176 : memref<10000x128xbf16, #tpu.memory_space<hbm>>) dst(%dma_wait3A_170 : memref<80x128xbf16, #tpu.memory_space<vmem>>)
    %run_scoped3A_177 = arith.constant 1 : i32
    %run_scoped3A_178 = arith.constant 121 : i32
    "tpu.region"() ({
      %run_scoped3A_226 = tpu.sem_alloc : memref<!tpu.dma_semaphore, #tpu.memory_space<semaphore_mem>>
      %dma_start3A_227 = arith.constant 0 : i32
      %dma_start3A_228 = arith.constant 0 : i32
      %dma_start3A_229 = tpu.memref_slice %arg7[%run_scoped3A_177, %dma_start3A_227, %dma_start3A_228] : memref<5x80x128xbf16, #tpu.memory_space<vmem>> -> memref<1x80x128xbf16, #tpu.memory_space<vmem>>
      %dma_start3A_230 = tpu.memref_squeeze %dma_start3A_229 : memref<1x80x128xbf16, #tpu.memory_space<vmem>> -> memref<80x128xbf16, #tpu.memory_space<vmem>>
      %dma_start3A_231 = arith.constant 0 : i32
      %dma_start3A_232 = tpu.memref_slice %arg6[%run_scoped3A_178, %dma_start3A_231] : memref<125x80xi32, #tpu.memory_space<vmem>> -> memref<1x80xi32, #tpu.memory_space<vmem>>
      %dma_start3A_233 = tpu.memref_squeeze %dma_start3A_232 : memref<1x80xi32, #tpu.memory_space<vmem>> -> memref<80xi32, #tpu.memory_space<vmem>>
      %dma_start3A_234 = arith.constant 0 : i32
      %dma_start3A_235 = arith.constant 0 : i32
      %dma_start3A_236 = tpu.memref_slice %arg8[%dma_start3A_234, %dma_start3A_235] : memref<10000x128xbf16, #tpu.memory_space<vmem_shared>> -> memref<10000x128xbf16, #tpu.memory_space<vmem_shared>>
      tpu.enqueue_indirect_dma source(%dma_start3A_230 : memref<80x128xbf16, #tpu.memory_space<vmem>>) target(%dma_start3A_236 : memref<10000x128xbf16, #tpu.memory_space<vmem_shared>>) offsets(%dma_start3A_233 : memref<80xi32, #tpu.memory_space<vmem>>) semaphore(%run_scoped3A_226 : memref<!tpu.dma_semaphore, #tpu.memory_space<semaphore_mem>>) {add = true}
      %dma_wait3A_237 = arith.constant 0 : i32
      %dma_wait3A_238 = arith.constant 0 : i32
      %dma_wait3A_239 = tpu.memref_slice %arg7[%run_scoped3A_177, %dma_wait3A_237, %dma_wait3A_238] : memref<5x80x128xbf16, #tpu.memory_space<vmem>> -> memref<1x80x128xbf16, #tpu.memory_space<vmem>>
      %dma_wait3A_240 = tpu.memref_squeeze %dma_wait3A_239 : memref<1x80x128xbf16, #tpu.memory_space<vmem>> -> memref<80x128xbf16, #tpu.memory_space<vmem>>
      %dma_wait3A_241 = arith.constant 0 : i32
      %dma_wait3A_242 = tpu.memref_slice %arg6[%run_scoped3A_178, %dma_wait3A_241] : memref<125x80xi32, #tpu.memory_space<vmem>> -> memref<1x80xi32, #tpu.memory_space<vmem>>
      %dma_wait3A_243 = tpu.memref_squeeze %dma_wait3A_242 : memref<1x80xi32, #tpu.memory_space<vmem>> -> memref<80xi32, #tpu.memory_space<vmem>>
      %dma_wait3A_244 = arith.constant 0 : i32
      %dma_wait3A_245 = arith.constant 0 : i32
      %dma_wait3A_246 = tpu.memref_slice %arg8[%dma_wait3A_244, %dma_wait3A_245] : memref<10000x128xbf16, #tpu.memory_space<vmem_shared>> -> memref<10000x128xbf16, #tpu.memory_space<vmem_shared>>
      tpu.wait_indirect_dma semaphore(%run_scoped3A_226 : memref<!tpu.dma_semaphore, #tpu.memory_space<semaphore_mem>>) src(%dma_wait3A_240 : memref<80x128xbf16, #tpu.memory_space<vmem>>) dst(%dma_wait3A_246 : memref<10000x128xbf16, #tpu.memory_space<vmem_shared>>)
      tpu.yield
    }) : () -> ()
    %dma_wait3A_179 = arith.constant 0 : i32
    %dma_wait3A_180 = arith.constant 2 : i32
    %dma_wait3A_181 = arith.constant 0 : i32
    %dma_wait3A_182 = arith.constant 0 : i32
    %dma_wait3A_183 = tpu.memref_slice %arg7[%dma_wait3A_180, %dma_wait3A_181, %dma_wait3A_182] : memref<5x80x128xbf16, #tpu.memory_space<vmem>> -> memref<1x80x128xbf16, #tpu.memory_space<vmem>>
    %dma_wait3A_184 = tpu.memref_squeeze %dma_wait3A_183 : memref<1x80x128xbf16, #tpu.memory_space<vmem>> -> memref<80x128xbf16, #tpu.memory_space<vmem>>
    %dma_wait3A_185 = arith.constant 0 : i32
    %dma_wait3A_186 = tpu.memref_slice %arg5[%dma_wait3A_179, %dma_wait3A_185] : memref<125x80xi32, #tpu.memory_space<vmem>> -> memref<1x80xi32, #tpu.memory_space<vmem>>
    %dma_wait3A_187 = tpu.memref_squeeze %dma_wait3A_186 : memref<1x80xi32, #tpu.memory_space<vmem>> -> memref<80xi32, #tpu.memory_space<vmem>>
    %dma_wait3A_188 = arith.constant 0 : i32
    %dma_wait3A_189 = arith.constant 0 : i32
    %dma_wait3A_190 = tpu.memref_slice %arg2[%dma_wait3A_188, %dma_wait3A_189] : memref<10000x128xbf16, #tpu.memory_space<hbm>> -> memref<10000x128xbf16, #tpu.memory_space<hbm>>
    tpu.wait_indirect_dma semaphore(%arg11 : memref<!tpu.dma_semaphore, #tpu.memory_space<semaphore_mem>>) src(%dma_wait3A_190 : memref<10000x128xbf16, #tpu.memory_space<hbm>>) dst(%dma_wait3A_184 : memref<80x128xbf16, #tpu.memory_space<vmem>>)
    %run_scoped3A_191 = arith.constant 2 : i32
    %run_scoped3A_192 = arith.constant 122 : i32
    "tpu.region"() ({
      %run_scoped3A_226 = tpu.sem_alloc : memref<!tpu.dma_semaphore, #tpu.memory_space<semaphore_mem>>
      %dma_start3A_227 = arith.constant 0 : i32
      %dma_start3A_228 = arith.constant 0 : i32
      %dma_start3A_229 = tpu.memref_slice %arg7[%run_scoped3A_191, %dma_start3A_227, %dma_start3A_228] : memref<5x80x128xbf16, #tpu.memory_space<vmem>> -> memref<1x80x128xbf16, #tpu.memory_space<vmem>>
      %dma_start3A_230 = tpu.memref_squeeze %dma_start3A_229 : memref<1x80x128xbf16, #tpu.memory_space<vmem>> -> memref<80x128xbf16, #tpu.memory_space<vmem>>
      %dma_start3A_231 = arith.constant 0 : i32
      %dma_start3A_232 = tpu.memref_slice %arg6[%run_scoped3A_192, %dma_start3A_231] : memref<125x80xi32, #tpu.memory_space<vmem>> -> memref<1x80xi32, #tpu.memory_space<vmem>>
      %dma_start3A_233 = tpu.memref_squeeze %dma_start3A_232 : memref<1x80xi32, #tpu.memory_space<vmem>> -> memref<80xi32, #tpu.memory_space<vmem>>
      %dma_start3A_234 = arith.constant 0 : i32
      %dma_start3A_235 = arith.constant 0 : i32
      %dma_start3A_236 = tpu.memref_slice %arg8[%dma_start3A_234, %dma_start3A_235] : memref<10000x128xbf16, #tpu.memory_space<vmem_shared>> -> memref<10000x128xbf16, #tpu.memory_space<vmem_shared>>
      tpu.enqueue_indirect_dma source(%dma_start3A_230 : memref<80x128xbf16, #tpu.memory_space<vmem>>) target(%dma_start3A_236 : memref<10000x128xbf16, #tpu.memory_space<vmem_shared>>) offsets(%dma_start3A_233 : memref<80xi32, #tpu.memory_space<vmem>>) semaphore(%run_scoped3A_226 : memref<!tpu.dma_semaphore, #tpu.memory_space<semaphore_mem>>) {add = true}
      %dma_wait3A_237 = arith.constant 0 : i32
      %dma_wait3A_238 = arith.constant 0 : i32
      %dma_wait3A_239 = tpu.memref_slice %arg7[%run_scoped3A_191, %dma_wait3A_237, %dma_wait3A_238] : memref<5x80x128xbf16, #tpu.memory_space<vmem>> -> memref<1x80x128xbf16, #tpu.memory_space<vmem>>
      %dma_wait3A_240 = tpu.memref_squeeze %dma_wait3A_239 : memref<1x80x128xbf16, #tpu.memory_space<vmem>> -> memref<80x128xbf16, #tpu.memory_space<vmem>>
      %dma_wait3A_241 = arith.constant 0 : i32
      %dma_wait3A_242 = tpu.memref_slice %arg6[%run_scoped3A_192, %dma_wait3A_241] : memref<125x80xi32, #tpu.memory_space<vmem>> -> memref<1x80xi32, #tpu.memory_space<vmem>>
      %dma_wait3A_243 = tpu.memref_squeeze %dma_wait3A_242 : memref<1x80xi32, #tpu.memory_space<vmem>> -> memref<80xi32, #tpu.memory_space<vmem>>
      %dma_wait3A_244 = arith.constant 0 : i32
      %dma_wait3A_245 = arith.constant 0 : i32
      %dma_wait3A_246 = tpu.memref_slice %arg8[%dma_wait3A_244, %dma_wait3A_245] : memref<10000x128xbf16, #tpu.memory_space<vmem_shared>> -> memref<10000x128xbf16, #tpu.memory_space<vmem_shared>>
      tpu.wait_indirect_dma semaphore(%run_scoped3A_226 : memref<!tpu.dma_semaphore, #tpu.memory_space<semaphore_mem>>) src(%dma_wait3A_240 : memref<80x128xbf16, #tpu.memory_space<vmem>>) dst(%dma_wait3A_246 : memref<10000x128xbf16, #tpu.memory_space<vmem_shared>>)
      tpu.yield
    }) : () -> ()
    %dma_wait3A_193 = arith.constant 0 : i32
    %dma_wait3A_194 = arith.constant 3 : i32
    %dma_wait3A_195 = arith.constant 0 : i32
    %dma_wait3A_196 = arith.constant 0 : i32
    %dma_wait3A_197 = tpu.memref_slice %arg7[%dma_wait3A_194, %dma_wait3A_195, %dma_wait3A_196] : memref<5x80x128xbf16, #tpu.memory_space<vmem>> -> memref<1x80x128xbf16, #tpu.memory_space<vmem>>
    %dma_wait3A_198 = tpu.memref_squeeze %dma_wait3A_197 : memref<1x80x128xbf16, #tpu.memory_space<vmem>> -> memref<80x128xbf16, #tpu.memory_space<vmem>>
    %dma_wait3A_199 = arith.constant 0 : i32
    %dma_wait3A_200 = tpu.memref_slice %arg5[%dma_wait3A_193, %dma_wait3A_199] : memref<125x80xi32, #tpu.memory_space<vmem>> -> memref<1x80xi32, #tpu.memory_space<vmem>>
    %dma_wait3A_201 = tpu.memref_squeeze %dma_wait3A_200 : memref<1x80xi32, #tpu.memory_space<vmem>> -> memref<80xi32, #tpu.memory_space<vmem>>
    %dma_wait3A_202 = arith.constant 0 : i32
    %dma_wait3A_203 = arith.constant 0 : i32
    %dma_wait3A_204 = tpu.memref_slice %arg2[%dma_wait3A_202, %dma_wait3A_203] : memref<10000x128xbf16, #tpu.memory_space<hbm>> -> memref<10000x128xbf16, #tpu.memory_space<hbm>>
    tpu.wait_indirect_dma semaphore(%arg12 : memref<!tpu.dma_semaphore, #tpu.memory_space<semaphore_mem>>) src(%dma_wait3A_204 : memref<10000x128xbf16, #tpu.memory_space<hbm>>) dst(%dma_wait3A_198 : memref<80x128xbf16, #tpu.memory_space<vmem>>)
    %run_scoped3A_205 = arith.constant 3 : i32
    %run_scoped3A_206 = arith.constant 123 : i32
    "tpu.region"() ({
      %run_scoped3A_226 = tpu.sem_alloc : memref<!tpu.dma_semaphore, #tpu.memory_space<semaphore_mem>>
      %dma_start3A_227 = arith.constant 0 : i32
      %dma_start3A_228 = arith.constant 0 : i32
      %dma_start3A_229 = tpu.memref_slice %arg7[%run_scoped3A_205, %dma_start3A_227, %dma_start3A_228] : memref<5x80x128xbf16, #tpu.memory_space<vmem>> -> memref<1x80x128xbf16, #tpu.memory_space<vmem>>
      %dma_start3A_230 = tpu.memref_squeeze %dma_start3A_229 : memref<1x80x128xbf16, #tpu.memory_space<vmem>> -> memref<80x128xbf16, #tpu.memory_space<vmem>>
      %dma_start3A_231 = arith.constant 0 : i32
      %dma_start3A_232 = tpu.memref_slice %arg6[%run_scoped3A_206, %dma_start3A_231] : memref<125x80xi32, #tpu.memory_space<vmem>> -> memref<1x80xi32, #tpu.memory_space<vmem>>
      %dma_start3A_233 = tpu.memref_squeeze %dma_start3A_232 : memref<1x80xi32, #tpu.memory_space<vmem>> -> memref<80xi32, #tpu.memory_space<vmem>>
      %dma_start3A_234 = arith.constant 0 : i32
      %dma_start3A_235 = arith.constant 0 : i32
      %dma_start3A_236 = tpu.memref_slice %arg8[%dma_start3A_234, %dma_start3A_235] : memref<10000x128xbf16, #tpu.memory_space<vmem_shared>> -> memref<10000x128xbf16, #tpu.memory_space<vmem_shared>>
      tpu.enqueue_indirect_dma source(%dma_start3A_230 : memref<80x128xbf16, #tpu.memory_space<vmem>>) target(%dma_start3A_236 : memref<10000x128xbf16, #tpu.memory_space<vmem_shared>>) offsets(%dma_start3A_233 : memref<80xi32, #tpu.memory_space<vmem>>) semaphore(%run_scoped3A_226 : memref<!tpu.dma_semaphore, #tpu.memory_space<semaphore_mem>>) {add = true}
      %dma_wait3A_237 = arith.constant 0 : i32
      %dma_wait3A_238 = arith.constant 0 : i32
      %dma_wait3A_239 = tpu.memref_slice %arg7[%run_scoped3A_205, %dma_wait3A_237, %dma_wait3A_238] : memref<5x80x128xbf16, #tpu.memory_space<vmem>> -> memref<1x80x128xbf16, #tpu.memory_space<vmem>>
      %dma_wait3A_240 = tpu.memref_squeeze %dma_wait3A_239 : memref<1x80x128xbf16, #tpu.memory_space<vmem>> -> memref<80x128xbf16, #tpu.memory_space<vmem>>
      %dma_wait3A_241 = arith.constant 0 : i32
      %dma_wait3A_242 = tpu.memref_slice %arg6[%run_scoped3A_206, %dma_wait3A_241] : memref<125x80xi32, #tpu.memory_space<vmem>> -> memref<1x80xi32, #tpu.memory_space<vmem>>
      %dma_wait3A_243 = tpu.memref_squeeze %dma_wait3A_242 : memref<1x80xi32, #tpu.memory_space<vmem>> -> memref<80xi32, #tpu.memory_space<vmem>>
      %dma_wait3A_244 = arith.constant 0 : i32
      %dma_wait3A_245 = arith.constant 0 : i32
      %dma_wait3A_246 = tpu.memref_slice %arg8[%dma_wait3A_244, %dma_wait3A_245] : memref<10000x128xbf16, #tpu.memory_space<vmem_shared>> -> memref<10000x128xbf16, #tpu.memory_space<vmem_shared>>
      tpu.wait_indirect_dma semaphore(%run_scoped3A_226 : memref<!tpu.dma_semaphore, #tpu.memory_space<semaphore_mem>>) src(%dma_wait3A_240 : memref<80x128xbf16, #tpu.memory_space<vmem>>) dst(%dma_wait3A_246 : memref<10000x128xbf16, #tpu.memory_space<vmem_shared>>)
      tpu.yield
    }) : () -> ()
    %dma_wait3A_207 = arith.constant 0 : i32
    %dma_wait3A_208 = arith.constant 4 : i32
    %dma_wait3A_209 = arith.constant 0 : i32
    %dma_wait3A_210 = arith.constant 0 : i32
    %dma_wait3A_211 = tpu.memref_slice %arg7[%dma_wait3A_208, %dma_wait3A_209, %dma_wait3A_210] : memref<5x80x128xbf16, #tpu.memory_space<vmem>> -> memref<1x80x128xbf16, #tpu.memory_space<vmem>>
    %dma_wait3A_212 = tpu.memref_squeeze %dma_wait3A_211 : memref<1x80x128xbf16, #tpu.memory_space<vmem>> -> memref<80x128xbf16, #tpu.memory_space<vmem>>
    %dma_wait3A_213 = arith.constant 0 : i32
    %dma_wait3A_214 = tpu.memref_slice %arg5[%dma_wait3A_207, %dma_wait3A_213] : memref<125x80xi32, #tpu.memory_space<vmem>> -> memref<1x80xi32, #tpu.memory_space<vmem>>
    %dma_wait3A_215 = tpu.memref_squeeze %dma_wait3A_214 : memref<1x80xi32, #tpu.memory_space<vmem>> -> memref<80xi32, #tpu.memory_space<vmem>>
    %dma_wait3A_216 = arith.constant 0 : i32
    %dma_wait3A_217 = arith.constant 0 : i32
    %dma_wait3A_218 = tpu.memref_slice %arg2[%dma_wait3A_216, %dma_wait3A_217] : memref<10000x128xbf16, #tpu.memory_space<hbm>> -> memref<10000x128xbf16, #tpu.memory_space<hbm>>
    tpu.wait_indirect_dma semaphore(%arg13 : memref<!tpu.dma_semaphore, #tpu.memory_space<semaphore_mem>>) src(%dma_wait3A_218 : memref<10000x128xbf16, #tpu.memory_space<hbm>>) dst(%dma_wait3A_212 : memref<80x128xbf16, #tpu.memory_space<vmem>>)
    %run_scoped3A_219 = arith.constant 4 : i32
    %run_scoped3A_220 = arith.constant 124 : i32
    "tpu.region"() ({
      %run_scoped3A_226 = tpu.sem_alloc : memref<!tpu.dma_semaphore, #tpu.memory_space<semaphore_mem>>
      %dma_start3A_227 = arith.constant 0 : i32
      %dma_start3A_228 = arith.constant 0 : i32
      %dma_start3A_229 = tpu.memref_slice %arg7[%run_scoped3A_219, %dma_start3A_227, %dma_start3A_228] : memref<5x80x128xbf16, #tpu.memory_space<vmem>> -> memref<1x80x128xbf16, #tpu.memory_space<vmem>>
      %dma_start3A_230 = tpu.memref_squeeze %dma_start3A_229 : memref<1x80x128xbf16, #tpu.memory_space<vmem>> -> memref<80x128xbf16, #tpu.memory_space<vmem>>
      %dma_start3A_231 = arith.constant 0 : i32
      %dma_start3A_232 = tpu.memref_slice %arg6[%run_scoped3A_220, %dma_start3A_231] : memref<125x80xi32, #tpu.memory_space<vmem>> -> memref<1x80xi32, #tpu.memory_space<vmem>>
      %dma_start3A_233 = tpu.memref_squeeze %dma_start3A_232 : memref<1x80xi32, #tpu.memory_space<vmem>> -> memref<80xi32, #tpu.memory_space<vmem>>
      %dma_start3A_234 = arith.constant 0 : i32
      %dma_start3A_235 = arith.constant 0 : i32
      %dma_start3A_236 = tpu.memref_slice %arg8[%dma_start3A_234, %dma_start3A_235] : memref<10000x128xbf16, #tpu.memory_space<vmem_shared>> -> memref<10000x128xbf16, #tpu.memory_space<vmem_shared>>
      tpu.enqueue_indirect_dma source(%dma_start3A_230 : memref<80x128xbf16, #tpu.memory_space<vmem>>) target(%dma_start3A_236 : memref<10000x128xbf16, #tpu.memory_space<vmem_shared>>) offsets(%dma_start3A_233 : memref<80xi32, #tpu.memory_space<vmem>>) semaphore(%run_scoped3A_226 : memref<!tpu.dma_semaphore, #tpu.memory_space<semaphore_mem>>) {add = true}
      %dma_wait3A_237 = arith.constant 0 : i32
      %dma_wait3A_238 = arith.constant 0 : i32
      %dma_wait3A_239 = tpu.memref_slice %arg7[%run_scoped3A_219, %dma_wait3A_237, %dma_wait3A_238] : memref<5x80x128xbf16, #tpu.memory_space<vmem>> -> memref<1x80x128xbf16, #tpu.memory_space<vmem>>
      %dma_wait3A_240 = tpu.memref_squeeze %dma_wait3A_239 : memref<1x80x128xbf16, #tpu.memory_space<vmem>> -> memref<80x128xbf16, #tpu.memory_space<vmem>>
      %dma_wait3A_241 = arith.constant 0 : i32
      %dma_wait3A_242 = tpu.memref_slice %arg6[%run_scoped3A_220, %dma_wait3A_241] : memref<125x80xi32, #tpu.memory_space<vmem>> -> memref<1x80xi32, #tpu.memory_space<vmem>>
      %dma_wait3A_243 = tpu.memref_squeeze %dma_wait3A_242 : memref<1x80xi32, #tpu.memory_space<vmem>> -> memref<80xi32, #tpu.memory_space<vmem>>
      %dma_wait3A_244 = arith.constant 0 : i32
      %dma_wait3A_245 = arith.constant 0 : i32
      %dma_wait3A_246 = tpu.memref_slice %arg8[%dma_wait3A_244, %dma_wait3A_245] : memref<10000x128xbf16, #tpu.memory_space<vmem_shared>> -> memref<10000x128xbf16, #tpu.memory_space<vmem_shared>>
      tpu.wait_indirect_dma semaphore(%run_scoped3A_226 : memref<!tpu.dma_semaphore, #tpu.memory_space<semaphore_mem>>) src(%dma_wait3A_240 : memref<80x128xbf16, #tpu.memory_space<vmem>>) dst(%dma_wait3A_246 : memref<10000x128xbf16, #tpu.memory_space<vmem_shared>>)
      tpu.yield
    }) : () -> ()
    %barrier3A_221 = arith.constant 0 : index
    tpu.barrier barrier_id(%barrier3A_221)
    %mul3A_222 = arith.constant 625 : i32
    %mul3A_223 = arith.muli %arg1, %mul3A_222 : i32
    %mul3A_224 = arith.constant 625 : i32
    %mul3A_225 = arith.muli %arg1, %mul3A_224 : i32
    "tpu.region"() ({
      %run_scoped3A_226 = tpu.sem_alloc : memref<!tpu.dma_semaphore, #tpu.memory_space<semaphore_mem>>
      %dma_start3A_227 = arith.constant 0 : i32
      %dma_start3A_228 = arith.constant 0 : i32
      %dma_start3A_229 = tpu.memref_slice %arg4[%arg0, %dma_start3A_227, %dma_start3A_228] : memref<2x10000x128xbf16, #tpu.memory_space<hbm>> -> memref<1x10000x128xbf16, #tpu.memory_space<hbm>>
      %dma_start3A_230 = tpu.memref_squeeze %dma_start3A_229 : memref<1x10000x128xbf16, #tpu.memory_space<hbm>> -> memref<10000x128xbf16, #tpu.memory_space<hbm>>
      %dma_start3A_231 = arith.constant 0 : i32
      %dma_start3A_232 = tpu.memref_slice %dma_start3A_230[%mul3A_225, %dma_start3A_231] : memref<10000x128xbf16, #tpu.memory_space<hbm>> -> memref<625x128xbf16, #tpu.memory_space<hbm>>
      %dma_start3A_233 = arith.constant 0 : i32
      %dma_start3A_234 = tpu.memref_slice %arg8[%mul3A_223, %dma_start3A_233] : memref<10000x128xbf16, #tpu.memory_space<vmem_shared>> -> memref<625x128xbf16, #tpu.memory_space<vmem_shared>>
      tpu.enqueue_dma source(%dma_start3A_234 : memref<625x128xbf16, #tpu.memory_space<vmem_shared>>) target(%dma_start3A_232 : memref<625x128xbf16, #tpu.memory_space<hbm>>) target_semaphore(%run_scoped3A_226 : memref<!tpu.dma_semaphore, #tpu.memory_space<semaphore_mem>>)
      %dma_wait3A_235 = arith.constant 0 : i32
      %dma_wait3A_236 = arith.constant 0 : i32
      %dma_wait3A_237 = tpu.memref_slice %arg4[%arg0, %dma_wait3A_235, %dma_wait3A_236] : memref<2x10000x128xbf16, #tpu.memory_space<hbm>> -> memref<1x10000x128xbf16, #tpu.memory_space<hbm>>
      %dma_wait3A_238 = tpu.memref_squeeze %dma_wait3A_237 : memref<1x10000x128xbf16, #tpu.memory_space<hbm>> -> memref<10000x128xbf16, #tpu.memory_space<hbm>>
      %dma_wait3A_239 = arith.constant 0 : i32
      %dma_wait3A_240 = tpu.memref_slice %dma_wait3A_238[%mul3A_225, %dma_wait3A_239] : memref<10000x128xbf16, #tpu.memory_space<hbm>> -> memref<625x128xbf16, #tpu.memory_space<hbm>>
      %dma_wait3A_241 = arith.constant 0 : i32
      %dma_wait3A_242 = tpu.memref_slice %arg8[%mul3A_223, %dma_wait3A_241] : memref<10000x128xbf16, #tpu.memory_space<vmem_shared>> -> memref<625x128xbf16, #tpu.memory_space<vmem_shared>>
      tpu.wait_dma2 semaphore(%run_scoped3A_226 : memref<!tpu.dma_semaphore, #tpu.memory_space<semaphore_mem>>) src(%dma_wait3A_242 : memref<625x128xbf16, #tpu.memory_space<vmem_shared>>) dst(%dma_wait3A_240 : memref<625x128xbf16, #tpu.memory_space<hbm>>)
      tpu.yield
    }) : () -> ()
    return
  }
}

module attributes {stable_mosaic.version = 14 : i64} {
  func.func @_mm_body(%arg0: i32, %arg1: memref<2000x128xf32, #tpu.memory_space<vmem>>, %arg2: memref<128x128xf32, #tpu.memory_space<vmem>>, %arg3: memref<2000x128xf32, #tpu.memory_space<vmem>>) attributes {dimension_semantics = [#tpu.dimension_semantics<arbitrary>], iteration_bounds = array<i64: 5>, scalar_prefetch = 0 : i64, scratch_operands = 0 : i64, tpu.core_type = #tpu.core_type<tc>, window_params = [{transform_indices = @transform_0, window_bounds = array<i64: 2000, 128>}, {pipeline_mode = #tpu.pipeline_mode<synchronous>, transform_indices = @transform_1, window_bounds = array<i64: 128, 128>}, {transform_indices = @transform_2, window_bounds = array<i64: 2000, 128>}]} {
    %get3A = arith.constant 0 : index
    %get3A_0 = arith.constant 0 : index
    %get3A_1 = vector.load %arg1[%get3A, %get3A_0] : memref<2000x128xf32, #tpu.memory_space<vmem>>, vector<2000x128xf32>
    %get3A_2 = arith.constant 0 : index
    %get3A_3 = arith.constant 0 : index
    %get3A_4 = vector.load %arg2[%get3A_2, %get3A_3] : memref<128x128xf32, #tpu.memory_space<vmem>>, vector<128x128xf32>
    %dot_general3A = arith.constant dense<0.000000e+00> : vector<2000x128xf32>
    %dot_general3A_5 = tpu.matmul %get3A_1, %get3A_4, %dot_general3A {dimension_numbers = #tpu.dot_dimension_numbers<[1], [0], [0], [1], [0, 0, 1, 1], [], []>, transpose_lhs_hint = false} : vector<2000x128xf32>, vector<128x128xf32>, vector<2000x128xf32> -> vector<2000x128xf32>
    %swap3A = arith.constant 0 : index
    %swap3A_6 = arith.constant 0 : index
    %swap3A_7 = vector.load %arg3[%swap3A, %swap3A_6] : memref<2000x128xf32, #tpu.memory_space<vmem>>, vector<2000x128xf32>
    tpu.vector_store %arg3[%swap3A, %swap3A_6], %dot_general3A_5 {strides = array<i32>} : memref<2000x128xf32, #tpu.memory_space<vmem>>, vector<2000x128xf32>,
    return
  }
  func.func @transform_0(%arg0: i32) -> (i32, i32) {
    %c0_i32 = arith.constant 0 : i32
    %c0_i32_0 = arith.constant 0 : i32
    return %arg0, %c0_i32 : i32, i32
  }
  func.func @transform_1(%arg0: i32) -> (i32, i32) {
    %c0_i32 = arith.constant 0 : i32
    %c0_i32_0 = arith.constant 0 : i32
    %c0_i32_1 = arith.constant 0 : i32
    return %c0_i32, %c0_i32_0 : i32, i32
  }
  func.func @transform_2(%arg0: i32) -> (i32, i32) {
    %c0_i32 = arith.constant 0 : i32
    %c0_i32_0 = arith.constant 0 : i32
    return %arg0, %c0_i32 : i32, i32
  }
}

module attributes {stable_mosaic.version = 14 : i64} {
  func.func @_scale_body(%arg0: i32, %arg1: memref<2x2000x128xf32, #tpu.memory_space<vmem>>, %arg2: memref<2000x128xf32, #tpu.memory_space<vmem>>, %arg3: memref<2000x128xbf16, #tpu.memory_space<vmem>>, %arg4: memref<2000x1xf32, #tpu.memory_space<vmem>>) attributes {dimension_semantics = [#tpu.dimension_semantics<arbitrary>], iteration_bounds = array<i64: 5>, scalar_prefetch = 0 : i64, scratch_operands = 0 : i64, tpu.core_type = #tpu.core_type<tc>, window_params = [{transform_indices = @transform_0, window_bounds = array<i64: 2, 2000, 128>}, {transform_indices = @transform_1, window_bounds = array<i64: 2000, 128>}, {transform_indices = @transform_2, window_bounds = array<i64: 2000, 128>}, {transform_indices = @transform_3, window_bounds = array<i64: 2000, 1>}]} {
    %get3A = arith.constant 0 : index
    %get3A_0 = arith.constant 0 : index
    %get3A_1 = arith.constant 0 : index
    %get3A_2 = vector.load %arg1[%get3A, %get3A_0, %get3A_1] : memref<2x2000x128xf32, #tpu.memory_space<vmem>>, vector<1x2000x1xf32>
    %get3A_3 = vector.shape_cast %get3A_2 : vector<1x2000x1xf32> to vector<2000x1xf32>
    %get3A_4 = arith.constant 1 : index
    %get3A_5 = arith.constant 0 : index
    %get3A_6 = arith.constant 0 : index
    %get3A_7 = vector.load %arg1[%get3A_4, %get3A_5, %get3A_6] : memref<2x2000x128xf32, #tpu.memory_space<vmem>>, vector<1x2000x1xf32>
    %get3A_8 = vector.shape_cast %get3A_7 : vector<1x2000x1xf32> to vector<2000x1xf32>
    %add3A = arith.addf %get3A_3, %get3A_8 : vector<2000x1xf32>
    %sub3A = arith.constant 1.000000e+00 : f32
    %sub3A_9 = vector.broadcast %sub3A : f32 to vector<2000x1xf32>
    %sub3A_10 = arith.subf %add3A, %sub3A_9 : vector<2000x1xf32>
    %rsqrt3A = math.rsqrt %sub3A_10 : vector<2000x1xf32>
    %get3A_11 = arith.constant 0 : index
    %get3A_12 = arith.constant 0 : index
    %get3A_13 = vector.load %arg2[%get3A_11, %get3A_12] : memref<2000x128xf32, #tpu.memory_space<vmem>>, vector<2000x128xf32>
    %mul3A = vector.broadcast %rsqrt3A : vector<2000x1xf32> to vector<2000x128xf32>
    %mul3A_14 = arith.mulf %get3A_13, %mul3A : vector<2000x128xf32>
    %convert_element_type3A = arith.truncf %mul3A_14 : vector<2000x128xf32> to vector<2000x128xbf16>
    %swap3A = arith.constant 0 : index
    %swap3A_15 = arith.constant 0 : index
    %swap3A_16 = vector.load %arg3[%swap3A, %swap3A_15] : memref<2000x128xbf16, #tpu.memory_space<vmem>>, vector<2000x128xbf16>
    tpu.vector_store %arg3[%swap3A, %swap3A_15], %convert_element_type3A {strides = array<i32>} : memref<2000x128xbf16, #tpu.memory_space<vmem>>, vector<2000x128xbf16>,
    %swap3A_17 = arith.constant 0 : index
    %swap3A_18 = arith.constant 0 : index
    %swap3A_19 = vector.load %arg4[%swap3A_17, %swap3A_18] : memref<2000x1xf32, #tpu.memory_space<vmem>>, vector<2000x1xf32>
    tpu.vector_store %arg4[%swap3A_17, %swap3A_18], %rsqrt3A {strides = array<i32>} : memref<2000x1xf32, #tpu.memory_space<vmem>>, vector<2000x1xf32>,
    return
  }
  func.func @transform_0(%arg0: i32) -> (i32, i32, i32) {
    %c0_i32 = arith.constant 0 : i32
    %c0_i32_0 = arith.constant 0 : i32
    %c0_i32_1 = arith.constant 0 : i32
    return %c0_i32, %arg0, %c0_i32_0 : i32, i32, i32
  }
  func.func @transform_1(%arg0: i32) -> (i32, i32) {
    %c0_i32 = arith.constant 0 : i32
    %c0_i32_0 = arith.constant 0 : i32
    return %arg0, %c0_i32 : i32, i32
  }
  func.func @transform_2(%arg0: i32) -> (i32, i32) {
    %c0_i32 = arith.constant 0 : i32
    %c0_i32_0 = arith.constant 0 : i32
    return %arg0, %c0_i32 : i32, i32
  }
  func.func @transform_3(%arg0: i32) -> (i32, i32) {
    %c0_i32 = arith.constant 0 : i32
    %c0_i32_0 = arith.constant 0 : i32
    return %arg0, %c0_i32 : i32, i32
  }
}

module attributes {stable_mosaic.version = 14 : i64} {
  func.func @_l2_body(%arg0: i32, %arg1: memref<2x2000x128xbf16, #tpu.memory_space<vmem>>, %arg2: memref<2000x128xbf16, #tpu.memory_space<vmem>>, %arg3: memref<2000x1xf32, #tpu.memory_space<vmem>>, %arg4: memref<1x128xf32, #tpu.memory_space<vmem>>, %arg5: memref<128x128xf32, #tpu.memory_space<vmem>>, %arg6: memref<2000x128xbf16, #tpu.memory_space<vmem>>) attributes {dimension_semantics = [#tpu.dimension_semantics<arbitrary>], iteration_bounds = array<i64: 5>, scalar_prefetch = 0 : i64, scratch_operands = 0 : i64, tpu.core_type = #tpu.core_type<tc>, window_params = [{transform_indices = @transform_0, window_bounds = array<i64: 2, 2000, 128>}, {transform_indices = @transform_1, window_bounds = array<i64: 2000, 128>}, {transform_indices = @transform_2, window_bounds = array<i64: 2000, 1>}, {pipeline_mode = #tpu.pipeline_mode<synchronous>, transform_indices = @transform_3, window_bounds = array<i64: 1, 128>}, {pipeline_mode = #tpu.pipeline_mode<synchronous>, transform_indices = @transform_4, window_bounds = array<i64: 128, 128>}, {transform_indices = @transform_5, window_bounds = array<i64: 2000, 128>}]} {
    %get3A = arith.constant 0 : index
    %get3A_0 = arith.constant 0 : index
    %get3A_1 = arith.constant 0 : index
    %get3A_2 = vector.load %arg1[%get3A, %get3A_0, %get3A_1] : memref<2x2000x128xbf16, #tpu.memory_space<vmem>>, vector<1x2000x128xbf16>
    %get3A_3 = vector.shape_cast %get3A_2 : vector<1x2000x128xbf16> to vector<2000x128xbf16>
    %convert_element_type3A = arith.extf %get3A_3 : vector<2000x128xbf16> to vector<2000x128xf32>
    %get3A_4 = arith.constant 1 : index
    %get3A_5 = arith.constant 0 : index
    %get3A_6 = arith.constant 0 : index
    %get3A_7 = vector.load %arg1[%get3A_4, %get3A_5, %get3A_6] : memref<2x2000x128xbf16, #tpu.memory_space<vmem>>, vector<1x2000x128xbf16>
    %get3A_8 = vector.shape_cast %get3A_7 : vector<1x2000x128xbf16> to vector<2000x128xbf16>
    %convert_element_type3A_9 = arith.extf %get3A_8 : vector<2000x128xbf16> to vector<2000x128xf32>
    %add3A = arith.addf %convert_element_type3A, %convert_element_type3A_9 : vector<2000x128xf32>
    %get3A_10 = arith.constant 0 : index
    %get3A_11 = arith.constant 0 : index
    %get3A_12 = vector.load %arg2[%get3A_10, %get3A_11] : memref<2000x128xbf16, #tpu.memory_space<vmem>>, vector<2000x128xbf16>
    %convert_element_type3A_13 = arith.extf %get3A_12 : vector<2000x128xbf16> to vector<2000x128xf32>
    %sub3A = arith.subf %add3A, %convert_element_type3A_13 : vector<2000x128xf32>
    %get3A_14 = arith.constant 0 : index
    %get3A_15 = arith.constant 0 : index
    %get3A_16 = vector.load %arg3[%get3A_14, %get3A_15] : memref<2000x1xf32, #tpu.memory_space<vmem>>, vector<2000x1xf32>
    %mul3A = vector.broadcast %get3A_16 : vector<2000x1xf32> to vector<2000x128xf32>
    %mul3A_17 = arith.mulf %sub3A, %mul3A : vector<2000x128xf32>
    %get3A_18 = arith.constant 0 : index
    %get3A_19 = arith.constant 0 : index
    %get3A_20 = vector.load %arg4[%get3A_18, %get3A_19] : memref<1x128xf32, #tpu.memory_space<vmem>>, vector<1x128xf32>
    %add3A_21 = vector.broadcast %get3A_20 : vector<1x128xf32> to vector<2000x128xf32>
    %add3A_22 = arith.addf %mul3A_17, %add3A_21 : vector<2000x128xf32>
    %max3A = arith.constant 0.000000e+00 : f32
    %max3A_23 = vector.broadcast %max3A : f32 to vector<2000x128xf32>
    %max3A_24 = arith.maximumf %add3A_22, %max3A_23 : vector<2000x128xf32>
    %get3A_25 = arith.constant 0 : index
    %get3A_26 = arith.constant 0 : index
    %get3A_27 = vector.load %arg5[%get3A_25, %get3A_26] : memref<128x128xf32, #tpu.memory_space<vmem>>, vector<128x128xf32>
    %dot_general3A = arith.constant dense<0.000000e+00> : vector<2000x128xf32>
    %dot_general3A_28 = tpu.matmul %max3A_24, %get3A_27, %dot_general3A {dimension_numbers = #tpu.dot_dimension_numbers<[1], [0], [0], [1], [0, 0, 1, 1], [], []>, transpose_lhs_hint = false} : vector<2000x128xf32>, vector<128x128xf32>, vector<2000x128xf32> -> vector<2000x128xf32>
    %get3A_29 = arith.constant 0 : index
    %get3A_30 = arith.constant 0 : index
    %get3A_31 = vector.load %arg3[%get3A_29, %get3A_30] : memref<2000x1xf32, #tpu.memory_space<vmem>>, vector<2000x1xf32>
    %mul3A_32 = vector.broadcast %get3A_31 : vector<2000x1xf32> to vector<2000x128xf32>
    %mul3A_33 = arith.mulf %dot_general3A_28, %mul3A_32 : vector<2000x128xf32>
    %convert_element_type3A_34 = arith.truncf %mul3A_33 : vector<2000x128xf32> to vector<2000x128xbf16>
    %swap3A = arith.constant 0 : index
    %swap3A_35 = arith.constant 0 : index
    %swap3A_36 = vector.load %arg6[%swap3A, %swap3A_35] : memref<2000x128xbf16, #tpu.memory_space<vmem>>, vector<2000x128xbf16>
    tpu.vector_store %arg6[%swap3A, %swap3A_35], %convert_element_type3A_34 {strides = array<i32>} : memref<2000x128xbf16, #tpu.memory_space<vmem>>, vector<2000x128xbf16>,
    return
  }
  func.func @transform_0(%arg0: i32) -> (i32, i32, i32) {
    %c0_i32 = arith.constant 0 : i32
    %c0_i32_0 = arith.constant 0 : i32
    %c0_i32_1 = arith.constant 0 : i32
    return %c0_i32, %arg0, %c0_i32_0 : i32, i32, i32
  }
  func.func @transform_1(%arg0: i32) -> (i32, i32) {
    %c0_i32 = arith.constant 0 : i32
    %c0_i32_0 = arith.constant 0 : i32
    return %arg0, %c0_i32 : i32, i32
  }
  func.func @transform_2(%arg0: i32) -> (i32, i32) {
    %c0_i32 = arith.constant 0 : i32
    %c0_i32_0 = arith.constant 0 : i32
    return %arg0, %c0_i32 : i32, i32
  }
  func.func @transform_3(%arg0: i32) -> (i32, i32) {
    %c0_i32 = arith.constant 0 : i32
    %c0_i32_0 = arith.constant 0 : i32
    %c0_i32_1 = arith.constant 0 : i32
    return %c0_i32, %c0_i32_0 : i32, i32
  }
  func.func @transform_4(%arg0: i32) -> (i32, i32) {
    %c0_i32 = arith.constant 0 : i32
    %c0_i32_0 = arith.constant 0 : i32
    %c0_i32_1 = arith.constant 0 : i32
    return %c0_i32, %c0_i32_0 : i32, i32
  }
  func.func @transform_5(%arg0: i32) -> (i32, i32) {
    %c0_i32 = arith.constant 0 : i32
    %c0_i32_0 = arith.constant 0 : i32
    return %arg0, %c0_i32 : i32, i32
  }
}

module attributes {stable_mosaic.version = 14 : i64} {
  func.func @_out_body(%arg0: i32, %arg1: memref<2x2000x128xbf16, #tpu.memory_space<vmem>>, %arg2: memref<2000x128xbf16, #tpu.memory_space<vmem>>, %arg3: memref<2000x1xf32, #tpu.memory_space<vmem>>, %arg4: memref<1x128xf32, #tpu.memory_space<vmem>>, %arg5: memref<2000x128xf32, #tpu.memory_space<vmem>>) attributes {dimension_semantics = [#tpu.dimension_semantics<arbitrary>], iteration_bounds = array<i64: 5>, scalar_prefetch = 0 : i64, scratch_operands = 0 : i64, tpu.core_type = #tpu.core_type<tc>, window_params = [{transform_indices = @transform_0, window_bounds = array<i64: 2, 2000, 128>}, {transform_indices = @transform_1, window_bounds = array<i64: 2000, 128>}, {transform_indices = @transform_2, window_bounds = array<i64: 2000, 1>}, {pipeline_mode = #tpu.pipeline_mode<synchronous>, transform_indices = @transform_3, window_bounds = array<i64: 1, 128>}, {transform_indices = @transform_4, window_bounds = array<i64: 2000, 128>}]} {
    %get3A = arith.constant 0 : index
    %get3A_0 = arith.constant 0 : index
    %get3A_1 = arith.constant 0 : index
    %get3A_2 = vector.load %arg1[%get3A, %get3A_0, %get3A_1] : memref<2x2000x128xbf16, #tpu.memory_space<vmem>>, vector<1x2000x128xbf16>
    %get3A_3 = vector.shape_cast %get3A_2 : vector<1x2000x128xbf16> to vector<2000x128xbf16>
    %convert_element_type3A = arith.extf %get3A_3 : vector<2000x128xbf16> to vector<2000x128xf32>
    %get3A_4 = arith.constant 1 : index
    %get3A_5 = arith.constant 0 : index
    %get3A_6 = arith.constant 0 : index
    %get3A_7 = vector.load %arg1[%get3A_4, %get3A_5, %get3A_6] : memref<2x2000x128xbf16, #tpu.memory_space<vmem>>, vector<1x2000x128xbf16>
    %get3A_8 = vector.shape_cast %get3A_7 : vector<1x2000x128xbf16> to vector<2000x128xbf16>
    %convert_element_type3A_9 = arith.extf %get3A_8 : vector<2000x128xbf16> to vector<2000x128xf32>
    %add3A = arith.addf %convert_element_type3A, %convert_element_type3A_9 : vector<2000x128xf32>
    %get3A_10 = arith.constant 0 : index
    %get3A_11 = arith.constant 0 : index
    %get3A_12 = vector.load %arg2[%get3A_10, %get3A_11] : memref<2000x128xbf16, #tpu.memory_space<vmem>>, vector<2000x128xbf16>
    %convert_element_type3A_13 = arith.extf %get3A_12 : vector<2000x128xbf16> to vector<2000x128xf32>
    %sub3A = arith.subf %add3A, %convert_element_type3A_13 : vector<2000x128xf32>
    %get3A_14 = arith.constant 0 : index
    %get3A_15 = arith.constant 0 : index
    %get3A_16 = vector.load %arg3[%get3A_14, %get3A_15] : memref<2000x1xf32, #tpu.memory_space<vmem>>, vector<2000x1xf32>
    %mul3A = vector.broadcast %get3A_16 : vector<2000x1xf32> to vector<2000x128xf32>
    %mul3A_17 = arith.mulf %sub3A, %mul3A : vector<2000x128xf32>
    %get3A_18 = arith.constant 0 : index
    %get3A_19 = arith.constant 0 : index
    %get3A_20 = vector.load %arg4[%get3A_18, %get3A_19] : memref<1x128xf32, #tpu.memory_space<vmem>>, vector<1x128xf32>
    %add3A_21 = vector.broadcast %get3A_20 : vector<1x128xf32> to vector<2000x128xf32>
    %add3A_22 = arith.addf %mul3A_17, %add3A_21 : vector<2000x128xf32>
    %reduce_max3A = arith.constant dense<0xFF800000> : vector<2000xf32>
    %reduce_max3A_23 = vector.multi_reduction <maximumf>, %add3A_22, %reduce_max3A [1] : vector<2000x128xf32> to vector<2000xf32>
    %broadcast_in_dim3A = vector.shape_cast %reduce_max3A_23 : vector<2000xf32> to vector<2000x1xf32>
    %sub3A_24 = vector.broadcast %broadcast_in_dim3A : vector<2000x1xf32> to vector<2000x128xf32>
    %sub3A_25 = arith.subf %add3A_22, %sub3A_24 : vector<2000x128xf32>
    %exp3A = math.exp %sub3A_25 : vector<2000x128xf32>
    %reduce_sum3A = arith.constant dense<0.000000e+00> : vector<2000xf32>
    %reduce_sum3A_26 = vector.multi_reduction <add>, %exp3A, %reduce_sum3A [1] : vector<2000x128xf32> to vector<2000xf32>
    %broadcast_in_dim3A_27 = vector.shape_cast %reduce_sum3A_26 : vector<2000xf32> to vector<2000x1xf32>
    %log3A = math.log %broadcast_in_dim3A_27 : vector<2000x1xf32>
    %sub3A_28 = vector.broadcast %broadcast_in_dim3A : vector<2000x1xf32> to vector<2000x128xf32>
    %sub3A_29 = arith.subf %add3A_22, %sub3A_28 : vector<2000x128xf32>
    %sub3A_30 = vector.broadcast %log3A : vector<2000x1xf32> to vector<2000x128xf32>
    %sub3A_31 = arith.subf %sub3A_29, %sub3A_30 : vector<2000x128xf32>
    %swap3A = arith.constant 0 : index
    %swap3A_32 = arith.constant 0 : index
    %swap3A_33 = vector.load %arg5[%swap3A, %swap3A_32] : memref<2000x128xf32, #tpu.memory_space<vmem>>, vector<2000x128xf32>
    tpu.vector_store %arg5[%swap3A, %swap3A_32], %sub3A_31 {strides = array<i32>} : memref<2000x128xf32, #tpu.memory_space<vmem>>, vector<2000x128xf32>,
    return
  }
  func.func @transform_0(%arg0: i32) -> (i32, i32, i32) {
    %c0_i32 = arith.constant 0 : i32
    %c0_i32_0 = arith.constant 0 : i32
    %c0_i32_1 = arith.constant 0 : i32
    return %c0_i32, %arg0, %c0_i32_0 : i32, i32, i32
  }
  func.func @transform_1(%arg0: i32) -> (i32, i32) {
    %c0_i32 = arith.constant 0 : i32
    %c0_i32_0 = arith.constant 0 : i32
    return %arg0, %c0_i32 : i32, i32
  }
  func.func @transform_2(%arg0: i32) -> (i32, i32) {
    %c0_i32 = arith.constant 0 : i32
    %c0_i32_0 = arith.constant 0 : i32
    return %arg0, %c0_i32 : i32, i32
  }
  func.func @transform_3(%arg0: i32) -> (i32, i32) {
    %c0_i32 = arith.constant 0 : i32
    %c0_i32_0 = arith.constant 0 : i32
    %c0_i32_1 = arith.constant 0 : i32
    return %c0_i32, %c0_i32_0 : i32, i32
  }
  func.func @transform_4(%arg0: i32) -> (i32, i32) {
    %c0_i32 = arith.constant 0 : i32
    %c0_i32_0 = arith.constant 0 : i32
    return %arg0, %c0_i32 : i32, i32
  }
}

</mosaic_0001>

<sc_bundles>
// kernel: kernel.12.cloned.1.call-start
scs
__scs_entry_jumppad:
0x0: {  	(pc) =	sbr.rel $0x88, $3  }
0x1: {  	(tag) =	ssettag $0x0;
	lr =	simm.s32 $0x1  }
0x2: {  	[smem:$0x3F9B] =	sst lr;
	_ =	strace $0xD0000000  }
0x3: {  	_ = 	snop  }
0x4: {  	_ = 	snop  }
0x5: {  	_ = 	snop  }
0x6: {  	_ = 	snop  }
0x7: {  	_ = 	snop  }
__scs_overlays_trampoline_lowered:
0x8: {  	[smem:$0x3FAA] =	sst s0  }
0x9: {  	[smem:$0x3FAB] =	sst s1  }
0xa: {  	[smem:$0x3FAC] =	sst s2  }
0xb: {  	[smem:$0x3FAD] =	sst s3  }
0xc: {  	[smem:$0x3FAE] =	sst s4  }
0xd: {  	[smem:$0x3FAF] =	sst s5  }
0xe: {  	[smem:$0x3FB0] =	sst s6  }
0xf: {  	[smem:$0x3FB1] =	sst s7  }
0x10: {  	[smem:$0x3FB2] =	sst s8  }
0x11: {  	[smem:$0x3FB3] =	sst s9;
	s0 =	simm.s32 @!p0 $0x0  }
0x12: {  	s1 =	sld [smem:$0x3F99];
	s0 =	simm.s32 @p0 $0x1  }
0x13: {  	[smem:$0x3FB4] =	sst s0;
	s0 =	simm.s32 @!p1 $0x0  }
0x14: {  	s2 =	sld [smem:$0x3F98];
	s0 =	simm.s32 @p1 $0x1  }
0x15: {  	[smem:$0x3FB5] =	sst s0;
	s0 =	simm.s32 @!p2 $0x0  }
0x16: {  	s3 =	sld [smem:$0x3FDB];
	s0 =	simm.s32 @p2 $0x1  }
0x17: {  	s4 =	simm.s32 $0x1BF5;
	[smem:$0x3FB7] =	sst s0  }
0x18: {  	s0 =	sld [smem:$0x3F9A];
	_ =	swait.ge [sflag:s4], $0x0  }
0x19: {  	s7 =	sld [smem:$0x3F9B]  }
0x1a: {  	s8 =	sadd.s32 $0xFFFFE003, lr  }
0x1b: {  	s9 =	sadd.s32 $0xFFFFFEF7, lr;
	s5 =	simm.s32 $0xFFFFFFFF;
	p2 =	slt.u32 s8, $0xFFFFF086  }
0x1c: {  	p1 =	slt.u32 s9, $0xF7A;
	s5 =	simm.s32 @!p2 $0x0  }
0x1d: {  	s5 =	simm.s32 @p1 $0x1;
	p0 =	seq.s32 s7, s2  }
0x1e: {  	s7 =	smul.u32 @!p0 $0xF7A, s2;
	p2 =	seq.s32 @!p0 s5, $0x0  }
0x1f: {  	s9 =	smul.u32 $0xF7A, s1;
	s8 =	simm.s32 @!p0 $0x1BF5;
	p2 =	por !p2, p0  }
0x20: {  	[sflag:s8] =	ssyncset.s32 @!p0 $0xFFFFF086;
	s6 =	sadd.s32 @!p0 s3, s7;
	s7 =	simm.s32 @!p0 $0x108  }
0x21: {  	s3 =	sadd.s32 s3, s9;
	s6 =	sadd.s32 @!p0 $0x88, s6;
	s7 =	simm.s32 @p2 $0x1082  }
0x22: {  	[simem:s7], [sflag:s8] =	dma.local @!p0 [hbm:s6], $0xF7A  }
0x23: {  	s9 =	sor.u32 $0xD0000000, s2;
	s6 =	simm.s32 $0x108;
	_ =	swait.ge @!p0 [sflag:s8], $0x0  }
0x24: {  	s3 =	sadd.s32 $0x88, s3;
	s6 =	simm.s32 @!p1 $0x1082;
	[sflag:s4] =	ssyncset.s32 $0xFFFFF086  }
0x25: {  	[simem:s6], [sflag:s4] =	dma.local [hbm:s3], $0xF7A  }
0x26: {  	[smem:$0x3F9B] =	sst s1;
	(tag) =	ssettag s2;
	_ =	strace s9  }
0x27: {  	s1 =	sld [smem:$0x3FAB]  }
0x28: {  	s2 =	sld [smem:$0x3FAC]  }
0x29: {  	s4 =	sld [smem:$0x3FAE]  }
0x2a: {  	p0 =	seq.s32 s5, $0x0;
	s5 =	sld [smem:$0x3FAF]  }
0x2b: {  	s6 =	sld [smem:$0x3FB0]  }
0x2c: {  	s7 =	sld [smem:$0x3FB1]  }
0x2d: {  	s3 =	simm.s32 $0x108;
	s8 =	sld [smem:$0x3FB2]  }
0x2e: {  	s3 =	simm.s32 @!p0 $0x1082;
	s9 =	sld [smem:$0x3FB3]  }
0x2f: {  	lr =	sadd.s32 s0, s3;
	s0 =	sld [smem:$0x3FAA]  }
0x30: {  	s3 =	sld [smem:$0x3FAD]  }
0x31: {  	[smem:$0x3FB6] =	sst s10  }
0x32: {  	s10 =	sld [smem:$0x3FB4];
	_ =	sdelay $0x3  }
0x33: {  	p0 =	seq.s32 s10, $0x1;
	s10 =	sld [smem:$0x3FB6];
	_ =	sdelay $0x3  }
0x34: {  	[smem:$0x3FB6] =	sst s10  }
0x35: {  	s10 =	sld [smem:$0x3FB5];
	_ =	sdelay $0x3  }
0x36: {  	p1 =	seq.s32 s10, $0x1;
	s10 =	sld [smem:$0x3FB6];
	_ =	sdelay $0x3  }
0x37: {  	[smem:$0x3FB6] =	sst s10  }
0x38: {  	s10 =	sld [smem:$0x3FB7]  }
0x39: {  	_ = 	snop;
	(pc) =	sbr.ind lr, $3  }
0x3a: {  	_ = 	snop  }
0x3b: {  	_ = 	snop  }
0x3c: {  	p2 =	seq.s32 s10, $0x1;
	s10 =	sld [smem:$0x3FB6]  }
0x3d: {  	_ =	shalt  }
0x3e: {  	_ =	shalt  }
0x3f: {  	_ =	shalt  }
0x40: {  	_ =	shalt  }
0x41: {  	_ =	shalt  }
0x42: {  	_ =	shalt  }
0x43: {  	_ =	shalt  }
0x44: {  	_ =	shalt  }
0x45: {  	_ =	shalt  }
0x46: {  	_ =	shalt  }
0x47: {  	_ =	shalt  }
0x48: {  	_ =	shalt  }
0x49: {  	_ =	shalt  }
0x4a: {  	_ =	shalt  }
0x4b: {  	_ =	shalt  }
0x4c: {  	_ =	shalt  }
0x4d: {  	_ =	shalt  }
0x4e: {  	_ =	shalt  }
0x4f: {  	_ =	shalt  }
0x50: {  	_ =	shalt  }
0x51: {  	_ =	shalt  }
0x52: {  	_ =	shalt  }
0x53: {  	_ =	shalt  }
0x54: {  	_ =	shalt  }
0x55: {  	_ =	shalt  }
0x56: {  	_ =	shalt  }
0x57: {  	_ =	shalt  }
0x58: {  	_ =	shalt  }
0x59: {  	_ =	shalt  }
0x5a: {  	_ =	shalt  }
0x5b: {  	_ =	shalt  }
0x5c: {  	_ =	shalt  }
0x5d: {  	_ =	shalt  }
0x5e: {  	_ =	shalt  }
0x5f: {  	_ =	shalt  }
0x60: {  	_ =	shalt  }
0x61: {  	_ =	shalt  }
0x62: {  	_ =	shalt  }
0x63: {  	_ =	shalt  }
0x64: {  	_ =	shalt  }
0x65: {  	_ =	shalt  }
0x66: {  	_ =	shalt  }
0x67: {  	_ =	shalt  }
0x68: {  	_ =	shalt  }
0x69: {  	_ =	shalt  }
0x6a: {  	_ =	shalt  }
0x6b: {  	_ =	shalt  }
0x6c: {  	_ =	shalt  }
0x6d: {  	_ =	shalt  }
0x6e: {  	_ =	shalt  }
0x6f: {  	_ =	shalt  }
0x70: {  	_ =	shalt  }
0x71: {  	_ =	shalt  }
0x72: {  	_ =	shalt  }
0x73: {  	_ =	shalt  }
0x74: {  	_ =	shalt  }
0x75: {  	_ =	shalt  }
0x76: {  	_ =	shalt  }
0x77: {  	_ =	shalt  }
0x78: {  	_ =	shalt  }
0x79: {  	_ =	shalt  }
0x7a: {  	_ =	shalt  }
0x7b: {  	_ =	shalt  }
0x7c: {  	_ =	shalt  }
0x7d: {  	_ =	shalt  }
0x7e: {  	_ =	shalt  }
0x7f: {  	_ =	shalt  }
0x80: {  	_ =	shalt  }
0x81: {  	_ =	shalt  }
0x82: {  	_ =	shalt  }
0x83: {  	_ =	shalt  }
0x84: {  	_ =	shalt  }
0x85: {  	_ =	shalt  }
0x86: {  	_ =	shalt  }
0x87: {  	_ =	shalt  }
.Lfunc_end0:
.L_simem_size_0:
called_computation.1_lowered:
.L_overlay_start_0:
0x88: {  	s2 =	sld [smem:$0x3FD9]  }
0x89: {  	s3 =	sld [smem:$0x3FFE];
	_ =	sdelay $0x1  }
0x8a: {  	s1 =	srdreg.scid  }
0x8b: {  	s0 =	sand.u32 $0x1, s1  }
0x8c: {  	s17 =	sshll.u32 s0, $0xA;
	s2 =	sadd.s32 s3, s2  }
0x8d: {  	s2 =	sadd.s32 s2, s17  }
0x8e: {  	[smem:$0x3FC2] =	sst s2  }
0x8f: {  	_ = 	snop  }
0x90: {  	s2 =	sld [smem:$0x3FD0];
	(tm) =	ssettm $0x1  }
0x91: {  	s18 =	sld [smem:$0x3FFB];
	_ =	sdelay $0x3  }
0x92: {  	_ =	strace s18  }
0x93: {  	s3 =	sld [smem:$0x3FFC];
	_ =	sdelay $0x3  }
0x94: {  	_ =	strace s3  }
0x95: {  	s3 =	sld [smem:$0x3FFD];
	_ =	sdelay $0x3  }
0x96: {  	_ =	strace s3  }
0x97: {  	_ =	strace $0x8FFFFFFF  }
0x98: {  	s19 =	sld [smem:$0x3FDB];
	_ =	sdelay $0x1  }
0x99: {  	s4 =	simm.s32 $_scs_section_size  }
0x9a: {  	s5 =	simm.s32 $_size__tile_overlayer_lowered;
	s6 =	simm.s32 $_tile_overlayer_lowered  }
0x9b: {  	s22 =	simm.s32 $0x1BFF;
	s21 =	sshll.u32 s6, $0x1;
	s3 =	sadd.s32 s4, s19  }
0x9c: {  	s7 =	simm.s32 $0x0;
	s20 =	sshll.u32 s5, $0x1;
	s5 =	sadd.s32 s21, s3  }
0x9d: {  	[timem:s7], [sflag:s22] =	dma.local [hbm:s5], s20  }
0x9e: {  	_ =	swait.ge [sflag:s22], s20  }
0x9f: {  	s4 =	ssub.s32 $0x0, s20;
	[sflag:s22] =	ssyncset.done $0x0  }
0xa0: {  	[sflag:s22] =	ssyncadd.s32 s4;
	_ =	sdelay $0x1  }
0xa1: {  	s23 =	simm.s32 $0x1B8B  }
0xa2: {  	_ =	swait.ge [sflag:s23], $0x1  }
0xa3: {  	[sflag:s23] =	ssyncset.done $0x0  }
0xa4: {  	s25 =	simm.s32 $0x1B8E;
	s24 =	sld [smem:$0x3FFE];
	[sflag:s23] =	ssyncadd.s32 $0xFFFFFFFF  }
0xa5: {  	s26 =	simm.s32 $execute0_lowered;
	[smem:$0x3FD2] =	sst s25  }
0xa6: {  	s5 =	sshll.u32 s26, $0x1;
	_ =	strace $0x80000049;
	[dreg:$0x1] =	wrdreg $0xFFFFFFFF  }
0xa7: {  	s28 =	simm.s32 $_size_execute0_lowered;
	s3 =	sadd.s32 s3, s5;
	[dreg:$0x0] =	wrdreg $0x0  }
0xa8: {  	s5 =	sshll.u32 s28, $0x1;
	[dreg:$0x2] =	wrdreg s3  }
0xa9: {  	[dreg:$0x3] =	wrdreg s5  }
0xaa: {  	[dreg:$0x4] =	wrdreg $0xC0  }
0xab: {  	_ =	task [dreg:s7], $0x5FFFF  }
0xac: {  	[dreg:$0x1] =	wrdreg $0xFFFFFFFF  }
0xad: {  	[dreg:$0x0] =	wrdreg $0x60  }
0xae: {  	[dreg:$0x2] =	wrdreg s24  }
0xaf: {  	[dreg:$0x3] =	wrdreg s2  }
0xb0: {  	[dreg:$0x4] =	wrdreg $0xB2200  }
0xb1: {  	[dreg:$0x5] =	wrdreg $0x9  }
0xb2: {  	_ =	task.clear_ibuf [dreg:s7], $0x6FFFF;
	_ =	strace $0x90000049  }
0xb3: {  	s29 =	simm.s32 $0x9;
	_ =	strace $0x8000004B  }
0xb4: {  	_ =	swait.ge [sflag:s29], $0x1  }
0xb5: {  	[sflag:s29] =	ssyncadd.s32 $0xFFFFFFFF  }
0xb6: {  	_ =	strace $0x9000004B  }
0xb7: {  	_ =	sfence  }
0xb8: {  	s30 =	sld [smem:$0x0];
	_ =	sdelay $0x2  }
0xb9: {  	s31 =	sshll.u32 s1, $0xD;
	s1 =	sshrl.u32 s1, $0x2  }
0xba: {  	s3 =	sand.u32 $0x4000, s31;
	s1 =	sadd.s32 s1, s30  }
0xbb: {  	s0 =	sor.u32 s3, s0;
	s1 =	sshll.u32 s1, $0x11  }
0xbc: {  	s0 =	sor.u32 s1, s0  }
0xbd: {  	s0 =	sadd.s32 $0x8F2B, s0  }
0xbe: {  	[sflag:s0] =	ssyncadd.remote.s32 $0x1  }
0xbf: {  	_ =	sfence.sel $0xFFFF  }
0xc0: {  	[dreg:$0x0] =	wrdreg $0xFFFFFFFF;
	(pc) =	sbr.abs _section_cstart, $3  }
0xc1: {  	[dreg:$0x1] =	wrdreg $0xFFFFFFFF  }
0xc2: {  	_ =	task.clear_ibuf [dreg:s7], $0x2FFFF;
	_ =	strace $0x9FFFFFFF  }
0xc3: {  	(tm) =	ssettm $0x7FFFFFFF  }
tec
execute0_lowered:
.L_overlay_start_1:
0x0: {  	(tag) =	ssettag $0x1  }
0x1: {  	s0 =	rddreg [dreg:$0x0]  }
0x2: {  	s1 =	rddreg [dreg:$0x1]  }
0x3: {  	s3 =	srdreg.scid;
	s9 =	stileid.u32  }
0x4: {  	s2 =	rddreg [dreg:$0x2];
	s13 =	simm.s32 $0x1;
	s14 =	simm.s32 $0x2  }
0x5: {  	s15 =	simm.s32 $0x3;
	s16 =	simm.s32 $0x50;
	s17 =	simm.s32 $0x4E20  }
0x6: {  	s18 =	simm.s32 $0x6220;
	s20 =	simm.s32 $0x7620;
	s22 =	simm.s32 $0x8A20  }
0x7: {  	s23 =	simm.s32 $0x9E20;
	s25 =	simm.s32 $0x6;
	s26 =	simm.s32 $0x4  }
0x8: {  	s28 =	simm.s32 $0x5;
	s19 =	simm.s32 $0x0;
	s7 =	sand.u32 $0x1, s3  }
0x9: {  	s4 =	sshll.u32 s9, $0x1;
	s3 =	simm.s32 $0x0;
	s8 =	smul.u32 $0x13880, s9  }
0xa: {  	s4 =	sor.u32 s7, s4;
	[smem:$0x7FF] =	sst s3;
	s12 =	smul.u32 $0x13880, s7  }
0xb: {  	s6 =	ssub.s32 $0x2, s7;
	s5 =	smul.u32 $0x4E2, s4;
	_ =	strace $0x8000004A  }
0xc: {  	s4 =	sadd.s32 $0x15800, s0;
	s30 =	sshrl.u32 s6, $0x1;
	s31 =	sshrl.u32 s8, $0x1  }
0xd: {  	s11 =	sshrl.u32 s8, $0x4;
	s8 =	sshll.u32 s9, $0x6;
	s10 =	ssub.s32 s6, s30  }
0xe: {  	s7 =	sadd.s32 s4, s11;
	s9 =	sor.u32 $0x1C03, s8;
	s1 =	sadd.s32 s1, s12  }
0xf: {  	s0 =	sadd.s32 s5, s0;
	s10 =	smax.u32 s10, $0x1;
	s24 =	sadd.s32 s11, s1  }
0x10: {  	s5 =	sadd.s32 $0x1E00, s0;
	s6 =	sadd.s32 $0xBA40, s0;
	s0 =	sadd.s32 s31, s2  }
0x11: {  	s11 =	simm.s32 $0x4DD0;
	s12 =	sshrl.u32 s0, $0x3;
	s0 =	simm.s32 $0x4D80  }
.LBB2_1:
0x12: {  	[tilespmem:s3], [sflag:$0x1] =	stream.linear.gather [hbm4b:s5+s3], $0x2710, $0x38;
	[tilespmem:$0x14E60] =	vst v63  }
0x13: {  	s1 =	simm.s32 $0x2710  }
0x14: {  	[tilespmem:s1], [sflag:$0x2] =	stream.linear.gather [hbm4b:s6+s3], $0x2710, $0x38;
	[tilespmem:$0x14E60] =	vst v63  }
0x15: {  	[spmem:s12], [sflag:s9] =	dma.local [hbm:s7], $0x1388  }
0x16: {  	_ =	swait.ge [sflag:s13], $0x2710  }
0x17: {  	[sflag:s13] =	ssyncset.done $0x0  }
0x18: {  	[sflag:s13] =	ssyncadd.s32 $0xFFFFD8F0  }
0x19: {  	_ =	swait.ge [sflag:s14], $0x2710  }
0x1a: {  	[sflag:s14] =	ssyncset.done $0x0  }
0x1b: {  	[sflag:s14] =	ssyncadd.s32 $0xFFFFD8F0  }
0x1c: {  	_ =	swait.ge [sflag:s15], $0x1388  }
0x1d: {  	[sflag:s15] =	ssyncset.done $0x0  }
0x1e: {  	[sflag:s15] =	ssyncadd.s32 $0xFFFFEC78  }
0x1f: {  	[bflag:$0x0] =	sbarrier.arrive $0xFFFF  }
0x20: {  	[tilespmem:s17], [sflag:$0x1] =	stream.indirect.gather [hbm4b:s4+s16], $0x40, s3, s16, $0xb8;
	[tilespmem:$0x14E60] =	vst v63  }
0x21: {  	_ = 	snop  }
0x22: {  	[tilespmem:s18], [sflag:$0x2] =	stream.indirect.gather [hbm4b:s4+s16], $0x40, s16, s16, $0xb8;
	[tilespmem:$0x14E60] =	vst v63  }
0x23: {  	s30 =	simm.s32 $0xA0  }
0x24: {  	[tilespmem:s20], [sflag:$0x3] =	stream.indirect.gather [hbm4b:s4+s16], $0x40, s30, s16, $0xb8;
	[tilespmem:$0x14E60] =	vst v63  }
0x25: {  	s31 =	simm.s32 $0xF0  }
0x26: {  	[tilespmem:s22], [sflag:$0x4] =	stream.indirect.gather [hbm4b:s4+s16], $0x40, s31, s16, $0xb8;
	[tilespmem:$0x14E60] =	vst v63  }
0x27: {  	s21 =	simm.s32 $0x140  }
0x28: {  	[tilespmem:s23], [sflag:$0x5] =	stream.indirect.gather [hbm4b:s4+s16], $0x40, s21, s16, $0xb8;
	[tilespmem:$0x14E60] =	vst v63  }
0x29: {  	_ =	swait.ge [sflag:s13], $0x1400  }
0x2a: {  	[sflag:s13] =	ssyncset.done $0x0  }
0x2b: {  	s1 =	simm.s32 $0x2710;
	[sflag:s13] =	ssyncadd.s32 $0xFFFFEC00  }
0x2c: {  	[spmem:s2] =	stream.indirect.scatter.add.bf16 [tilespmem:s17], [sflag:$0x6], $0x40, s1, s16, $0xb8;
	[tilespmem:$0x14E60] =	vst v63  }
0x2d: {  	_ =	swait.ge [sflag:s25], $0x1400  }
0x2e: {  	[sflag:s25] =	ssyncset.done $0x0  }
0x2f: {  	s30 =	simm.s32 $0x190;
	[sflag:s25] =	ssyncadd.s32 $0xFFFFEC00  }
0x30: {  	[tilespmem:s17], [sflag:$0x1] =	stream.indirect.gather [hbm4b:s4+s16], $0x40, s30, s16, $0xb8;
	[tilespmem:$0x14E60] =	vst v63  }
0x31: {  	_ =	swait.ge [sflag:s14], $0x1400  }
0x32: {  	[sflag:s14] =	ssyncset.done $0x0  }
0x33: {  	s31 =	simm.s32 $0x2760;
	[sflag:s14] =	ssyncadd.s32 $0xFFFFEC00  }
0x34: {  	[spmem:s2] =	stream.indirect.scatter.add.bf16 [tilespmem:s18], [sflag:$0x6], $0x40, s31, s16, $0xb8;
	[tilespmem:$0x14E60] =	vst v63  }
0x35: {  	_ =	swait.ge [sflag:s25], $0x1400  }
0x36: {  	[sflag:s25] =	ssyncset.done $0x0  }
0x37: {  	s1 =	simm.s32 $0x1E0;
	[sflag:s25] =	ssyncadd.s32 $0xFFFFEC00  }
0x38: {  	[tilespmem:s18], [sflag:$0x2] =	stream.indirect.gather [hbm4b:s4+s16], $0x40, s1, s16, $0xb8;
	[tilespmem:$0x14E60] =	vst v63  }
0x39: {  	_ =	swait.ge [sflag:s15], $0x1400  }
0x3a: {  	[sflag:s15] =	ssyncset.done $0x0  }
0x3b: {  	s30 =	simm.s32 $0x27B0;
	[sflag:s15] =	ssyncadd.s32 $0xFFFFEC00  }
0x3c: {  	[spmem:s2] =	stream.indirect.scatter.add.bf16 [tilespmem:s20], [sflag:$0x6], $0x40, s30, s16, $0xb8;
	[tilespmem:$0x14E60] =	vst v63  }
0x3d: {  	_ =	swait.ge [sflag:s25], $0x1400  }
0x3e: {  	[sflag:s25] =	ssyncset.done $0x0  }
0x3f: {  	s31 =	simm.s32 $0x230;
	[sflag:s25] =	ssyncadd.s32 $0xFFFFEC00  }
0x40: {  	[tilespmem:s20], [sflag:$0x3] =	stream.indirect.gather [hbm4b:s4+s16], $0x40, s31, s16, $0xb8;
	[tilespmem:$0x14E60] =	vst v63  }
0x41: {  	_ =	swait.ge [sflag:s26], $0x1400  }
0x42: {  	[sflag:s26] =	ssyncset.done $0x0  }
0x43: {  	s1 =	simm.s32 $0x2800;
	[sflag:s26] =	ssyncadd.s32 $0xFFFFEC00  }
0x44: {  	[spmem:s2] =	stream.indirect.scatter.add.bf16 [tilespmem:s22], [sflag:$0x6], $0x40, s1, s16, $0xb8;
	[tilespmem:$0x14E60] =	vst v63  }
0x45: {  	_ =	swait.ge [sflag:s25], $0x1400  }
0x46: {  	[sflag:s25] =	ssyncset.done $0x0  }
0x47: {  	s30 =	simm.s32 $0x280;
	[sflag:s25] =	ssyncadd.s32 $0xFFFFEC00  }
0x48: {  	[tilespmem:s22], [sflag:$0x4] =	stream.indirect.gather [hbm4b:s4+s16], $0x40, s30, s16, $0xb8;
	[tilespmem:$0x14E60] =	vst v63  }
0x49: {  	_ =	swait.ge [sflag:s28], $0x1400  }
0x4a: {  	[sflag:s28] =	ssyncset.done $0x0  }
0x4b: {  	s31 =	simm.s32 $0x2850;
	[sflag:s28] =	ssyncadd.s32 $0xFFFFEC00  }
0x4c: {  	[spmem:s2] =	stream.indirect.scatter.add.bf16 [tilespmem:s23], [sflag:$0x6], $0x40, s31, s16, $0xb8;
	[tilespmem:$0x14E60] =	vst v63  }
0x4d: {  	_ =	swait.ge [sflag:s25], $0x1400  }
0x4e: {  	s29 =	simm.s32 $0xC80;
	s21 =	simm.s32 $0x190;
	[sflag:s25] =	ssyncset.done $0x0  }
.LBB2_2:
0x4f: {  	s1 =	sadd.s32 $0x140, s21  }
0x50: {  	[sflag:s25] =	ssyncadd.s32 $0xFFFFEC00;
	s30 =	smov.u32 s29;
	s31 =	sadd.s32 $0x640, s29  }
0x51: {  	[tilespmem:s23], [sflag:$0x5] =	stream.indirect.gather [hbm4b:s4+s16], $0x40, s1, s16, $0xb8;
	[tilespmem:$0x14E60] =	vst v63  }
0x52: {  	p0 =	sne.s32 s29, $0x8FC0;
	_ =	swait.ge [sflag:s13], $0x1400  }
0x53: {  	[sflag:s13] =	ssyncset.done $0x0  }
0x54: {  	s1 =	sadd.s32 $0x2710, s21;
	[sflag:s13] =	ssyncadd.s32 $0xFFFFEC00  }
0x55: {  	[spmem:s2] =	stream.indirect.scatter.add.bf16 [tilespmem:s17], [sflag:$0x6], $0x40, s1, s16, $0xb8;
	[tilespmem:$0x14E60] =	vst v63  }
0x56: {  	_ =	swait.ge [sflag:s25], $0x1400  }
0x57: {  	[sflag:s25] =	ssyncset.done $0x0  }
0x58: {  	s1 =	sadd.s32 $0x190, s21;
	[sflag:s25] =	ssyncadd.s32 $0xFFFFEC00  }
0x59: {  	[tilespmem:s17], [sflag:$0x1] =	stream.indirect.gather [hbm4b:s4+s16], $0x40, s1, s16, $0xb8;
	[tilespmem:$0x14E60] =	vst v63  }
0x5a: {  	_ =	swait.ge [sflag:s14], $0x1400  }
0x5b: {  	[sflag:s14] =	ssyncset.done $0x0  }
0x5c: {  	s1 =	sadd.s32 $0x2760, s21;
	[sflag:s14] =	ssyncadd.s32 $0xFFFFEC00  }
0x5d: {  	[spmem:s2] =	stream.indirect.scatter.add.bf16 [tilespmem:s18], [sflag:$0x6], $0x40, s1, s16, $0xb8;
	[tilespmem:$0x14E60] =	vst v63  }
0x5e: {  	_ =	swait.ge [sflag:s25], $0x1400  }
0x5f: {  	[sflag:s25] =	ssyncset.done $0x0  }
0x60: {  	s1 =	sadd.s32 $0x1E0, s21;
	[sflag:s25] =	ssyncadd.s32 $0xFFFFEC00  }
0x61: {  	[tilespmem:s18], [sflag:$0x2] =	stream.indirect.gather [hbm4b:s4+s16], $0x40, s1, s16, $0xb8;
	[tilespmem:$0x14E60] =	vst v63  }
0x62: {  	_ =	swait.ge [sflag:s15], $0x1400  }
0x63: {  	[sflag:s15] =	ssyncset.done $0x0  }
0x64: {  	s1 =	sadd.s32 $0x27B0, s21;
	[sflag:s15] =	ssyncadd.s32 $0xFFFFEC00  }
0x65: {  	[spmem:s2] =	stream.indirect.scatter.add.bf16 [tilespmem:s20], [sflag:$0x6], $0x40, s1, s16, $0xb8;
	[tilespmem:$0x14E60] =	vst v63  }
0x66: {  	_ =	swait.ge [sflag:s25], $0x1400  }
0x67: {  	[sflag:s25] =	ssyncset.done $0x0  }
0x68: {  	s1 =	sadd.s32 $0x230, s21;
	[sflag:s25] =	ssyncadd.s32 $0xFFFFEC00  }
0x69: {  	[tilespmem:s20], [sflag:$0x3] =	stream.indirect.gather [hbm4b:s4+s16], $0x40, s1, s16, $0xb8;
	[tilespmem:$0x14E60] =	vst v63  }
0x6a: {  	_ =	swait.ge [sflag:s26], $0x1400  }
0x6b: {  	[sflag:s26] =	ssyncset.done $0x0  }
0x6c: {  	s1 =	sadd.s32 $0x2800, s21;
	[sflag:s26] =	ssyncadd.s32 $0xFFFFEC00  }
0x6d: {  	[spmem:s2] =	stream.indirect.scatter.add.bf16 [tilespmem:s22], [sflag:$0x6], $0x40, s1, s16, $0xb8;
	[tilespmem:$0x14E60] =	vst v63  }
0x6e: {  	_ =	swait.ge [sflag:s25], $0x1400  }
0x6f: {  	[sflag:s25] =	ssyncset.done $0x0  }
0x70: {  	s1 =	sadd.s32 $0x280, s21;
	[sflag:s25] =	ssyncadd.s32 $0xFFFFEC00  }
0x71: {  	[tilespmem:s22], [sflag:$0x4] =	stream.indirect.gather [hbm4b:s4+s16], $0x40, s1, s16, $0xb8;
	[tilespmem:$0x14E60] =	vst v63  }
0x72: {  	_ =	swait.ge [sflag:s28], $0x1400  }
.Ltmp0:
0x73: {  	[sflag:s28] =	ssyncset.done $0x0;
	(pc) =	sbr.rel @p0 .LBB2_2-.Ltmp0, $4  }
0x74: {  	s1 =	sadd.s32 $0x2850, s21;
	[sflag:s28] =	ssyncadd.s32 $0xFFFFEC00  }
0x75: {  	[spmem:s2] =	stream.indirect.scatter.add.bf16 [tilespmem:s23], [sflag:$0x6], $0x40, s1, s16, $0xb8;
	[tilespmem:$0x14E60] =	vst v63  }
0x76: {  	_ =	swait.ge [sflag:s25], $0x1400  }
0x77: {  	s29 =	smov.u32 s31;
	s21 =	sshra.s32 s30, $0x2;
	[sflag:s25] =	ssyncset.done $0x0  }
0x78: {  	s1 =	sadd.s32 $0x140, s21;
	[sflag:s25] =	ssyncadd.s32 $0xFFFFEC00  }
0x79: {  	[tilespmem:s23], [sflag:$0x5] =	stream.indirect.gather [hbm4b:s4+s16], $0x40, s1, s16, $0xb8;
	[tilespmem:$0x14E60] =	vst v63  }
0x7a: {  	_ =	swait.ge [sflag:s13], $0x1400  }
0x7b: {  	[sflag:s13] =	ssyncset.done $0x0  }
0x7c: {  	s31 =	sadd.s32 $0x2710, s21;
	[sflag:s13] =	ssyncadd.s32 $0xFFFFEC00  }
0x7d: {  	[spmem:s2] =	stream.indirect.scatter.add.bf16 [tilespmem:s17], [sflag:$0x6], $0x40, s31, s16, $0xb8;
	[tilespmem:$0x14E60] =	vst v63  }
0x7e: {  	_ =	swait.ge [sflag:s25], $0x1400  }
0x7f: {  	[sflag:s25] =	ssyncset.done $0x0  }
0x80: {  	s29 =	sadd.s32 $0x190, s21;
	[sflag:s25] =	ssyncadd.s32 $0xFFFFEC00  }
0x81: {  	[tilespmem:s17], [sflag:$0x1] =	stream.indirect.gather [hbm4b:s4+s16], $0x40, s29, s16, $0xb8;
	[tilespmem:$0x14E60] =	vst v63  }
0x82: {  	_ =	swait.ge [sflag:s14], $0x1400  }
0x83: {  	[sflag:s14] =	ssyncset.done $0x0  }
0x84: {  	s30 =	sadd.s32 $0x2760, s21;
	[sflag:s14] =	ssyncadd.s32 $0xFFFFEC00  }
0x85: {  	[spmem:s2] =	stream.indirect.scatter.add.bf16 [tilespmem:s18], [sflag:$0x6], $0x40, s30, s16, $0xb8;
	[tilespmem:$0x14E60] =	vst v63  }
0x86: {  	_ =	swait.ge [sflag:s25], $0x1400  }
0x87: {  	[sflag:s25] =	ssyncset.done $0x0  }
0x88: {  	s31 =	sadd.s32 $0x1E0, s21;
	[sflag:s25] =	ssyncadd.s32 $0xFFFFEC00  }
0x89: {  	[tilespmem:s18], [sflag:$0x2] =	stream.indirect.gather [hbm4b:s4+s16], $0x40, s31, s16, $0xb8;
	[tilespmem:$0x14E60] =	vst v63  }
0x8a: {  	_ =	swait.ge [sflag:s15], $0x1400  }
0x8b: {  	[sflag:s15] =	ssyncset.done $0x0  }
0x8c: {  	s29 =	sadd.s32 $0x27B0, s21;
	[sflag:s15] =	ssyncadd.s32 $0xFFFFEC00  }
0x8d: {  	[spmem:s2] =	stream.indirect.scatter.add.bf16 [tilespmem:s20], [sflag:$0x6], $0x40, s29, s16, $0xb8;
	[tilespmem:$0x14E60] =	vst v63  }
0x8e: {  	_ =	swait.ge [sflag:s25], $0x1400  }
0x8f: {  	[sflag:s25] =	ssyncset.done $0x0  }
0x90: {  	s30 =	sadd.s32 $0x230, s21;
	[sflag:s25] =	ssyncadd.s32 $0xFFFFEC00  }
0x91: {  	[tilespmem:s20], [sflag:$0x3] =	stream.indirect.gather [hbm4b:s4+s16], $0x40, s30, s16, $0xb8;
	[tilespmem:$0x14E60] =	vst v63  }
0x92: {  	_ =	swait.ge [sflag:s26], $0x1400  }
0x93: {  	[sflag:s26] =	ssyncset.done $0x0  }
0x94: {  	s31 =	sadd.s32 $0x2800, s21;
	[sflag:s26] =	ssyncadd.s32 $0xFFFFEC00  }
0x95: {  	[spmem:s2] =	stream.indirect.scatter.add.bf16 [tilespmem:s22], [sflag:$0x6], $0x40, s31, s16, $0xb8;
	[tilespmem:$0x14E60] =	vst v63  }
0x96: {  	_ =	swait.ge [sflag:s25], $0x1400  }
0x97: {  	[sflag:s25] =	ssyncset.done $0x0  }
0x98: {  	s29 =	sadd.s32 $0x280, s21;
	[sflag:s25] =	ssyncadd.s32 $0xFFFFEC00  }
0x99: {  	[tilespmem:s22], [sflag:$0x4] =	stream.indirect.gather [hbm4b:s4+s16], $0x40, s29, s16, $0xb8;
	[tilespmem:$0x14E60] =	vst v63  }
0x9a: {  	_ =	swait.ge [sflag:s28], $0x1400  }
0x9b: {  	[sflag:s28] =	ssyncset.done $0x0  }
0x9c: {  	s30 =	sadd.s32 $0x2850, s21;
	[sflag:s28] =	ssyncadd.s32 $0xFFFFEC00  }
0x9d: {  	[spmem:s2] =	stream.indirect.scatter.add.bf16 [tilespmem:s23], [sflag:$0x6], $0x40, s30, s16, $0xb8;
	[tilespmem:$0x14E60] =	vst v63  }
0x9e: {  	_ =	swait.ge [sflag:s25], $0x1400  }
0x9f: {  	[sflag:s25] =	ssyncset.done $0x0  }
0xa0: {  	s31 =	simm.s32 $0x26C0;
	[sflag:s25] =	ssyncadd.s32 $0xFFFFEC00  }
0xa1: {  	[tilespmem:s23], [sflag:$0x5] =	stream.indirect.gather [hbm4b:s4+s16], $0x40, s31, s16, $0xb8;
	[tilespmem:$0x14E60] =	vst v63  }
0xa2: {  	_ =	swait.ge [sflag:s13], $0x1400  }
0xa3: {  	[sflag:s13] =	ssyncset.done $0x0  }
0xa4: {  	s21 =	simm.s32 $0x4C90;
	[sflag:s13] =	ssyncadd.s32 $0xFFFFEC00  }
0xa5: {  	[spmem:s2] =	stream.indirect.scatter.add.bf16 [tilespmem:s17], [sflag:$0x6], $0x40, s21, s16, $0xb8;
	[tilespmem:$0x14E60] =	vst v63  }
0xa6: {  	_ =	swait.ge [sflag:s25], $0x1400  }
0xa7: {  	[sflag:s25] =	ssyncset.done $0x0  }
0xa8: {  	[sflag:s25] =	ssyncadd.s32 $0xFFFFEC00  }
0xa9: {  	_ =	swait.ge [sflag:s14], $0x1400  }
0xaa: {  	[sflag:s14] =	ssyncset.done $0x0  }
0xab: {  	s29 =	simm.s32 $0x4CE0;
	[sflag:s14] =	ssyncadd.s32 $0xFFFFEC00  }
0xac: {  	[spmem:s2] =	stream.indirect.scatter.add.bf16 [tilespmem:s18], [sflag:$0x6], $0x40, s29, s16, $0xb8;
	[tilespmem:$0x14E60] =	vst v63  }
0xad: {  	_ =	swait.ge [sflag:s25], $0x1400  }
0xae: {  	[sflag:s25] =	ssyncset.done $0x0  }
0xaf: {  	[sflag:s25] =	ssyncadd.s32 $0xFFFFEC00  }
0xb0: {  	_ =	swait.ge [sflag:s15], $0x1400  }
0xb1: {  	[sflag:s15] =	ssyncset.done $0x0  }
0xb2: {  	s30 =	simm.s32 $0x4D30;
	[sflag:s15] =	ssyncadd.s32 $0xFFFFEC00  }
0xb3: {  	[spmem:s2] =	stream.indirect.scatter.add.bf16 [tilespmem:s20], [sflag:$0x6], $0x40, s30, s16, $0xb8;
	[tilespmem:$0x14E60] =	vst v63  }
0xb4: {  	_ =	swait.ge [sflag:s25], $0x1400  }
0xb5: {  	[sflag:s25] =	ssyncset.done $0x0  }
0xb6: {  	[sflag:s25] =	ssyncadd.s32 $0xFFFFEC00  }
0xb7: {  	_ =	swait.ge [sflag:s26], $0x1400  }
0xb8: {  	[sflag:s26] =	ssyncset.done $0x0  }
0xb9: {  	[sflag:s26] =	ssyncadd.s32 $0xFFFFEC00  }
0xba: {  	[spmem:s2] =	stream.indirect.scatter.add.bf16 [tilespmem:s22], [sflag:$0x6], $0x40, s0, s16, $0xb8;
	[tilespmem:$0x14E60] =	vst v63  }
0xbb: {  	_ =	swait.ge [sflag:s25], $0x1400  }
0xbc: {  	[sflag:s25] =	ssyncset.done $0x0  }
0xbd: {  	[sflag:s25] =	ssyncadd.s32 $0xFFFFEC00  }
0xbe: {  	_ =	swait.ge [sflag:s28], $0x1400  }
0xbf: {  	[sflag:s28] =	ssyncset.done $0x0  }
0xc0: {  	[sflag:s28] =	ssyncadd.s32 $0xFFFFEC00  }
0xc1: {  	[spmem:s2] =	stream.indirect.scatter.add.bf16 [tilespmem:s23], [sflag:$0x6], $0x40, s11, s16, $0xb8;
	[tilespmem:$0x14E60] =	vst v63  }
0xc2: {  	_ =	swait.ge [sflag:s25], $0x1400  }
0xc3: {  	s19 =	sadd.s32 $0x1, s19;
	[sflag:s25] =	ssyncset.done $0x0  }
0xc4: {  	p0 =	sne.s32 s19, s10;
	[sflag:s25] =	ssyncadd.s32 $0xFFFFEC00  }
.Ltmp1:
0xc5: {  	s31 =	sor.u32 $0x1C06, s8;
	[bflag:$0x0] =	sbarrier.arrive $0xFFFF;
	(pc) =	sbr.rel @p0 .LBB2_1-.Ltmp1, $4  }
0xc6: {  	[hbm:s24], [sflag:s31] =	dma.local [spmem:s12], $0x1388  }
0xc7: {  	_ =	swait.ge [sflag:s25], $0x1388  }
0xc8: {  	[sflag:s25] =	ssyncset.done $0x0  }
0xc9: {  	[sflag:s25] =	ssyncadd.s32 $0xFFFFEC78  }
0xca: {  	_ =	sfence.sel $0x180000  }
0xcb: {  	[bflag:$0x0] =	sbarrier.arrive $0xFFFF  }
0xcc: {  	_ =	strace $0x9000004A  }
0xcd: {  	s0 =	stileid.u32;
	[bflag:$0x2] =	sbarrier.arrive $0xFFFF  }
0xce: {  	p0 =	sne.s32 s0, $0x0;
	s0 =	rddreg [dreg:$0x3]  }
0xcf: {  	s0 =	sadd.s32 @!p0 $0x100000, s0  }
0xd0: {  	[sflag:s0] =	ssyncadd.tile.s32 @!p0 $0x1;
	_ =	shalt  }
.Lfunc_end2:
_tile_overlayer_lowered:
.L_overlay_start_2:
0xd1: {  	(tag) =	ssettag $0x2  }
0xd2: {  	s0 =	rddreg [dreg:$0x0];
	s2 =	stileid.u32  }
0xd3: {  	s1 =	rddreg [dreg:$0x1];
	p0 =	sne.s32 s2, $0x0  }
0xd4: {  	s3 =	rddreg [dreg:$0x2];
	[bflag:$0x3] =	sbarrier.arrive $0xFFFF;
	s2 =	simm.s32 @!p0 $0x1C06  }
0xd5: {  	[timem:s3], [sflag:s2] =	dma.local @!p0 [hbm:s0], s1  }
0xd6: {  	s0 =	simm.s32 @!p0 $0x6  }
0xd7: {  	_ =	swait.ge @!p0 [sflag:s0], s1  }
0xd8: {  	s1 =	ssub.s32 @!p0 $0x0, s1;
	[sflag:s0] =	ssyncset.done @!p0 $0x0  }
0xd9: {  	[sflag:s0] =	ssyncadd.s32 @!p0 s1  }
0xda: {  	[bflag:$0x3] =	sbarrier.arrive $0xFFFF  }
0xdb: {  	_ =	shalt  }

// kernel: kernel.15.cloned.1.call-start
scs
__scs_entry_jumppad:
0x0: {  	(pc) =	sbr.rel $0x88, $3  }
0x1: {  	(tag) =	ssettag $0x0;
	lr =	simm.s32 $0x1  }
0x2: {  	[smem:$0x3F9B] =	sst lr;
	_ =	strace $0xD0000000  }
0x3: {  	_ = 	snop  }
0x4: {  	_ = 	snop  }
0x5: {  	_ = 	snop  }
0x6: {  	_ = 	snop  }
0x7: {  	_ = 	snop  }
__scs_overlays_trampoline_lowered:
0x8: {  	[smem:$0x3FAA] =	sst s0  }
0x9: {  	[smem:$0x3FAB] =	sst s1  }
0xa: {  	[smem:$0x3FAC] =	sst s2  }
0xb: {  	[smem:$0x3FAD] =	sst s3  }
0xc: {  	[smem:$0x3FAE] =	sst s4  }
0xd: {  	[smem:$0x3FAF] =	sst s5  }
0xe: {  	[smem:$0x3FB0] =	sst s6  }
0xf: {  	[smem:$0x3FB1] =	sst s7  }
0x10: {  	[smem:$0x3FB2] =	sst s8  }
0x11: {  	[smem:$0x3FB3] =	sst s9;
	s0 =	simm.s32 @!p0 $0x0  }
0x12: {  	s1 =	sld [smem:$0x3F99];
	s0 =	simm.s32 @p0 $0x1  }
0x13: {  	[smem:$0x3FB4] =	sst s0;
	s0 =	simm.s32 @!p1 $0x0  }
0x14: {  	s2 =	sld [smem:$0x3F98];
	s0 =	simm.s32 @p1 $0x1  }
0x15: {  	[smem:$0x3FB5] =	sst s0;
	s0 =	simm.s32 @!p2 $0x0  }
0x16: {  	s3 =	sld [smem:$0x3FDB];
	s0 =	simm.s32 @p2 $0x1  }
0x17: {  	s4 =	simm.s32 $0x1BF5;
	[smem:$0x3FB7] =	sst s0  }
0x18: {  	s0 =	sld [smem:$0x3F9A];
	_ =	swait.ge [sflag:s4], $0x0  }
0x19: {  	s7 =	sld [smem:$0x3F9B]  }
0x1a: {  	s8 =	sadd.s32 $0xFFFFE003, lr  }
0x1b: {  	s9 =	sadd.s32 $0xFFFFFEF7, lr;
	s5 =	simm.s32 $0xFFFFFFFF;
	p2 =	slt.u32 s8, $0xFFFFF086  }
0x1c: {  	p1 =	slt.u32 s9, $0xF7A;
	s5 =	simm.s32 @!p2 $0x0  }
0x1d: {  	s5 =	simm.s32 @p1 $0x1;
	p0 =	seq.s32 s7, s2  }
0x1e: {  	s7 =	smul.u32 @!p0 $0xF7A, s2;
	p2 =	seq.s32 @!p0 s5, $0x0  }
0x1f: {  	s9 =	smul.u32 $0xF7A, s1;
	s8 =	simm.s32 @!p0 $0x1BF5;
	p2 =	por !p2, p0  }
0x20: {  	[sflag:s8] =	ssyncset.s32 @!p0 $0xFFFFF086;
	s6 =	sadd.s32 @!p0 s3, s7;
	s7 =	simm.s32 @!p0 $0x108  }
0x21: {  	s3 =	sadd.s32 s3, s9;
	s6 =	sadd.s32 @!p0 $0x88, s6;
	s7 =	simm.s32 @p2 $0x1082  }
0x22: {  	[simem:s7], [sflag:s8] =	dma.local @!p0 [hbm:s6], $0xF7A  }
0x23: {  	s9 =	sor.u32 $0xD0000000, s2;
	s6 =	simm.s32 $0x108;
	_ =	swait.ge @!p0 [sflag:s8], $0x0  }
0x24: {  	s3 =	sadd.s32 $0x88, s3;
	s6 =	simm.s32 @!p1 $0x1082;
	[sflag:s4] =	ssyncset.s32 $0xFFFFF086  }
0x25: {  	[simem:s6], [sflag:s4] =	dma.local [hbm:s3], $0xF7A  }
0x26: {  	[smem:$0x3F9B] =	sst s1;
	(tag) =	ssettag s2;
	_ =	strace s9  }
0x27: {  	s1 =	sld [smem:$0x3FAB]  }
0x28: {  	s2 =	sld [smem:$0x3FAC]  }
0x29: {  	s4 =	sld [smem:$0x3FAE]  }
0x2a: {  	p0 =	seq.s32 s5, $0x0;
	s5 =	sld [smem:$0x3FAF]  }
0x2b: {  	s6 =	sld [smem:$0x3FB0]  }
0x2c: {  	s7 =	sld [smem:$0x3FB1]  }
0x2d: {  	s3 =	simm.s32 $0x108;
	s8 =	sld [smem:$0x3FB2]  }
0x2e: {  	s3 =	simm.s32 @!p0 $0x1082;
	s9 =	sld [smem:$0x3FB3]  }
0x2f: {  	lr =	sadd.s32 s0, s3;
	s0 =	sld [smem:$0x3FAA]  }
0x30: {  	s3 =	sld [smem:$0x3FAD]  }
0x31: {  	[smem:$0x3FB6] =	sst s10  }
0x32: {  	s10 =	sld [smem:$0x3FB4];
	_ =	sdelay $0x3  }
0x33: {  	p0 =	seq.s32 s10, $0x1;
	s10 =	sld [smem:$0x3FB6];
	_ =	sdelay $0x3  }
0x34: {  	[smem:$0x3FB6] =	sst s10  }
0x35: {  	s10 =	sld [smem:$0x3FB5];
	_ =	sdelay $0x3  }
0x36: {  	p1 =	seq.s32 s10, $0x1;
	s10 =	sld [smem:$0x3FB6];
	_ =	sdelay $0x3  }
0x37: {  	[smem:$0x3FB6] =	sst s10  }
0x38: {  	s10 =	sld [smem:$0x3FB7]  }
0x39: {  	_ = 	snop;
	(pc) =	sbr.ind lr, $3  }
0x3a: {  	_ = 	snop  }
0x3b: {  	_ = 	snop  }
0x3c: {  	p2 =	seq.s32 s10, $0x1;
	s10 =	sld [smem:$0x3FB6]  }
0x3d: {  	_ =	shalt  }
0x3e: {  	_ =	shalt  }
0x3f: {  	_ =	shalt  }
0x40: {  	_ =	shalt  }
0x41: {  	_ =	shalt  }
0x42: {  	_ =	shalt  }
0x43: {  	_ =	shalt  }
0x44: {  	_ =	shalt  }
0x45: {  	_ =	shalt  }
0x46: {  	_ =	shalt  }
0x47: {  	_ =	shalt  }
0x48: {  	_ =	shalt  }
0x49: {  	_ =	shalt  }
0x4a: {  	_ =	shalt  }
0x4b: {  	_ =	shalt  }
0x4c: {  	_ =	shalt  }
0x4d: {  	_ =	shalt  }
0x4e: {  	_ =	shalt  }
0x4f: {  	_ =	shalt  }
0x50: {  	_ =	shalt  }
0x51: {  	_ =	shalt  }
0x52: {  	_ =	shalt  }
0x53: {  	_ =	shalt  }
0x54: {  	_ =	shalt  }
0x55: {  	_ =	shalt  }
0x56: {  	_ =	shalt  }
0x57: {  	_ =	shalt  }
0x58: {  	_ =	shalt  }
0x59: {  	_ =	shalt  }
0x5a: {  	_ =	shalt  }
0x5b: {  	_ =	shalt  }
0x5c: {  	_ =	shalt  }
0x5d: {  	_ =	shalt  }
0x5e: {  	_ =	shalt  }
0x5f: {  	_ =	shalt  }
0x60: {  	_ =	shalt  }
0x61: {  	_ =	shalt  }
0x62: {  	_ =	shalt  }
0x63: {  	_ =	shalt  }
0x64: {  	_ =	shalt  }
0x65: {  	_ =	shalt  }
0x66: {  	_ =	shalt  }
0x67: {  	_ =	shalt  }
0x68: {  	_ =	shalt  }
0x69: {  	_ =	shalt  }
0x6a: {  	_ =	shalt  }
0x6b: {  	_ =	shalt  }
0x6c: {  	_ =	shalt  }
0x6d: {  	_ =	shalt  }
0x6e: {  	_ =	shalt  }
0x6f: {  	_ =	shalt  }
0x70: {  	_ =	shalt  }
0x71: {  	_ =	shalt  }
0x72: {  	_ =	shalt  }
0x73: {  	_ =	shalt  }
0x74: {  	_ =	shalt  }
0x75: {  	_ =	shalt  }
0x76: {  	_ =	shalt  }
0x77: {  	_ =	shalt  }
0x78: {  	_ =	shalt  }
0x79: {  	_ =	shalt  }
0x7a: {  	_ =	shalt  }
0x7b: {  	_ =	shalt  }
0x7c: {  	_ =	shalt  }
0x7d: {  	_ =	shalt  }
0x7e: {  	_ =	shalt  }
0x7f: {  	_ =	shalt  }
0x80: {  	_ =	shalt  }
0x81: {  	_ =	shalt  }
0x82: {  	_ =	shalt  }
0x83: {  	_ =	shalt  }
0x84: {  	_ =	shalt  }
0x85: {  	_ =	shalt  }
0x86: {  	_ =	shalt  }
0x87: {  	_ =	shalt  }
.Lfunc_end0:
.L_simem_size_0:
called_computation.2_lowered:
.L_overlay_start_0:
0x88: {  	s2 =	sld [smem:$0x3FD9]  }
0x89: {  	s3 =	sld [smem:$0x3FFE];
	_ =	sdelay $0x1  }
0x8a: {  	s1 =	srdreg.scid  }
0x8b: {  	s0 =	sand.u32 $0x1, s1  }
0x8c: {  	s17 =	sshll.u32 s0, $0xA;
	s2 =	sadd.s32 s3, s2  }
0x8d: {  	s2 =	sadd.s32 s2, s17  }
0x8e: {  	[smem:$0x3FC2] =	sst s2  }
0x8f: {  	_ = 	snop  }
0x90: {  	s2 =	sld [smem:$0x3FD0];
	(tm) =	ssettm $0x1  }
0x91: {  	s18 =	sld [smem:$0x3FFB];
	_ =	sdelay $0x3  }
0x92: {  	_ =	strace s18  }
0x93: {  	s3 =	sld [smem:$0x3FFC];
	_ =	sdelay $0x3  }
0x94: {  	_ =	strace s3  }
0x95: {  	s3 =	sld [smem:$0x3FFD];
	_ =	sdelay $0x3  }
0x96: {  	_ =	strace s3  }
0x97: {  	_ =	strace $0x8FFFFFFF  }
0x98: {  	s19 =	sld [smem:$0x3FDB];
	_ =	sdelay $0x1  }
0x99: {  	s4 =	simm.s32 $_scs_section_size  }
0x9a: {  	s5 =	simm.s32 $_size__tile_overlayer_lowered;
	s6 =	simm.s32 $_tile_overlayer_lowered  }
0x9b: {  	s22 =	simm.s32 $0x1BFF;
	s21 =	sshll.u32 s6, $0x1;
	s3 =	sadd.s32 s4, s19  }
0x9c: {  	s7 =	simm.s32 $0x0;
	s20 =	sshll.u32 s5, $0x1;
	s5 =	sadd.s32 s21, s3  }
0x9d: {  	[timem:s7], [sflag:s22] =	dma.local [hbm:s5], s20  }
0x9e: {  	_ =	swait.ge [sflag:s22], s20  }
0x9f: {  	s4 =	ssub.s32 $0x0, s20;
	[sflag:s22] =	ssyncset.done $0x0  }
0xa0: {  	[sflag:s22] =	ssyncadd.s32 s4;
	_ =	sdelay $0x1  }
0xa1: {  	s23 =	simm.s32 $0x1B8B  }
0xa2: {  	_ =	swait.ge [sflag:s23], $0x1  }
0xa3: {  	[sflag:s23] =	ssyncset.done $0x0  }
0xa4: {  	s25 =	simm.s32 $0x1B8E;
	s24 =	sld [smem:$0x3FFE];
	[sflag:s23] =	ssyncadd.s32 $0xFFFFFFFF  }
0xa5: {  	s26 =	simm.s32 $execute0_lowered;
	[smem:$0x3FD2] =	sst s25  }
0xa6: {  	s5 =	sshll.u32 s26, $0x1;
	_ =	strace $0x8000004C;
	[dreg:$0x1] =	wrdreg $0xFFFFFFFF  }
0xa7: {  	s28 =	simm.s32 $_size_execute0_lowered;
	s3 =	sadd.s32 s3, s5;
	[dreg:$0x0] =	wrdreg $0x0  }
0xa8: {  	s5 =	sshll.u32 s28, $0x1;
	[dreg:$0x2] =	wrdreg s3  }
0xa9: {  	[dreg:$0x3] =	wrdreg s5  }
0xaa: {  	[dreg:$0x4] =	wrdreg $0xC0  }
0xab: {  	_ =	task [dreg:s7], $0x5FFFF  }
0xac: {  	[dreg:$0x1] =	wrdreg $0xFFFFFFFF  }
0xad: {  	[dreg:$0x0] =	wrdreg $0x60  }
0xae: {  	[dreg:$0x2] =	wrdreg s24  }
0xaf: {  	[dreg:$0x3] =	wrdreg s2  }
0xb0: {  	[dreg:$0x4] =	wrdreg $0xB2200  }
0xb1: {  	[dreg:$0x5] =	wrdreg $0x9  }
0xb2: {  	_ =	task.clear_ibuf [dreg:s7], $0x6FFFF;
	_ =	strace $0x9000004C  }
0xb3: {  	s29 =	simm.s32 $0x9;
	_ =	strace $0x8000004E  }
0xb4: {  	_ =	swait.ge [sflag:s29], $0x1  }
0xb5: {  	[sflag:s29] =	ssyncadd.s32 $0xFFFFFFFF  }
0xb6: {  	_ =	strace $0x9000004E  }
0xb7: {  	_ =	sfence  }
0xb8: {  	s30 =	sld [smem:$0x0];
	_ =	sdelay $0x2  }
0xb9: {  	s31 =	sshll.u32 s1, $0xD;
	s1 =	sshrl.u32 s1, $0x2  }
0xba: {  	s3 =	sand.u32 $0x4000, s31;
	s1 =	sadd.s32 s1, s30  }
0xbb: {  	s0 =	sor.u32 s3, s0;
	s1 =	sshll.u32 s1, $0x11  }
0xbc: {  	s0 =	sor.u32 s1, s0  }
0xbd: {  	s0 =	sadd.s32 $0x8F2B, s0  }
0xbe: {  	[sflag:s0] =	ssyncadd.remote.s32 $0x1  }
0xbf: {  	_ =	sfence.sel $0xFFFF  }
0xc0: {  	[dreg:$0x0] =	wrdreg $0xFFFFFFFF;
	(pc) =	sbr.abs _section_cstart, $3  }
0xc1: {  	[dreg:$0x1] =	wrdreg $0xFFFFFFFF  }
0xc2: {  	_ =	task.clear_ibuf [dreg:s7], $0x2FFFF;
	_ =	strace $0x9FFFFFFF  }
0xc3: {  	(tm) =	ssettm $0x7FFFFFFF  }
tec
execute0_lowered:
.L_overlay_start_1:
0x0: {  	(tag) =	ssettag $0x1  }
0x1: {  	s0 =	rddreg [dreg:$0x0]  }
0x2: {  	s1 =	rddreg [dreg:$0x1]  }
0x3: {  	s3 =	srdreg.scid;
	s9 =	stileid.u32  }
0x4: {  	s2 =	rddreg [dreg:$0x2];
	s13 =	simm.s32 $0x1;
	s14 =	simm.s32 $0x2  }
0x5: {  	s15 =	simm.s32 $0x3;
	s16 =	simm.s32 $0x50;
	s17 =	simm.s32 $0x4E20  }
0x6: {  	s18 =	simm.s32 $0x6220;
	s20 =	simm.s32 $0x7620;
	s22 =	simm.s32 $0x8A20  }
0x7: {  	s23 =	simm.s32 $0x9E20;
	s25 =	simm.s32 $0x6;
	s26 =	simm.s32 $0x4  }
0x8: {  	s28 =	simm.s32 $0x5;
	s19 =	simm.s32 $0x0;
	s7 =	sand.u32 $0x1, s3  }
0x9: {  	s4 =	sshll.u32 s9, $0x1;
	s3 =	simm.s32 $0x0;
	s8 =	smul.u32 $0x13880, s9  }
0xa: {  	s4 =	sor.u32 s7, s4;
	[smem:$0x7FF] =	sst s3;
	s12 =	smul.u32 $0x13880, s7  }
0xb: {  	s6 =	ssub.s32 $0x2, s7;
	s5 =	smul.u32 $0x4E2, s4;
	_ =	strace $0x8000004D  }
0xc: {  	s4 =	sadd.s32 $0x15800, s0;
	s30 =	sshrl.u32 s6, $0x1;
	s31 =	sshrl.u32 s8, $0x1  }
0xd: {  	s11 =	sshrl.u32 s8, $0x4;
	s8 =	sshll.u32 s9, $0x6;
	s10 =	ssub.s32 s6, s30  }
0xe: {  	s7 =	sadd.s32 s4, s11;
	s9 =	sor.u32 $0x1C03, s8;
	s1 =	sadd.s32 s1, s12  }
0xf: {  	s0 =	sadd.s32 s5, s0;
	s10 =	smax.u32 s10, $0x1;
	s24 =	sadd.s32 s11, s1  }
0x10: {  	s5 =	sadd.s32 $0x1E00, s0;
	s6 =	sadd.s32 $0xBA40, s0;
	s0 =	sadd.s32 s31, s2  }
0x11: {  	s11 =	simm.s32 $0x4DD0;
	s12 =	sshrl.u32 s0, $0x3;
	s0 =	simm.s32 $0x4D80  }
.LBB2_1:
0x12: {  	[tilespmem:s3], [sflag:$0x1] =	stream.linear.gather [hbm4b:s5+s3], $0x2710, $0x38;
	[tilespmem:$0x14E60] =	vst v63  }
0x13: {  	s1 =	simm.s32 $0x2710  }
0x14: {  	[tilespmem:s1], [sflag:$0x2] =	stream.linear.gather [hbm4b:s6+s3], $0x2710, $0x38;
	[tilespmem:$0x14E60] =	vst v63  }
0x15: {  	[spmem:s12], [sflag:s9] =	dma.local [hbm:s7], $0x1388  }
0x16: {  	_ =	swait.ge [sflag:s13], $0x2710  }
0x17: {  	[sflag:s13] =	ssyncset.done $0x0  }
0x18: {  	[sflag:s13] =	ssyncadd.s32 $0xFFFFD8F0  }
0x19: {  	_ =	swait.ge [sflag:s14], $0x2710  }
0x1a: {  	[sflag:s14] =	ssyncset.done $0x0  }
0x1b: {  	[sflag:s14] =	ssyncadd.s32 $0xFFFFD8F0  }
0x1c: {  	_ =	swait.ge [sflag:s15], $0x1388  }
0x1d: {  	[sflag:s15] =	ssyncset.done $0x0  }
0x1e: {  	[sflag:s15] =	ssyncadd.s32 $0xFFFFEC78  }
0x1f: {  	[bflag:$0x0] =	sbarrier.arrive $0xFFFF  }
0x20: {  	[tilespmem:s17], [sflag:$0x1] =	stream.indirect.gather [hbm4b:s4+s16], $0x40, s3, s16, $0xb8;
	[tilespmem:$0x14E60] =	vst v63  }
0x21: {  	_ = 	snop  }
0x22: {  	[tilespmem:s18], [sflag:$0x2] =	stream.indirect.gather [hbm4b:s4+s16], $0x40, s16, s16, $0xb8;
	[tilespmem:$0x14E60] =	vst v63  }
0x23: {  	s30 =	simm.s32 $0xA0  }
0x24: {  	[tilespmem:s20], [sflag:$0x3] =	stream.indirect.gather [hbm4b:s4+s16], $0x40, s30, s16, $0xb8;
	[tilespmem:$0x14E60] =	vst v63  }
0x25: {  	s31 =	simm.s32 $0xF0  }
0x26: {  	[tilespmem:s22], [sflag:$0x4] =	stream.indirect.gather [hbm4b:s4+s16], $0x40, s31, s16, $0xb8;
	[tilespmem:$0x14E60] =	vst v63  }
0x27: {  	s21 =	simm.s32 $0x140  }
0x28: {  	[tilespmem:s23], [sflag:$0x5] =	stream.indirect.gather [hbm4b:s4+s16], $0x40, s21, s16, $0xb8;
	[tilespmem:$0x14E60] =	vst v63  }
0x29: {  	_ =	swait.ge [sflag:s13], $0x1400  }
0x2a: {  	[sflag:s13] =	ssyncset.done $0x0  }
0x2b: {  	s1 =	simm.s32 $0x2710;
	[sflag:s13] =	ssyncadd.s32 $0xFFFFEC00  }
0x2c: {  	[spmem:s2] =	stream.indirect.scatter.add.bf16 [tilespmem:s17], [sflag:$0x6], $0x40, s1, s16, $0xb8;
	[tilespmem:$0x14E60] =	vst v63  }
0x2d: {  	_ =	swait.ge [sflag:s25], $0x1400  }
0x2e: {  	[sflag:s25] =	ssyncset.done $0x0  }
0x2f: {  	s30 =	simm.s32 $0x190;
	[sflag:s25] =	ssyncadd.s32 $0xFFFFEC00  }
0x30: {  	[tilespmem:s17], [sflag:$0x1] =	stream.indirect.gather [hbm4b:s4+s16], $0x40, s30, s16, $0xb8;
	[tilespmem:$0x14E60] =	vst v63  }
0x31: {  	_ =	swait.ge [sflag:s14], $0x1400  }
0x32: {  	[sflag:s14] =	ssyncset.done $0x0  }
0x33: {  	s31 =	simm.s32 $0x2760;
	[sflag:s14] =	ssyncadd.s32 $0xFFFFEC00  }
0x34: {  	[spmem:s2] =	stream.indirect.scatter.add.bf16 [tilespmem:s18], [sflag:$0x6], $0x40, s31, s16, $0xb8;
	[tilespmem:$0x14E60] =	vst v63  }
0x35: {  	_ =	swait.ge [sflag:s25], $0x1400  }
0x36: {  	[sflag:s25] =	ssyncset.done $0x0  }
0x37: {  	s1 =	simm.s32 $0x1E0;
	[sflag:s25] =	ssyncadd.s32 $0xFFFFEC00  }
0x38: {  	[tilespmem:s18], [sflag:$0x2] =	stream.indirect.gather [hbm4b:s4+s16], $0x40, s1, s16, $0xb8;
	[tilespmem:$0x14E60] =	vst v63  }
0x39: {  	_ =	swait.ge [sflag:s15], $0x1400  }
0x3a: {  	[sflag:s15] =	ssyncset.done $0x0  }
0x3b: {  	s30 =	simm.s32 $0x27B0;
	[sflag:s15] =	ssyncadd.s32 $0xFFFFEC00  }
0x3c: {  	[spmem:s2] =	stream.indirect.scatter.add.bf16 [tilespmem:s20], [sflag:$0x6], $0x40, s30, s16, $0xb8;
	[tilespmem:$0x14E60] =	vst v63  }
0x3d: {  	_ =	swait.ge [sflag:s25], $0x1400  }
0x3e: {  	[sflag:s25] =	ssyncset.done $0x0  }
0x3f: {  	s31 =	simm.s32 $0x230;
	[sflag:s25] =	ssyncadd.s32 $0xFFFFEC00  }
0x40: {  	[tilespmem:s20], [sflag:$0x3] =	stream.indirect.gather [hbm4b:s4+s16], $0x40, s31, s16, $0xb8;
	[tilespmem:$0x14E60] =	vst v63  }
0x41: {  	_ =	swait.ge [sflag:s26], $0x1400  }
0x42: {  	[sflag:s26] =	ssyncset.done $0x0  }
0x43: {  	s1 =	simm.s32 $0x2800;
	[sflag:s26] =	ssyncadd.s32 $0xFFFFEC00  }
0x44: {  	[spmem:s2] =	stream.indirect.scatter.add.bf16 [tilespmem:s22], [sflag:$0x6], $0x40, s1, s16, $0xb8;
	[tilespmem:$0x14E60] =	vst v63  }
0x45: {  	_ =	swait.ge [sflag:s25], $0x1400  }
0x46: {  	[sflag:s25] =	ssyncset.done $0x0  }
0x47: {  	s30 =	simm.s32 $0x280;
	[sflag:s25] =	ssyncadd.s32 $0xFFFFEC00  }
0x48: {  	[tilespmem:s22], [sflag:$0x4] =	stream.indirect.gather [hbm4b:s4+s16], $0x40, s30, s16, $0xb8;
	[tilespmem:$0x14E60] =	vst v63  }
0x49: {  	_ =	swait.ge [sflag:s28], $0x1400  }
0x4a: {  	[sflag:s28] =	ssyncset.done $0x0  }
0x4b: {  	s31 =	simm.s32 $0x2850;
	[sflag:s28] =	ssyncadd.s32 $0xFFFFEC00  }
0x4c: {  	[spmem:s2] =	stream.indirect.scatter.add.bf16 [tilespmem:s23], [sflag:$0x6], $0x40, s31, s16, $0xb8;
	[tilespmem:$0x14E60] =	vst v63  }
0x4d: {  	_ =	swait.ge [sflag:s25], $0x1400  }
0x4e: {  	s29 =	simm.s32 $0xC80;
	s21 =	simm.s32 $0x190;
	[sflag:s25] =	ssyncset.done $0x0  }
.LBB2_2:
0x4f: {  	s1 =	sadd.s32 $0x140, s21  }
0x50: {  	[sflag:s25] =	ssyncadd.s32 $0xFFFFEC00;
	s30 =	smov.u32 s29;
	s31 =	sadd.s32 $0x640, s29  }
0x51: {  	[tilespmem:s23], [sflag:$0x5] =	stream.indirect.gather [hbm4b:s4+s16], $0x40, s1, s16, $0xb8;
	[tilespmem:$0x14E60] =	vst v63  }
0x52: {  	p0 =	sne.s32 s29, $0x8FC0;
	_ =	swait.ge [sflag:s13], $0x1400  }
0x53: {  	[sflag:s13] =	ssyncset.done $0x0  }
0x54: {  	s1 =	sadd.s32 $0x2710, s21;
	[sflag:s13] =	ssyncadd.s32 $0xFFFFEC00  }
0x55: {  	[spmem:s2] =	stream.indirect.scatter.add.bf16 [tilespmem:s17], [sflag:$0x6], $0x40, s1, s16, $0xb8;
	[tilespmem:$0x14E60] =	vst v63  }
0x56: {  	_ =	swait.ge [sflag:s25], $0x1400  }
0x57: {  	[sflag:s25] =	ssyncset.done $0x0  }
0x58: {  	s1 =	sadd.s32 $0x190, s21;
	[sflag:s25] =	ssyncadd.s32 $0xFFFFEC00  }
0x59: {  	[tilespmem:s17], [sflag:$0x1] =	stream.indirect.gather [hbm4b:s4+s16], $0x40, s1, s16, $0xb8;
	[tilespmem:$0x14E60] =	vst v63  }
0x5a: {  	_ =	swait.ge [sflag:s14], $0x1400  }
0x5b: {  	[sflag:s14] =	ssyncset.done $0x0  }
0x5c: {  	s1 =	sadd.s32 $0x2760, s21;
	[sflag:s14] =	ssyncadd.s32 $0xFFFFEC00  }
0x5d: {  	[spmem:s2] =	stream.indirect.scatter.add.bf16 [tilespmem:s18], [sflag:$0x6], $0x40, s1, s16, $0xb8;
	[tilespmem:$0x14E60] =	vst v63  }
0x5e: {  	_ =	swait.ge [sflag:s25], $0x1400  }
0x5f: {  	[sflag:s25] =	ssyncset.done $0x0  }
0x60: {  	s1 =	sadd.s32 $0x1E0, s21;
	[sflag:s25] =	ssyncadd.s32 $0xFFFFEC00  }
0x61: {  	[tilespmem:s18], [sflag:$0x2] =	stream.indirect.gather [hbm4b:s4+s16], $0x40, s1, s16, $0xb8;
	[tilespmem:$0x14E60] =	vst v63  }
0x62: {  	_ =	swait.ge [sflag:s15], $0x1400  }
0x63: {  	[sflag:s15] =	ssyncset.done $0x0  }
0x64: {  	s1 =	sadd.s32 $0x27B0, s21;
	[sflag:s15] =	ssyncadd.s32 $0xFFFFEC00  }
0x65: {  	[spmem:s2] =	stream.indirect.scatter.add.bf16 [tilespmem:s20], [sflag:$0x6], $0x40, s1, s16, $0xb8;
	[tilespmem:$0x14E60] =	vst v63  }
0x66: {  	_ =	swait.ge [sflag:s25], $0x1400  }
0x67: {  	[sflag:s25] =	ssyncset.done $0x0  }
0x68: {  	s1 =	sadd.s32 $0x230, s21;
	[sflag:s25] =	ssyncadd.s32 $0xFFFFEC00  }
0x69: {  	[tilespmem:s20], [sflag:$0x3] =	stream.indirect.gather [hbm4b:s4+s16], $0x40, s1, s16, $0xb8;
	[tilespmem:$0x14E60] =	vst v63  }
0x6a: {  	_ =	swait.ge [sflag:s26], $0x1400  }
0x6b: {  	[sflag:s26] =	ssyncset.done $0x0  }
0x6c: {  	s1 =	sadd.s32 $0x2800, s21;
	[sflag:s26] =	ssyncadd.s32 $0xFFFFEC00  }
0x6d: {  	[spmem:s2] =	stream.indirect.scatter.add.bf16 [tilespmem:s22], [sflag:$0x6], $0x40, s1, s16, $0xb8;
	[tilespmem:$0x14E60] =	vst v63  }
0x6e: {  	_ =	swait.ge [sflag:s25], $0x1400  }
0x6f: {  	[sflag:s25] =	ssyncset.done $0x0  }
0x70: {  	s1 =	sadd.s32 $0x280, s21;
	[sflag:s25] =	ssyncadd.s32 $0xFFFFEC00  }
0x71: {  	[tilespmem:s22], [sflag:$0x4] =	stream.indirect.gather [hbm4b:s4+s16], $0x40, s1, s16, $0xb8;
	[tilespmem:$0x14E60] =	vst v63  }
0x72: {  	_ =	swait.ge [sflag:s28], $0x1400  }
.Ltmp0:
0x73: {  	[sflag:s28] =	ssyncset.done $0x0;
	(pc) =	sbr.rel @p0 .LBB2_2-.Ltmp0, $4  }
0x74: {  	s1 =	sadd.s32 $0x2850, s21;
	[sflag:s28] =	ssyncadd.s32 $0xFFFFEC00  }
0x75: {  	[spmem:s2] =	stream.indirect.scatter.add.bf16 [tilespmem:s23], [sflag:$0x6], $0x40, s1, s16, $0xb8;
	[tilespmem:$0x14E60] =	vst v63  }
0x76: {  	_ =	swait.ge [sflag:s25], $0x1400  }
0x77: {  	s29 =	smov.u32 s31;
	s21 =	sshra.s32 s30, $0x2;
	[sflag:s25] =	ssyncset.done $0x0  }
0x78: {  	s1 =	sadd.s32 $0x140, s21;
	[sflag:s25] =	ssyncadd.s32 $0xFFFFEC00  }
0x79: {  	[tilespmem:s23], [sflag:$0x5] =	stream.indirect.gather [hbm4b:s4+s16], $0x40, s1, s16, $0xb8;
	[tilespmem:$0x14E60] =	vst v63  }
0x7a: {  	_ =	swait.ge [sflag:s13], $0x1400  }
0x7b: {  	[sflag:s13] =	ssyncset.done $0x0  }
0x7c: {  	s31 =	sadd.s32 $0x2710, s21;
	[sflag:s13] =	ssyncadd.s32 $0xFFFFEC00  }
0x7d: {  	[spmem:s2] =	stream.indirect.scatter.add.bf16 [tilespmem:s17], [sflag:$0x6], $0x40, s31, s16, $0xb8;
	[tilespmem:$0x14E60] =	vst v63  }
0x7e: {  	_ =	swait.ge [sflag:s25], $0x1400  }
0x7f: {  	[sflag:s25] =	ssyncset.done $0x0  }
0x80: {  	s29 =	sadd.s32 $0x190, s21;
	[sflag:s25] =	ssyncadd.s32 $0xFFFFEC00  }
0x81: {  	[tilespmem:s17], [sflag:$0x1] =	stream.indirect.gather [hbm4b:s4+s16], $0x40, s29, s16, $0xb8;
	[tilespmem:$0x14E60] =	vst v63  }
0x82: {  	_ =	swait.ge [sflag:s14], $0x1400  }
0x83: {  	[sflag:s14] =	ssyncset.done $0x0  }
0x84: {  	s30 =	sadd.s32 $0x2760, s21;
	[sflag:s14] =	ssyncadd.s32 $0xFFFFEC00  }
0x85: {  	[spmem:s2] =	stream.indirect.scatter.add.bf16 [tilespmem:s18], [sflag:$0x6], $0x40, s30, s16, $0xb8;
	[tilespmem:$0x14E60] =	vst v63  }
0x86: {  	_ =	swait.ge [sflag:s25], $0x1400  }
0x87: {  	[sflag:s25] =	ssyncset.done $0x0  }
0x88: {  	s31 =	sadd.s32 $0x1E0, s21;
	[sflag:s25] =	ssyncadd.s32 $0xFFFFEC00  }
0x89: {  	[tilespmem:s18], [sflag:$0x2] =	stream.indirect.gather [hbm4b:s4+s16], $0x40, s31, s16, $0xb8;
	[tilespmem:$0x14E60] =	vst v63  }
0x8a: {  	_ =	swait.ge [sflag:s15], $0x1400  }
0x8b: {  	[sflag:s15] =	ssyncset.done $0x0  }
0x8c: {  	s29 =	sadd.s32 $0x27B0, s21;
	[sflag:s15] =	ssyncadd.s32 $0xFFFFEC00  }
0x8d: {  	[spmem:s2] =	stream.indirect.scatter.add.bf16 [tilespmem:s20], [sflag:$0x6], $0x40, s29, s16, $0xb8;
	[tilespmem:$0x14E60] =	vst v63  }
0x8e: {  	_ =	swait.ge [sflag:s25], $0x1400  }
0x8f: {  	[sflag:s25] =	ssyncset.done $0x0  }
0x90: {  	s30 =	sadd.s32 $0x230, s21;
	[sflag:s25] =	ssyncadd.s32 $0xFFFFEC00  }
0x91: {  	[tilespmem:s20], [sflag:$0x3] =	stream.indirect.gather [hbm4b:s4+s16], $0x40, s30, s16, $0xb8;
	[tilespmem:$0x14E60] =	vst v63  }
0x92: {  	_ =	swait.ge [sflag:s26], $0x1400  }
0x93: {  	[sflag:s26] =	ssyncset.done $0x0  }
0x94: {  	s31 =	sadd.s32 $0x2800, s21;
	[sflag:s26] =	ssyncadd.s32 $0xFFFFEC00  }
0x95: {  	[spmem:s2] =	stream.indirect.scatter.add.bf16 [tilespmem:s22], [sflag:$0x6], $0x40, s31, s16, $0xb8;
	[tilespmem:$0x14E60] =	vst v63  }
0x96: {  	_ =	swait.ge [sflag:s25], $0x1400  }
0x97: {  	[sflag:s25] =	ssyncset.done $0x0  }
0x98: {  	s29 =	sadd.s32 $0x280, s21;
	[sflag:s25] =	ssyncadd.s32 $0xFFFFEC00  }
0x99: {  	[tilespmem:s22], [sflag:$0x4] =	stream.indirect.gather [hbm4b:s4+s16], $0x40, s29, s16, $0xb8;
	[tilespmem:$0x14E60] =	vst v63  }
0x9a: {  	_ =	swait.ge [sflag:s28], $0x1400  }
0x9b: {  	[sflag:s28] =	ssyncset.done $0x0  }
0x9c: {  	s30 =	sadd.s32 $0x2850, s21;
	[sflag:s28] =	ssyncadd.s32 $0xFFFFEC00  }
0x9d: {  	[spmem:s2] =	stream.indirect.scatter.add.bf16 [tilespmem:s23], [sflag:$0x6], $0x40, s30, s16, $0xb8;
	[tilespmem:$0x14E60] =	vst v63  }
0x9e: {  	_ =	swait.ge [sflag:s25], $0x1400  }
0x9f: {  	[sflag:s25] =	ssyncset.done $0x0  }
0xa0: {  	s31 =	simm.s32 $0x26C0;
	[sflag:s25] =	ssyncadd.s32 $0xFFFFEC00  }
0xa1: {  	[tilespmem:s23], [sflag:$0x5] =	stream.indirect.gather [hbm4b:s4+s16], $0x40, s31, s16, $0xb8;
	[tilespmem:$0x14E60] =	vst v63  }
0xa2: {  	_ =	swait.ge [sflag:s13], $0x1400  }
0xa3: {  	[sflag:s13] =	ssyncset.done $0x0  }
0xa4: {  	s21 =	simm.s32 $0x4C90;
	[sflag:s13] =	ssyncadd.s32 $0xFFFFEC00  }
0xa5: {  	[spmem:s2] =	stream.indirect.scatter.add.bf16 [tilespmem:s17], [sflag:$0x6], $0x40, s21, s16, $0xb8;
	[tilespmem:$0x14E60] =	vst v63  }
0xa6: {  	_ =	swait.ge [sflag:s25], $0x1400  }
0xa7: {  	[sflag:s25] =	ssyncset.done $0x0  }
0xa8: {  	[sflag:s25] =	ssyncadd.s32 $0xFFFFEC00  }
0xa9: {  	_ =	swait.ge [sflag:s14], $0x1400  }
0xaa: {  	[sflag:s14] =	ssyncset.done $0x0  }
0xab: {  	s29 =	simm.s32 $0x4CE0;
	[sflag:s14] =	ssyncadd.s32 $0xFFFFEC00  }
0xac: {  	[spmem:s2] =	stream.indirect.scatter.add.bf16 [tilespmem:s18], [sflag:$0x6], $0x40, s29, s16, $0xb8;
	[tilespmem:$0x14E60] =	vst v63  }
0xad: {  	_ =	swait.ge [sflag:s25], $0x1400  }
0xae: {  	[sflag:s25] =	ssyncset.done $0x0  }
0xaf: {  	[sflag:s25] =	ssyncadd.s32 $0xFFFFEC00  }
0xb0: {  	_ =	swait.ge [sflag:s15], $0x1400  }
0xb1: {  	[sflag:s15] =	ssyncset.done $0x0  }
0xb2: {  	s30 =	simm.s32 $0x4D30;
	[sflag:s15] =	ssyncadd.s32 $0xFFFFEC00  }
0xb3: {  	[spmem:s2] =	stream.indirect.scatter.add.bf16 [tilespmem:s20], [sflag:$0x6], $0x40, s30, s16, $0xb8;
	[tilespmem:$0x14E60] =	vst v63  }
0xb4: {  	_ =	swait.ge [sflag:s25], $0x1400  }
0xb5: {  	[sflag:s25] =	ssyncset.done $0x0  }
0xb6: {  	[sflag:s25] =	ssyncadd.s32 $0xFFFFEC00  }
0xb7: {  	_ =	swait.ge [sflag:s26], $0x1400  }
0xb8: {  	[sflag:s26] =	ssyncset.done $0x0  }
0xb9: {  	[sflag:s26] =	ssyncadd.s32 $0xFFFFEC00  }
0xba: {  	[spmem:s2] =	stream.indirect.scatter.add.bf16 [tilespmem:s22], [sflag:$0x6], $0x40, s0, s16, $0xb8;
	[tilespmem:$0x14E60] =	vst v63  }
0xbb: {  	_ =	swait.ge [sflag:s25], $0x1400  }
0xbc: {  	[sflag:s25] =	ssyncset.done $0x0  }
0xbd: {  	[sflag:s25] =	ssyncadd.s32 $0xFFFFEC00  }
0xbe: {  	_ =	swait.ge [sflag:s28], $0x1400  }
0xbf: {  	[sflag:s28] =	ssyncset.done $0x0  }
0xc0: {  	[sflag:s28] =	ssyncadd.s32 $0xFFFFEC00  }
0xc1: {  	[spmem:s2] =	stream.indirect.scatter.add.bf16 [tilespmem:s23], [sflag:$0x6], $0x40, s11, s16, $0xb8;
	[tilespmem:$0x14E60] =	vst v63  }
0xc2: {  	_ =	swait.ge [sflag:s25], $0x1400  }
0xc3: {  	s19 =	sadd.s32 $0x1, s19;
	[sflag:s25] =	ssyncset.done $0x0  }
0xc4: {  	p0 =	sne.s32 s19, s10;
	[sflag:s25] =	ssyncadd.s32 $0xFFFFEC00  }
.Ltmp1:
0xc5: {  	s31 =	sor.u32 $0x1C06, s8;
	[bflag:$0x0] =	sbarrier.arrive $0xFFFF;
	(pc) =	sbr.rel @p0 .LBB2_1-.Ltmp1, $4  }
0xc6: {  	[hbm:s24], [sflag:s31] =	dma.local [spmem:s12], $0x1388  }
0xc7: {  	_ =	swait.ge [sflag:s25], $0x1388  }
0xc8: {  	[sflag:s25] =	ssyncset.done $0x0  }
0xc9: {  	[sflag:s25] =	ssyncadd.s32 $0xFFFFEC78  }
0xca: {  	_ =	sfence.sel $0x180000  }
0xcb: {  	[bflag:$0x0] =	sbarrier.arrive $0xFFFF  }
0xcc: {  	_ =	strace $0x9000004D  }
0xcd: {  	s0 =	stileid.u32;
	[bflag:$0x2] =	sbarrier.arrive $0xFFFF  }
0xce: {  	p0 =	sne.s32 s0, $0x0;
	s0 =	rddreg [dreg:$0x3]  }
0xcf: {  	s0 =	sadd.s32 @!p0 $0x100000, s0  }
0xd0: {  	[sflag:s0] =	ssyncadd.tile.s32 @!p0 $0x1;
	_ =	shalt  }
.Lfunc_end2:
_tile_overlayer_lowered:
.L_overlay_start_2:
0xd1: {  	(tag) =	ssettag $0x2  }
0xd2: {  	s0 =	rddreg [dreg:$0x0];
	s2 =	stileid.u32  }
0xd3: {  	s1 =	rddreg [dreg:$0x1];
	p0 =	sne.s32 s2, $0x0  }
0xd4: {  	s3 =	rddreg [dreg:$0x2];
	[bflag:$0x3] =	sbarrier.arrive $0xFFFF;
	s2 =	simm.s32 @!p0 $0x1C06  }
0xd5: {  	[timem:s3], [sflag:s2] =	dma.local @!p0 [hbm:s0], s1  }
0xd6: {  	s0 =	simm.s32 @!p0 $0x6  }
0xd7: {  	_ =	swait.ge @!p0 [sflag:s0], s1  }
0xd8: {  	s1 =	ssub.s32 @!p0 $0x0, s1;
	[sflag:s0] =	ssyncset.done @!p0 $0x0  }
0xd9: {  	[sflag:s0] =	ssyncadd.s32 @!p0 s1  }
0xda: {  	[bflag:$0x3] =	sbarrier.arrive $0xFFFF  }
0xdb: {  	_ =	shalt  }

// kernel: kernel.9.cloned.1.call-start
scs
__scs_entry_jumppad:
0x0: {  	(pc) =	sbr.rel $0x88, $3  }
0x1: {  	(tag) =	ssettag $0x0;
	lr =	simm.s32 $0x1  }
0x2: {  	[smem:$0x3F9B] =	sst lr;
	_ =	strace $0xD0000000  }
0x3: {  	_ = 	snop  }
0x4: {  	_ = 	snop  }
0x5: {  	_ = 	snop  }
0x6: {  	_ = 	snop  }
0x7: {  	_ = 	snop  }
__scs_overlays_trampoline_lowered:
0x8: {  	[smem:$0x3FAA] =	sst s0  }
0x9: {  	[smem:$0x3FAB] =	sst s1  }
0xa: {  	[smem:$0x3FAC] =	sst s2  }
0xb: {  	[smem:$0x3FAD] =	sst s3  }
0xc: {  	[smem:$0x3FAE] =	sst s4  }
0xd: {  	[smem:$0x3FAF] =	sst s5  }
0xe: {  	[smem:$0x3FB0] =	sst s6  }
0xf: {  	[smem:$0x3FB1] =	sst s7  }
0x10: {  	[smem:$0x3FB2] =	sst s8  }
0x11: {  	[smem:$0x3FB3] =	sst s9;
	s0 =	simm.s32 @!p0 $0x0  }
0x12: {  	s1 =	sld [smem:$0x3F99];
	s0 =	simm.s32 @p0 $0x1  }
0x13: {  	[smem:$0x3FB4] =	sst s0;
	s0 =	simm.s32 @!p1 $0x0  }
0x14: {  	s2 =	sld [smem:$0x3F98];
	s0 =	simm.s32 @p1 $0x1  }
0x15: {  	[smem:$0x3FB5] =	sst s0;
	s0 =	simm.s32 @!p2 $0x0  }
0x16: {  	s3 =	sld [smem:$0x3FDB];
	s0 =	simm.s32 @p2 $0x1  }
0x17: {  	s4 =	simm.s32 $0x1BF5;
	[smem:$0x3FB7] =	sst s0  }
0x18: {  	s0 =	sld [smem:$0x3F9A];
	_ =	swait.ge [sflag:s4], $0x0  }
0x19: {  	s7 =	sld [smem:$0x3F9B]  }
0x1a: {  	s8 =	sadd.s32 $0xFFFFE003, lr  }
0x1b: {  	s9 =	sadd.s32 $0xFFFFFEF7, lr;
	s5 =	simm.s32 $0xFFFFFFFF;
	p2 =	slt.u32 s8, $0xFFFFF086  }
0x1c: {  	p1 =	slt.u32 s9, $0xF7A;
	s5 =	simm.s32 @!p2 $0x0  }
0x1d: {  	s5 =	simm.s32 @p1 $0x1;
	p0 =	seq.s32 s7, s2  }
0x1e: {  	s7 =	smul.u32 @!p0 $0xF7A, s2;
	p2 =	seq.s32 @!p0 s5, $0x0  }
0x1f: {  	s9 =	smul.u32 $0xF7A, s1;
	s8 =	simm.s32 @!p0 $0x1BF5;
	p2 =	por !p2, p0  }
0x20: {  	[sflag:s8] =	ssyncset.s32 @!p0 $0xFFFFF086;
	s6 =	sadd.s32 @!p0 s3, s7;
	s7 =	simm.s32 @!p0 $0x108  }
0x21: {  	s3 =	sadd.s32 s3, s9;
	s6 =	sadd.s32 @!p0 $0x88, s6;
	s7 =	simm.s32 @p2 $0x1082  }
0x22: {  	[simem:s7], [sflag:s8] =	dma.local @!p0 [hbm:s6], $0xF7A  }
0x23: {  	s9 =	sor.u32 $0xD0000000, s2;
	s6 =	simm.s32 $0x108;
	_ =	swait.ge @!p0 [sflag:s8], $0x0  }
0x24: {  	s3 =	sadd.s32 $0x88, s3;
	s6 =	simm.s32 @!p1 $0x1082;
	[sflag:s4] =	ssyncset.s32 $0xFFFFF086  }
0x25: {  	[simem:s6], [sflag:s4] =	dma.local [hbm:s3], $0xF7A  }
0x26: {  	[smem:$0x3F9B] =	sst s1;
	(tag) =	ssettag s2;
	_ =	strace s9  }
0x27: {  	s1 =	sld [smem:$0x3FAB]  }
0x28: {  	s2 =	sld [smem:$0x3FAC]  }
0x29: {  	s4 =	sld [smem:$0x3FAE]  }
0x2a: {  	p0 =	seq.s32 s5, $0x0;
	s5 =	sld [smem:$0x3FAF]  }
0x2b: {  	s6 =	sld [smem:$0x3FB0]  }
0x2c: {  	s7 =	sld [smem:$0x3FB1]  }
0x2d: {  	s3 =	simm.s32 $0x108;
	s8 =	sld [smem:$0x3FB2]  }
0x2e: {  	s3 =	simm.s32 @!p0 $0x1082;
	s9 =	sld [smem:$0x3FB3]  }
0x2f: {  	lr =	sadd.s32 s0, s3;
	s0 =	sld [smem:$0x3FAA]  }
0x30: {  	s3 =	sld [smem:$0x3FAD]  }
0x31: {  	[smem:$0x3FB6] =	sst s10  }
0x32: {  	s10 =	sld [smem:$0x3FB4];
	_ =	sdelay $0x3  }
0x33: {  	p0 =	seq.s32 s10, $0x1;
	s10 =	sld [smem:$0x3FB6];
	_ =	sdelay $0x3  }
0x34: {  	[smem:$0x3FB6] =	sst s10  }
0x35: {  	s10 =	sld [smem:$0x3FB5];
	_ =	sdelay $0x3  }
0x36: {  	p1 =	seq.s32 s10, $0x1;
	s10 =	sld [smem:$0x3FB6];
	_ =	sdelay $0x3  }
0x37: {  	[smem:$0x3FB6] =	sst s10  }
0x38: {  	s10 =	sld [smem:$0x3FB7]  }
0x39: {  	_ = 	snop;
	(pc) =	sbr.ind lr, $3  }
0x3a: {  	_ = 	snop  }
0x3b: {  	_ = 	snop  }
0x3c: {  	p2 =	seq.s32 s10, $0x1;
	s10 =	sld [smem:$0x3FB6]  }
0x3d: {  	_ =	shalt  }
0x3e: {  	_ =	shalt  }
0x3f: {  	_ =	shalt  }
0x40: {  	_ =	shalt  }
0x41: {  	_ =	shalt  }
0x42: {  	_ =	shalt  }
0x43: {  	_ =	shalt  }
0x44: {  	_ =	shalt  }
0x45: {  	_ =	shalt  }
0x46: {  	_ =	shalt  }
0x47: {  	_ =	shalt  }
0x48: {  	_ =	shalt  }
0x49: {  	_ =	shalt  }
0x4a: {  	_ =	shalt  }
0x4b: {  	_ =	shalt  }
0x4c: {  	_ =	shalt  }
0x4d: {  	_ =	shalt  }
0x4e: {  	_ =	shalt  }
0x4f: {  	_ =	shalt  }
0x50: {  	_ =	shalt  }
0x51: {  	_ =	shalt  }
0x52: {  	_ =	shalt  }
0x53: {  	_ =	shalt  }
0x54: {  	_ =	shalt  }
0x55: {  	_ =	shalt  }
0x56: {  	_ =	shalt  }
0x57: {  	_ =	shalt  }
0x58: {  	_ =	shalt  }
0x59: {  	_ =	shalt  }
0x5a: {  	_ =	shalt  }
0x5b: {  	_ =	shalt  }
0x5c: {  	_ =	shalt  }
0x5d: {  	_ =	shalt  }
0x5e: {  	_ =	shalt  }
0x5f: {  	_ =	shalt  }
0x60: {  	_ =	shalt  }
0x61: {  	_ =	shalt  }
0x62: {  	_ =	shalt  }
0x63: {  	_ =	shalt  }
0x64: {  	_ =	shalt  }
0x65: {  	_ =	shalt  }
0x66: {  	_ =	shalt  }
0x67: {  	_ =	shalt  }
0x68: {  	_ =	shalt  }
0x69: {  	_ =	shalt  }
0x6a: {  	_ =	shalt  }
0x6b: {  	_ =	shalt  }
0x6c: {  	_ =	shalt  }
0x6d: {  	_ =	shalt  }
0x6e: {  	_ =	shalt  }
0x6f: {  	_ =	shalt  }
0x70: {  	_ =	shalt  }
0x71: {  	_ =	shalt  }
0x72: {  	_ =	shalt  }
0x73: {  	_ =	shalt  }
0x74: {  	_ =	shalt  }
0x75: {  	_ =	shalt  }
0x76: {  	_ =	shalt  }
0x77: {  	_ =	shalt  }
0x78: {  	_ =	shalt  }
0x79: {  	_ =	shalt  }
0x7a: {  	_ =	shalt  }
0x7b: {  	_ =	shalt  }
0x7c: {  	_ =	shalt  }
0x7d: {  	_ =	shalt  }
0x7e: {  	_ =	shalt  }
0x7f: {  	_ =	shalt  }
0x80: {  	_ =	shalt  }
0x81: {  	_ =	shalt  }
0x82: {  	_ =	shalt  }
0x83: {  	_ =	shalt  }
0x84: {  	_ =	shalt  }
0x85: {  	_ =	shalt  }
0x86: {  	_ =	shalt  }
0x87: {  	_ =	shalt  }
.Lfunc_end0:
.L_simem_size_0:
called_computation_lowered:
.L_overlay_start_0:
0x88: {  	s2 =	sld [smem:$0x3FD9]  }
0x89: {  	s3 =	sld [smem:$0x3FFE];
	_ =	sdelay $0x1  }
0x8a: {  	s1 =	srdreg.scid  }
0x8b: {  	s0 =	sand.u32 $0x1, s1  }
0x8c: {  	s17 =	sshll.u32 s0, $0xA;
	s2 =	sadd.s32 s3, s2  }
0x8d: {  	s2 =	sadd.s32 s2, s17  }
0x8e: {  	[smem:$0x3FC2] =	sst s2  }
0x8f: {  	_ = 	snop  }
0x90: {  	s2 =	sld [smem:$0x3FD0];
	(tm) =	ssettm $0x1  }
0x91: {  	s18 =	sld [smem:$0x3FFB];
	_ =	sdelay $0x3  }
0x92: {  	_ =	strace s18  }
0x93: {  	s3 =	sld [smem:$0x3FFC];
	_ =	sdelay $0x3  }
0x94: {  	_ =	strace s3  }
0x95: {  	s3 =	sld [smem:$0x3FFD];
	_ =	sdelay $0x3  }
0x96: {  	_ =	strace s3  }
0x97: {  	_ =	strace $0x8FFFFFFF  }
0x98: {  	s19 =	sld [smem:$0x3FDB];
	_ =	sdelay $0x1  }
0x99: {  	s4 =	simm.s32 $_scs_section_size  }
0x9a: {  	s5 =	simm.s32 $_size__tile_overlayer_lowered;
	s6 =	simm.s32 $_tile_overlayer_lowered  }
0x9b: {  	s22 =	simm.s32 $0x1BFF;
	s21 =	sshll.u32 s6, $0x1;
	s3 =	sadd.s32 s4, s19  }
0x9c: {  	s7 =	simm.s32 $0x0;
	s20 =	sshll.u32 s5, $0x1;
	s5 =	sadd.s32 s21, s3  }
0x9d: {  	[timem:s7], [sflag:s22] =	dma.local [hbm:s5], s20  }
0x9e: {  	_ =	swait.ge [sflag:s22], s20  }
0x9f: {  	s4 =	ssub.s32 $0x0, s20;
	[sflag:s22] =	ssyncset.done $0x0  }
0xa0: {  	[sflag:s22] =	ssyncadd.s32 s4;
	_ =	sdelay $0x1  }
0xa1: {  	s23 =	simm.s32 $0x1B8B  }
0xa2: {  	_ =	swait.ge [sflag:s23], $0x1  }
0xa3: {  	[sflag:s23] =	ssyncset.done $0x0  }
0xa4: {  	s25 =	simm.s32 $0x1B8E;
	s24 =	sld [smem:$0x3FFE];
	[sflag:s23] =	ssyncadd.s32 $0xFFFFFFFF  }
0xa5: {  	s26 =	simm.s32 $execute0_lowered;
	[smem:$0x3FD2] =	sst s25  }
0xa6: {  	s5 =	sshll.u32 s26, $0x1;
	_ =	strace $0x80000046;
	[dreg:$0x1] =	wrdreg $0xFFFFFFFF  }
0xa7: {  	s28 =	simm.s32 $_size_execute0_lowered;
	s3 =	sadd.s32 s3, s5;
	[dreg:$0x0] =	wrdreg $0x0  }
0xa8: {  	s5 =	sshll.u32 s28, $0x1;
	[dreg:$0x2] =	wrdreg s3  }
0xa9: {  	[dreg:$0x3] =	wrdreg s5  }
0xaa: {  	[dreg:$0x4] =	wrdreg $0xC0  }
0xab: {  	_ =	task [dreg:s7], $0x5FFFF  }
0xac: {  	[dreg:$0x1] =	wrdreg $0xFFFFFFFF  }
0xad: {  	[dreg:$0x0] =	wrdreg $0x60  }
0xae: {  	[dreg:$0x2] =	wrdreg s24  }
0xaf: {  	[dreg:$0x3] =	wrdreg s2  }
0xb0: {  	[dreg:$0x4] =	wrdreg $0x29900  }
0xb1: {  	[dreg:$0x5] =	wrdreg $0x9  }
0xb2: {  	_ =	task.clear_ibuf [dreg:s7], $0x6FFFF;
	_ =	strace $0x90000046  }
0xb3: {  	s29 =	simm.s32 $0x9;
	_ =	strace $0x80000048  }
0xb4: {  	_ =	swait.ge [sflag:s29], $0x1  }
0xb5: {  	[sflag:s29] =	ssyncadd.s32 $0xFFFFFFFF  }
0xb6: {  	_ =	strace $0x90000048  }
0xb7: {  	_ =	sfence  }
0xb8: {  	s30 =	sld [smem:$0x0];
	_ =	sdelay $0x2  }
0xb9: {  	s31 =	sshll.u32 s1, $0xD;
	s1 =	sshrl.u32 s1, $0x2  }
0xba: {  	s3 =	sand.u32 $0x4000, s31;
	s1 =	sadd.s32 s1, s30  }
0xbb: {  	s0 =	sor.u32 s3, s0;
	s1 =	sshll.u32 s1, $0x11  }
0xbc: {  	s0 =	sor.u32 s1, s0  }
0xbd: {  	s0 =	sadd.s32 $0x8F2B, s0  }
0xbe: {  	[sflag:s0] =	ssyncadd.remote.s32 $0x1  }
0xbf: {  	_ =	sfence.sel $0xFFFF  }
0xc0: {  	[dreg:$0x0] =	wrdreg $0xFFFFFFFF;
	(pc) =	sbr.abs _section_cstart, $3  }
0xc1: {  	[dreg:$0x1] =	wrdreg $0xFFFFFFFF  }
0xc2: {  	_ =	task.clear_ibuf [dreg:s7], $0x2FFFF;
	_ =	strace $0x9FFFFFFF  }
0xc3: {  	(tm) =	ssettm $0x7FFFFFFF  }
tec
execute0_lowered:
.L_overlay_start_1:
0x0: {  	(tag) =	ssettag $0x1  }
0x1: {  	s5 =	rddreg [dreg:$0x0]  }
0x2: {  	s1 =	srdreg.scid;
	s2 =	rddreg [dreg:$0x1]  }
0x3: {  	s0 =	stileid.u32;
	s3 =	rddreg [dreg:$0x2]  }
0x4: {  	s4 =	simm.s32 $0x0;
	s11 =	simm.s32 $0x1;
	s12 =	simm.s32 $0x50  }
0x5: {  	s16 =	simm.s32 $0x2;
	s17 =	simm.s32 $0x0;
	s6 =	sand.u32 $0x1, s1  }
0x6: {  	s30 =	sshll.u32 s0, $0x1;
	s1 =	rddreg [dreg:$0x3];
	s10 =	smul.u32 $0x1388, s0  }
0x7: {  	[smem:$0x7FF] =	sst s4;
	s14 =	sshll.u32 s0, $0x6;
	s15 =	smul.u32 $0x2710, s0  }
0x8: {  	s7 =	sor.u32 s6, s30;
	s8 =	smul.u32 $0x27100, s6;
	s6 =	ssub.s32 $0x2, s6  }
0x9: {  	_ =	strace $0x80000047;
	s7 =	smul.u32 $0x4E2, s7;
	s9 =	sshrl.u32 s6, $0x1  }
0xa: {  	s31 =	sshrl.u32 s10, $0x3;
	s10 =	sadd.s32 s10, s3;
	s8 =	sadd.s32 s8, s5  }
0xb: {  	s9 =	ssub.s32 s6, s9;
	s6 =	sadd.s32 s2, s31;
	s10 =	sshrl.u32 s10, $0x3  }
0xc: {  	s7 =	sadd.s32 s7, s5;
	s13 =	sadd.s32 $0x15800, s8;
	s8 =	smax.u32 s9, $0x1  }
0xd: {  	s9 =	simm.s32 $0x2710;
	s5 =	sadd.s32 $0xBA40, s7;
	s7 =	sor.u32 $0x1C01, s14  }
0xe: {  	s13 =	sadd.s32 s15, s13;
	s14 =	sor.u32 $0x1C02, s14;
	s15 =	simm.s32 $0x10  }
.LBB2_1:
0xf: {  	[tilespmem:s4], [sflag:$0x1] =	stream.linear.gather [hbm4b:s5+s4], $0x2710, $0x38;
	[tilespmem:$0x3D18] =	vst v63  }
0x10: {  	_ = 	snop  }
0x11: {  	[tilespmem:s9], [sflag:$0x1] =	stream.linear.gather [hbm4b:s2+s4], $0x280, $0x38;
	[tilespmem:$0x3D18] =	vst v63  }
0x12: {  	[spmem:s10], [sflag:s7] =	dma.local [hbm:s6], $0x271  }
0x13: {  	_ =	swait.ge [sflag:s11], $0x2710  }
0x14: {  	[sflag:s11] =	ssyncset.done $0x0  }
0x15: {  	[sflag:s11] =	ssyncadd.s32 $0xFFFFD8F0  }
0x16: {  	_ =	swait.ge [sflag:s11], $0x280  }
0x17: {  	[sflag:s11] =	ssyncset.done $0x0  }
0x18: {  	[sflag:s11] =	ssyncadd.s32 $0xFFFFFD80  }
0x19: {  	_ =	swait.ge [sflag:s11], $0x271  }
0x1a: {  	[sflag:s11] =	ssyncset.done $0x0  }
0x1b: {  	[sflag:s11] =	ssyncadd.s32 $0xFFFFFD8F  }
0x1c: {  	s18 =	simm.s32 $0x0;
	[bflag:$0x0] =	sbarrier.arrive $0xFFFF  }
0x1d: {  	[spmem:s3] =	stream.indirect.scatter.add.f32 [tilespmem:s9], [sflag:$0x1], $0x8, s18, s12, $0xb8;
	[tilespmem:$0x3D18] =	vst v63  }
0x1e: {  	s28 =	simm.s32 $0x50  }
0x1f: {  	[spmem:s3] =	stream.indirect.scatter.add.f32 [tilespmem:s9], [sflag:$0x1], $0x8, s28, s12, $0xb8;
	[tilespmem:$0x3D18] =	vst v63  }
0x20: {  	s29 =	simm.s32 $0xA0  }
0x21: {  	[spmem:s3] =	stream.indirect.scatter.add.f32 [tilespmem:s9], [sflag:$0x1], $0x8, s29, s12, $0xb8;
	[tilespmem:$0x3D18] =	vst v63  }
0x22: {  	s30 =	simm.s32 $0xF0  }
0x23: {  	[spmem:s3] =	stream.indirect.scatter.add.f32 [tilespmem:s9], [sflag:$0x1], $0x8, s30, s12, $0xb8;
	[tilespmem:$0x3D18] =	vst v63  }
0x24: {  	s31 =	simm.s32 $0x140  }
0x25: {  	[spmem:s3] =	stream.indirect.scatter.add.f32 [tilespmem:s9], [sflag:$0x1], $0x8, s31, s12, $0xb8;
	[tilespmem:$0x3D18] =	vst v63  }
0x26: {  	_ =	swait.ge [sflag:s11], $0x280  }
0x27: {  	[sflag:s11] =	ssyncset.done $0x0  }
0x28: {  	[sflag:s11] =	ssyncadd.s32 $0xFFFFFD80  }
0x29: {  	_ =	swait.ge [sflag:s11], $0x280  }
0x2a: {  	[sflag:s11] =	ssyncset.done $0x0  }
0x2b: {  	[sflag:s11] =	ssyncadd.s32 $0xFFFFFD80  }
0x2c: {  	_ =	swait.ge [sflag:s11], $0x280  }
0x2d: {  	[sflag:s11] =	ssyncset.done $0x0  }
0x2e: {  	[sflag:s11] =	ssyncadd.s32 $0xFFFFFD80  }
0x2f: {  	_ =	swait.ge [sflag:s11], $0x280  }
0x30: {  	[sflag:s11] =	ssyncset.done $0x0  }
0x31: {  	[sflag:s11] =	ssyncadd.s32 $0xFFFFFD80  }
0x32: {  	_ =	swait.ge [sflag:s11], $0x280  }
0x33: {  	s19 =	simm.s32 $0xC80;
	s18 =	simm.s32 $0x640;
	[sflag:s11] =	ssyncset.done $0x0  }
.LBB2_2:
0x34: {  	s20 =	sshra.s32 s18, $0x2  }
0x35: {  	[sflag:s11] =	ssyncadd.s32 $0xFFFFFD80;
	s18 =	smov.u32 s19;
	s21 =	sadd.s32 $0x640, s19  }
0x36: {  	[spmem:s3] =	stream.indirect.scatter.add.f32 [tilespmem:s9], [sflag:$0x1], $0x8, s20, s12, $0xb8;
	[tilespmem:$0x3D18] =	vst v63  }
0x37: {  	p0 =	sne.s32 s19, $0x9600;
	s19 =	sadd.s32 $0x50, s20  }
0x38: {  	[spmem:s3] =	stream.indirect.scatter.add.f32 [tilespmem:s9], [sflag:$0x1], $0x8, s19, s12, $0xb8;
	[tilespmem:$0x3D18] =	vst v63  }
0x39: {  	s19 =	sadd.s32 $0xA0, s20  }
0x3a: {  	[spmem:s3] =	stream.indirect.scatter.add.f32 [tilespmem:s9], [sflag:$0x1], $0x8, s19, s12, $0xb8;
	[tilespmem:$0x3D18] =	vst v63  }
0x3b: {  	s19 =	sadd.s32 $0xF0, s20  }
0x3c: {  	[spmem:s3] =	stream.indirect.scatter.add.f32 [tilespmem:s9], [sflag:$0x1], $0x8, s19, s12, $0xb8;
	[tilespmem:$0x3D18] =	vst v63  }
0x3d: {  	s19 =	sadd.s32 $0x140, s20  }
0x3e: {  	[spmem:s3] =	stream.indirect.scatter.add.f32 [tilespmem:s9], [sflag:$0x1], $0x8, s19, s12, $0xb8;
	[tilespmem:$0x3D18] =	vst v63  }
0x3f: {  	_ =	swait.ge [sflag:s11], $0x280  }
0x40: {  	[sflag:s11] =	ssyncset.done $0x0  }
0x41: {  	[sflag:s11] =	ssyncadd.s32 $0xFFFFFD80  }
0x42: {  	_ =	swait.ge [sflag:s11], $0x280  }
0x43: {  	[sflag:s11] =	ssyncset.done $0x0  }
0x44: {  	[sflag:s11] =	ssyncadd.s32 $0xFFFFFD80  }
0x45: {  	_ =	swait.ge [sflag:s11], $0x280  }
0x46: {  	[sflag:s11] =	ssyncset.done $0x0  }
0x47: {  	[sflag:s11] =	ssyncadd.s32 $0xFFFFFD80  }
.Ltmp0:
0x48: {  	_ =	swait.ge [sflag:s11], $0x280;
	(pc) =	sbr.rel @p0 .LBB2_2-.Ltmp0, $4  }
0x49: {  	[sflag:s11] =	ssyncset.done $0x0  }
0x4a: {  	[sflag:s11] =	ssyncadd.s32 $0xFFFFFD80  }
0x4b: {  	_ =	swait.ge [sflag:s11], $0x280  }
0x4c: {  	s19 =	smov.u32 s21;
	[sflag:s11] =	ssyncset.done $0x0  }
0x4d: {  	s18 =	sshra.s32 s18, $0x2;
	[sflag:s11] =	ssyncadd.s32 $0xFFFFFD80  }
0x4e: {  	[spmem:s3] =	stream.indirect.scatter.add.f32 [tilespmem:s9], [sflag:$0x1], $0x8, s18, s12, $0xb8;
	[tilespmem:$0x3D18] =	vst v63  }
0x4f: {  	s19 =	sadd.s32 $0x50, s18  }
0x50: {  	[spmem:s3] =	stream.indirect.scatter.add.f32 [tilespmem:s9], [sflag:$0x1], $0x8, s19, s12, $0xb8;
	[tilespmem:$0x3D18] =	vst v63  }
0x51: {  	s30 =	sadd.s32 $0xA0, s18  }
0x52: {  	[spmem:s3] =	stream.indirect.scatter.add.f32 [tilespmem:s9], [sflag:$0x1], $0x8, s30, s12, $0xb8;
	[tilespmem:$0x3D18] =	vst v63  }
0x53: {  	s31 =	sadd.s32 $0xF0, s18  }
0x54: {  	[spmem:s3] =	stream.indirect.scatter.add.f32 [tilespmem:s9], [sflag:$0x1], $0x8, s31, s12, $0xb8;
	[tilespmem:$0x3D18] =	vst v63  }
0x55: {  	s18 =	sadd.s32 $0x140, s18  }
0x56: {  	[spmem:s3] =	stream.indirect.scatter.add.f32 [tilespmem:s9], [sflag:$0x1], $0x8, s18, s12, $0xb8;
	[tilespmem:$0x3D18] =	vst v63  }
0x57: {  	_ =	swait.ge [sflag:s11], $0x280  }
0x58: {  	[sflag:s11] =	ssyncset.done $0x0  }
0x59: {  	[sflag:s11] =	ssyncadd.s32 $0xFFFFFD80  }
0x5a: {  	_ =	swait.ge [sflag:s11], $0x280  }
0x5b: {  	[sflag:s11] =	ssyncset.done $0x0  }
0x5c: {  	[sflag:s11] =	ssyncadd.s32 $0xFFFFFD80  }
0x5d: {  	_ =	swait.ge [sflag:s11], $0x280  }
0x5e: {  	[sflag:s11] =	ssyncset.done $0x0  }
0x5f: {  	[sflag:s11] =	ssyncadd.s32 $0xFFFFFD80  }
0x60: {  	_ =	swait.ge [sflag:s11], $0x280  }
0x61: {  	[sflag:s11] =	ssyncset.done $0x0  }
0x62: {  	[sflag:s11] =	ssyncadd.s32 $0xFFFFFD80  }
0x63: {  	_ =	swait.ge [sflag:s11], $0x280  }
0x64: {  	s17 =	sadd.s32 $0x1, s17;
	[sflag:s11] =	ssyncset.done $0x0  }
0x65: {  	p0 =	sne.s32 s17, s8;
	[sflag:s11] =	ssyncadd.s32 $0xFFFFFD80  }
.Ltmp1:
0x66: {  	[bflag:$0x0] =	sbarrier.arrive $0xFFFF;
	(pc) =	sbr.rel @p0 .LBB2_1-.Ltmp1, $4  }
0x67: {  	[hbm:s13@s15], [sflag:s14] =	dma.strided [spmem:s10@s11], $0x271, s11, $0x1   }
0x68: {  	_ =	swait.ge [sflag:s16], $0x271  }
0x69: {  	[sflag:s16] =	ssyncset.done $0x0  }
0x6a: {  	[sflag:s16] =	ssyncadd.s32 $0xFFFFFD8F  }
0x6b: {  	_ =	sfence.sel $0x180000  }
0x6c: {  	[bflag:$0x0] =	sbarrier.arrive $0xFFFF  }
0x6d: {  	p0 =	sne.s32 s0, $0x0;
	_ =	strace $0x90000047  }
0x6e: {  	s0 =	sadd.s32 @!p0 $0x100000, s1;
	[bflag:$0x2] =	sbarrier.arrive $0xFFFF  }
0x6f: {  	[sflag:s0] =	ssyncadd.tile.s32 @!p0 $0x1;
	_ =	shalt  }
.Lfunc_end2:
_tile_overlayer_lowered:
.L_overlay_start_2:
0x70: {  	(tag) =	ssettag $0x2  }
0x71: {  	s0 =	rddreg [dreg:$0x0];
	s2 =	stileid.u32  }
0x72: {  	s1 =	rddreg [dreg:$0x1];
	p0 =	sne.s32 s2, $0x0  }
0x73: {  	s3 =	rddreg [dreg:$0x2];
	[bflag:$0x3] =	sbarrier.arrive $0xFFFF;
	s2 =	simm.s32 @!p0 $0x1C02  }
0x74: {  	[timem:s3], [sflag:s2] =	dma.local @!p0 [hbm:s0], s1  }
0x75: {  	s0 =	simm.s32 @!p0 $0x2  }
0x76: {  	_ =	swait.ge @!p0 [sflag:s0], s1  }
0x77: {  	s1 =	ssub.s32 @!p0 $0x0, s1;
	[sflag:s0] =	ssyncset.done @!p0 $0x0  }
0x78: {  	[sflag:s0] =	ssyncadd.s32 @!p0 s1  }
0x79: {  	[bflag:$0x3] =	sbarrier.arrive $0xFFFF  }
0x7a: {  	_ =	shalt  }

</sc_bundles>
